<compile_context>
chip_gen: v7x
topology: tpu7x:2x2x1
jax: 0.10.2.dev20260603
libtpu: 0.0.44.dev20260713+nightly
codegen_flags: <defaults>
</compile_context>

<pallas_src>
import dataclasses
import functools

import jax
import jax.numpy as jnp
from jax import lax
from jax.experimental import pallas as pl
from jax.experimental.pallas import tpu as pltpu
from jax.experimental.pallas import tpu_sc as plsc

E = 4
V = 100000
D = 128
B = 4096
L = 20
NT = E * B * L
NW = 32
PER_W = NT // NW
C = 128
NCH = PER_W // C
LANES = 16

_mesh = plsc.VectorSubcoreMesh(core_axis_name="c", subcore_axis_name="s")

_cp = pltpu.CompilerParams()
if "needs_layout_passes" in pltpu.CompilerParams.__dataclass_fields__:
    _cp = dataclasses.replace(_cp, needs_layout_passes=False)
if "use_tc_tiling_on_sc" in pltpu.CompilerParams.__dataclass_fields__:
    _cp = dataclasses.replace(_cp, use_tc_tiling_on_sc=True)


@functools.partial(
    pl.kernel,
    out_type=jax.ShapeDtypeStruct((NT, D), jnp.float32),
    mesh=_mesh,
    compiler_params=_cp,
    scratch_types=[
        pltpu.VMEM((PER_W,), jnp.int32),
        pltpu.VMEM((PER_W,), jnp.int32),
        pltpu.VMEM((C, D), jnp.float32),
        pltpu.VMEM((C, D), jnp.float32),
        pltpu.VMEM((C, D), jnp.float32),
        pltpu.VMEM((C, D), jnp.float32),
        pltpu.VMEM((C,), jnp.float32),
        pltpu.VMEM((C,), jnp.float32),
        pltpu.VMEM((C,), jnp.float32),
        pltpu.VMEM((C,), jnp.float32),
        pltpu.VMEM((D,), jnp.float32),
        pltpu.SemaphoreType.DMA,
        pltpu.SemaphoreType.DMA,
        pltpu.SemaphoreType.DMA,
        pltpu.SemaphoreType.DMA,
        pltpu.SemaphoreType.DMA,
        pltpu.SemaphoreType.DMA,
        pltpu.SemaphoreType.DMA,
        pltpu.SemaphoreType.DMA,
        pltpu.SemaphoreType.DMA,
        pltpu.SemaphoreType.DMA,
        pltpu.SemaphoreType.DMA,
        pltpu.SemaphoreType.DMA,
    ],
)
def _sc_embed(idx_hbm, w_hbm, rflat_hbm, s_hbm, out_hbm,
              idx_all, idxr_all, rows0, rows1, rows2, rows3,
              rv0, rv1, rv2, rv3, s_v,
              rsem0, rsem1, rsem2, rsem3,
              vsem0, vsem1, vsem2, vsem3,
              ssem0, ssem1, ssem2, ssem3):
    rows = (rows0, rows1, rows2, rows3)
    rv = (rv0, rv1, rv2, rv3)
    rsem = (rsem0, rsem1, rsem2, rsem3)
    vsem = (vsem0, vsem1, vsem2, vsem3)
    ssem = (ssem0, ssem1, ssem2, ssem3)

    wid = lax.axis_index("s") * 2 + lax.axis_index("c")
    base = wid * PER_W
    e = wid // (NW // E)

    pltpu.sync_copy(idx_hbm.at[pl.ds(base, PER_W)], idx_all)
    pltpu.sync_copy(s_hbm.at[e], s_v)

    eoffv = jnp.full((LANES,), e * V, jnp.int32)

    @plsc.parallel_loop(0, PER_W, step=LANES, unroll=4)
    def _(t):
        sl = pl.ds(t, LANES)
        idxr_all[sl] = idx_all[sl] + eoffv

    s_regs = [s_v[pl.ds(jj * LANES, LANES)] for jj in range(D // LANES)]

    def issue(g, b):
        sl = pl.ds(g * C, C)
        pltpu.async_copy(w_hbm.at[idx_all.at[sl]], rows[b], rsem[b])
        pltpu.async_copy(rflat_hbm.at[idxr_all.at[sl]], rv[b], vsem[b])

    def wait(g, b):
        sl = pl.ds(g * C, C)
        pltpu.make_async_copy(w_hbm.at[idx_all.at[sl]], rows[b], rsem[b]).wait()
        pltpu.make_async_copy(rflat_hbm.at[idxr_all.at[sl]], rv[b], vsem[b]).wait()

    def compute(b):
        rows_b = rows[b]
        rv_b = rv[b]

        @plsc.parallel_loop(0, C, unroll=8)
        def _(i):
            rvb = plsc.load_gather(rv_b, [jnp.full((LANES,), i, jnp.int32)])
            for jj in range(D // LANES):
                sl = pl.ds(jj * LANES, LANES)
                rows_b[i, sl] = rows_b[i, sl] * rvb * s_regs[jj]

    def store(g, b):
        pltpu.async_copy(rows[b], out_hbm.at[pl.ds(base + g * C, C)], ssem[b])

    def wait_store(g, b):
        pltpu.make_async_copy(
            rows[b], out_hbm.at[pl.ds(base + g * C, C)], ssem[b]).wait()

    issue(0, 0)
    issue(1, 1)
    issue(2, 2)

    @pl.loop(0, NCH, step=4)
    def _(g0):
        for b in range(4):
            g = g0 + b

            @pl.when(g >= 1)
            def _():
                wait_store(g - 1, (b - 1) % 4)

            @pl.when(g + 3 < NCH)
            def _():
                issue(g + 3, (b + 3) % 4)

            wait(g, b)
            compute(b)
            store(g, b)

    wait_store(NCH - 1, 3)


def kernel(indices, weight, r, s):
    idx_flat = indices.transpose(0, 2, 1).reshape(NT)
    r_flat = r.reshape(-1)
    out = _sc_embed(idx_flat, weight, r_flat, s)
    return out.reshape(E, L, B, D).transpose(0, 2, 1, 3)

# --- scband reference (transcript-rebuilt; emitter-appended) ---
"""Pipeline reference for scband-batch-embedding-60962765799815 (READ-ONLY COPY).

The authoritative reference and input builder live on the scoring server;
editing this copy changes nothing except your own understanding.
"""

import jax, jax.numpy as jnp
import numpy as np
import math

ENSEMBLE_SIZE = 4
NUM_EMBEDDINGS = 100000
EMBEDDING_DIM = 128


def setup_inputs(seed: int = 0) -> dict:
    key = jax.random.key(seed)
    k_idx, k_w, k_r, k_s = jax.random.split(key, 4)
    indices = jax.random.randint(k_idx, (ENSEMBLE_SIZE, 4096, 20), 0, NUM_EMBEDDINGS, dtype=jnp.int64 if jax.config.jax_enable_x64 else jnp.int32).astype(jnp.int32)
    # reset_parameters: fan computed on weight.T with mode='fan_in' -> fan_in of [D, V] matrix = V... torch's
    # _calculate_correct_fan on weight.T [D, V] with fan_in gives V? It gives size(1)=V for 2D. gain=sqrt(2).
    fan = NUM_EMBEDDINGS
    gain = math.sqrt(2.0)
    std = gain / math.sqrt(fan)
    weight = std * jax.random.normal(k_w, (NUM_EMBEDDINGS, EMBEDDING_DIM), dtype=jnp.float32)
    r = 1.0 + std * jax.random.normal(k_r, (ENSEMBLE_SIZE, NUM_EMBEDDINGS), dtype=jnp.float32)
    s = 1.0 + std * jax.random.normal(k_s, (ENSEMBLE_SIZE, EMBEDDING_DIM), dtype=jnp.float32)
    return {"indices": indices, "weight": weight, "r": r, "s": s}


def reference(indices, weight, r, s):
    # BatchEnsemble embedding lookup:
    #   out[e, b, l, :] = weight[indices[e,b,l], :] * r[e, indices[e,b,l]] * s[e, :]
    E, B, L = indices.shape
    emb = jnp.take(weight, indices, axis=0)  # [E, B, L, D]
    r_gathered = jnp.take_along_axis(r, indices.reshape(E, B * L), axis=1).reshape(E, B, L)  # [E, B, L]
    out = emb * r_gathered[..., None] * s[:, None, None, :]
    return out


if False:  # reference __main__ guard neutralized (emitter)
    inp = setup_inputs()
    out = reference(**inp)
    print(out.shape, out.dtype)

if __name__ == "__main__":
    import jax
    _d = setup_inputs()
    print(jax.jit(kernel)(*tuple(_d.values())))

</pallas_src>

<mosaic_0001>
#map = affine_map<(d0, d1) -> (0)>
#map1 = affine_map<(d0, d1) -> (0, 0)>
module attributes {stable_mosaic.version = 14 : i64} {
  func.func @_sc_embed(%arg0: i32, %arg1: i32, %arg2: memref<327680xi32, #tpu.memory_space<hbm>>, %arg3: memref<100000x128xf32, #tpu.memory_space<hbm>>, %arg4: memref<400000xf32, #tpu.memory_space<hbm>>, %arg5: memref<4x128xf32, #tpu.memory_space<hbm>>, %arg6: memref<327680x128xf32, #tpu.memory_space<hbm>>, %arg7: memref<10240xi32, #tpu.memory_space<vmem>>, %arg8: memref<10240xi32, #tpu.memory_space<vmem>>, %arg9: memref<128x128xf32, #tpu.memory_space<vmem>>, %arg10: memref<128x128xf32, #tpu.memory_space<vmem>>, %arg11: memref<128x128xf32, #tpu.memory_space<vmem>>, %arg12: memref<128x128xf32, #tpu.memory_space<vmem>>, %arg13: memref<128xf32, #tpu.memory_space<vmem>>, %arg14: memref<128xf32, #tpu.memory_space<vmem>>, %arg15: memref<128xf32, #tpu.memory_space<vmem>>, %arg16: memref<128xf32, #tpu.memory_space<vmem>>, %arg17: memref<128xf32, #tpu.memory_space<vmem>>, %arg18: memref<!tpu.dma_semaphore, #tpu.memory_space<semaphore_mem>>, %arg19: memref<!tpu.dma_semaphore, #tpu.memory_space<semaphore_mem>>, %arg20: memref<!tpu.dma_semaphore, #tpu.memory_space<semaphore_mem>>, %arg21: memref<!tpu.dma_semaphore, #tpu.memory_space<semaphore_mem>>, %arg22: memref<!tpu.dma_semaphore, #tpu.memory_space<semaphore_mem>>, %arg23: memref<!tpu.dma_semaphore, #tpu.memory_space<semaphore_mem>>, %arg24: memref<!tpu.dma_semaphore, #tpu.memory_space<semaphore_mem>>, %arg25: memref<!tpu.dma_semaphore, #tpu.memory_space<semaphore_mem>>, %arg26: memref<!tpu.dma_semaphore, #tpu.memory_space<semaphore_mem>>, %arg27: memref<!tpu.dma_semaphore, #tpu.memory_space<semaphore_mem>>, %arg28: memref<!tpu.dma_semaphore, #tpu.memory_space<semaphore_mem>>, %arg29: memref<!tpu.dma_semaphore, #tpu.memory_space<semaphore_mem>>) attributes {dimension_semantics = [#tpu.dimension_semantics<core_parallel>, #tpu.dimension_semantics<subcore_parallel>], iteration_bounds = array<i64: 2, 16>, scalar_prefetch = 0 : i64, scratch_operands = 23 : i64, tpu.core_type = #tpu.core_type<sc_vector_subcore>, window_params = [{transform_indices = #map}, {transform_indices = #map1}, {transform_indices = #map}, {transform_indices = #map1}, {transform_indices = #map1}]} {
    %mul3A = arith.constant 2 : i32
    %mul3A_0 = arith.muli %arg1, %mul3A : i32
    %add3A = arith.addi %mul3A_0, %arg0 : i32
    %mul3A_1 = arith.constant 10240 : i32
    %mul3A_2 = arith.muli %add3A, %mul3A_1 : i32
    %jit3A = arith.constant 8 : i32
    %div3A = arith.divsi %add3A, %jit3A : i32
    %sign3A = arith.constant 0 : i32
    %sign3A_3 = arith.cmpi sgt, %add3A, %sign3A : i32
    %sign3A_4 = arith.extui %sign3A_3 : i1 to i32
    %sign3A_5 = arith.constant 0 : i32
    %sign3A_6 = arith.cmpi slt, %add3A, %sign3A_5 : i32
    %sign3A_7 = arith.extui %sign3A_6 : i1 to i32
    %sign3A_8 = arith.subi %sign3A_4, %sign3A_7 : i32
    %sign3A_9 = arith.constant 0 : i32
    %sign3A_10 = arith.cmpi sgt, %jit3A, %sign3A_9 : i32
    %sign3A_11 = arith.extui %sign3A_10 : i1 to i32
    %sign3A_12 = arith.constant 0 : i32
    %sign3A_13 = arith.cmpi slt, %jit3A, %sign3A_12 : i32
    %sign3A_14 = arith.extui %sign3A_13 : i1 to i32
    %sign3A_15 = arith.subi %sign3A_11, %sign3A_14 : i32
    %ne3A = arith.cmpi ne, %sign3A_8, %sign3A_15 : i32
    %rem3A = arith.remsi %add3A, %jit3A : i32
    %ne3A_16 = arith.constant 0 : i32
    %ne3A_17 = arith.cmpi ne, %rem3A, %ne3A_16 : i32
    %and3A = arith.andi %ne3A, %ne3A_17 : i1
    %sub3A = arith.constant 1 : i32
    %sub3A_18 = arith.subi %div3A, %sub3A : i32
    %select_n3A = arith.select %and3A, %sub3A_18, %div3A : i32
    "tpu.region"() ({
      %run_scoped3A = tpu.sem_alloc : memref<!tpu.dma_semaphore, #tpu.memory_space<semaphore_mem>>
      %dma_start3A_73 = tpu.memref_slice %arg2[%mul3A_2] : memref<327680xi32, #tpu.memory_space<hbm>> -> memref<10240xi32, #tpu.memory_space<hbm>>
      %dma_start3A_74 = tpu.memref_slice %arg2[%mul3A_2] : memref<327680xi32, #tpu.memory_space<hbm>> -> memref<10240xi32, #tpu.memory_space<hbm>>
      tpu.enqueue_dma source(%dma_start3A_74 : memref<10240xi32, #tpu.memory_space<hbm>>) target(%arg7 : memref<10240xi32, #tpu.memory_space<vmem>>) target_semaphore(%run_scoped3A : memref<!tpu.dma_semaphore, #tpu.memory_space<semaphore_mem>>)
      %dma_wait3A_75 = tpu.memref_slice %arg2[%mul3A_2] : memref<327680xi32, #tpu.memory_space<hbm>> -> memref<10240xi32, #tpu.memory_space<hbm>>
      %dma_wait3A_76 = tpu.memref_slice %arg2[%mul3A_2] : memref<327680xi32, #tpu.memory_space<hbm>> -> memref<10240xi32, #tpu.memory_space<hbm>>
      tpu.wait_dma2 semaphore(%run_scoped3A : memref<!tpu.dma_semaphore, #tpu.memory_space<semaphore_mem>>) src(%dma_wait3A_76 : memref<10240xi32, #tpu.memory_space<hbm>>) dst(%arg7 : memref<10240xi32, #tpu.memory_space<vmem>>)
      tpu.yield
    }) : () -> ()
    "tpu.region"() ({
      %run_scoped3A = tpu.sem_alloc : memref<!tpu.dma_semaphore, #tpu.memory_space<semaphore_mem>>
      %dma_start3A_73 = arith.constant 0 : i32
      %dma_start3A_74 = tpu.memref_slice %arg5[%select_n3A, %dma_start3A_73] : memref<4x128xf32, #tpu.memory_space<hbm>> -> memref<1x128xf32, #tpu.memory_space<hbm>>
      %dma_start3A_75 = tpu.memref_squeeze %dma_start3A_74 : memref<1x128xf32, #tpu.memory_space<hbm>> -> memref<128xf32, #tpu.memory_space<hbm>>
      %dma_start3A_76 = arith.constant 0 : i32
      %dma_start3A_77 = tpu.memref_slice %arg5[%select_n3A, %dma_start3A_76] : memref<4x128xf32, #tpu.memory_space<hbm>> -> memref<1x128xf32, #tpu.memory_space<hbm>>
      %dma_start3A_78 = tpu.memref_squeeze %dma_start3A_77 : memref<1x128xf32, #tpu.memory_space<hbm>> -> memref<128xf32, #tpu.memory_space<hbm>>
      tpu.enqueue_dma source(%dma_start3A_78 : memref<128xf32, #tpu.memory_space<hbm>>) target(%arg17 : memref<128xf32, #tpu.memory_space<vmem>>) target_semaphore(%run_scoped3A : memref<!tpu.dma_semaphore, #tpu.memory_space<semaphore_mem>>)
      %dma_wait3A_79 = arith.constant 0 : i32
      %dma_wait3A_80 = tpu.memref_slice %arg5[%select_n3A, %dma_wait3A_79] : memref<4x128xf32, #tpu.memory_space<hbm>> -> memref<1x128xf32, #tpu.memory_space<hbm>>
      %dma_wait3A_81 = tpu.memref_squeeze %dma_wait3A_80 : memref<1x128xf32, #tpu.memory_space<hbm>> -> memref<128xf32, #tpu.memory_space<hbm>>
      %dma_wait3A_82 = arith.constant 0 : i32
      %dma_wait3A_83 = tpu.memref_slice %arg5[%select_n3A, %dma_wait3A_82] : memref<4x128xf32, #tpu.memory_space<hbm>> -> memref<1x128xf32, #tpu.memory_space<hbm>>
      %dma_wait3A_84 = tpu.memref_squeeze %dma_wait3A_83 : memref<1x128xf32, #tpu.memory_space<hbm>> -> memref<128xf32, #tpu.memory_space<hbm>>
      tpu.wait_dma2 semaphore(%run_scoped3A : memref<!tpu.dma_semaphore, #tpu.memory_space<semaphore_mem>>) src(%dma_wait3A_84 : memref<128xf32, #tpu.memory_space<hbm>>) dst(%arg17 : memref<128xf32, #tpu.memory_space<vmem>>)
      tpu.yield
    }) : () -> ()
    %mul3A_19 = arith.constant 100000 : i32
    %mul3A_20 = arith.muli %select_n3A, %mul3A_19 : i32
    %broadcast_in_dim3A = vector.broadcast %mul3A_20 : i32 to vector<16xi32>
    %parallel_loop3A = arith.constant 0 : i32
    %parallel_loop3A_21 = arith.constant 10240 : i32
    %parallel_loop3A_22 = arith.constant 16 : i32
    scf.for %parallel_loop3A_73 = %parallel_loop3A to %parallel_loop3A_21 step %parallel_loop3A_22  : i32 {
      %parallel_loop3A_74 = arith.index_cast %parallel_loop3A_73 : i32 to index
      %parallel_loop3A_75 = tpu.vector_load %arg7[%parallel_loop3A_74] {strides = array<i32>} : memref<10240xi32, #tpu.memory_space<vmem>>, vector<16xi32>,
      %parallel_loop3A_76 = arith.addi %parallel_loop3A_75, %broadcast_in_dim3A : vector<16xi32>
      %parallel_loop3A_77 = arith.index_cast %parallel_loop3A_73 : i32 to index
      %parallel_loop3A_78 = tpu.vector_load %arg8[%parallel_loop3A_77] {strides = array<i32>} : memref<10240xi32, #tpu.memory_space<vmem>>, vector<16xi32>,
      tpu.vector_store %arg8[%parallel_loop3A_77], %parallel_loop3A_76 {strides = array<i32>} : memref<10240xi32, #tpu.memory_space<vmem>>, vector<16xi32>,
    } {sc.loop_unroll_factor = 4 : i64, sc.parallel_access}
    %get3A = arith.constant 0 : index
    %get3A_23 = tpu.vector_load %arg17[%get3A] {strides = array<i32>} : memref<128xf32, #tpu.memory_space<vmem>>, vector<16xf32>,
    %get3A_24 = arith.constant 16 : index
    %get3A_25 = tpu.vector_load %arg17[%get3A_24] {strides = array<i32>} : memref<128xf32, #tpu.memory_space<vmem>>, vector<16xf32>,
    %get3A_26 = arith.constant 32 : index
    %get3A_27 = tpu.vector_load %arg17[%get3A_26] {strides = array<i32>} : memref<128xf32, #tpu.memory_space<vmem>>, vector<16xf32>,
    %get3A_28 = arith.constant 48 : index
    %get3A_29 = tpu.vector_load %arg17[%get3A_28] {strides = array<i32>} : memref<128xf32, #tpu.memory_space<vmem>>, vector<16xf32>,
    %get3A_30 = arith.constant 64 : index
    %get3A_31 = tpu.vector_load %arg17[%get3A_30] {strides = array<i32>} : memref<128xf32, #tpu.memory_space<vmem>>, vector<16xf32>,
    %get3A_32 = arith.constant 80 : index
    %get3A_33 = tpu.vector_load %arg17[%get3A_32] {strides = array<i32>} : memref<128xf32, #tpu.memory_space<vmem>>, vector<16xf32>,
    %get3A_34 = arith.constant 96 : index
    %get3A_35 = tpu.vector_load %arg17[%get3A_34] {strides = array<i32>} : memref<128xf32, #tpu.memory_space<vmem>>, vector<16xf32>,
    %get3A_36 = arith.constant 112 : index
    %get3A_37 = tpu.vector_load %arg17[%get3A_36] {strides = array<i32>} : memref<128xf32, #tpu.memory_space<vmem>>, vector<16xf32>,
    %dma_start3A = arith.constant 0 : i32
    %dma_start3A_38 = tpu.memref_slice %arg7[%dma_start3A] : memref<10240xi32, #tpu.memory_space<vmem>> -> memref<128xi32, #tpu.memory_space<vmem>>
    %dma_start3A_39 = arith.constant 0 : i32
    %dma_start3A_40 = arith.constant 0 : i32
    %dma_start3A_41 = tpu.memref_slice %arg3[%dma_start3A_39, %dma_start3A_40] : memref<100000x128xf32, #tpu.memory_space<hbm>> -> memref<100000x128xf32, #tpu.memory_space<hbm>>
    tpu.enqueue_indirect_dma source(%dma_start3A_41 : memref<100000x128xf32, #tpu.memory_space<hbm>>) target(%arg9 : memref<128x128xf32, #tpu.memory_space<vmem>>) offsets(%dma_start3A_38 : memref<128xi32, #tpu.memory_space<vmem>>) semaphore(%arg18 : memref<!tpu.dma_semaphore, #tpu.memory_space<semaphore_mem>>)
    %dma_start3A_42 = arith.constant 0 : i32
    %dma_start3A_43 = tpu.memref_slice %arg8[%dma_start3A_42] : memref<10240xi32, #tpu.memory_space<vmem>> -> memref<128xi32, #tpu.memory_space<vmem>>
    %dma_start3A_44 = arith.constant 0 : i32
    %dma_start3A_45 = tpu.memref_slice %arg4[%dma_start3A_44] : memref<400000xf32, #tpu.memory_space<hbm>> -> memref<400000xf32, #tpu.memory_space<hbm>>
    tpu.enqueue_indirect_dma source(%dma_start3A_45 : memref<400000xf32, #tpu.memory_space<hbm>>) target(%arg13 : memref<128xf32, #tpu.memory_space<vmem>>) offsets(%dma_start3A_43 : memref<128xi32, #tpu.memory_space<vmem>>) semaphore(%arg22 : memref<!tpu.dma_semaphore, #tpu.memory_space<semaphore_mem>>)
    %dma_start3A_46 = arith.constant 128 : i32
    %dma_start3A_47 = tpu.memref_slice %arg7[%dma_start3A_46] : memref<10240xi32, #tpu.memory_space<vmem>> -> memref<128xi32, #tpu.memory_space<vmem>>
    %dma_start3A_48 = arith.constant 0 : i32
    %dma_start3A_49 = arith.constant 0 : i32
    %dma_start3A_50 = tpu.memref_slice %arg3[%dma_start3A_48, %dma_start3A_49] : memref<100000x128xf32, #tpu.memory_space<hbm>> -> memref<100000x128xf32, #tpu.memory_space<hbm>>
    tpu.enqueue_indirect_dma source(%dma_start3A_50 : memref<100000x128xf32, #tpu.memory_space<hbm>>) target(%arg10 : memref<128x128xf32, #tpu.memory_space<vmem>>) offsets(%dma_start3A_47 : memref<128xi32, #tpu.memory_space<vmem>>) semaphore(%arg19 : memref<!tpu.dma_semaphore, #tpu.memory_space<semaphore_mem>>)
    %dma_start3A_51 = arith.constant 128 : i32
    %dma_start3A_52 = tpu.memref_slice %arg8[%dma_start3A_51] : memref<10240xi32, #tpu.memory_space<vmem>> -> memref<128xi32, #tpu.memory_space<vmem>>
    %dma_start3A_53 = arith.constant 0 : i32
    %dma_start3A_54 = tpu.memref_slice %arg4[%dma_start3A_53] : memref<400000xf32, #tpu.memory_space<hbm>> -> memref<400000xf32, #tpu.memory_space<hbm>>
    tpu.enqueue_indirect_dma source(%dma_start3A_54 : memref<400000xf32, #tpu.memory_space<hbm>>) target(%arg14 : memref<128xf32, #tpu.memory_space<vmem>>) offsets(%dma_start3A_52 : memref<128xi32, #tpu.memory_space<vmem>>) semaphore(%arg23 : memref<!tpu.dma_semaphore, #tpu.memory_space<semaphore_mem>>)
    %dma_start3A_55 = arith.constant 256 : i32
    %dma_start3A_56 = tpu.memref_slice %arg7[%dma_start3A_55] : memref<10240xi32, #tpu.memory_space<vmem>> -> memref<128xi32, #tpu.memory_space<vmem>>
    %dma_start3A_57 = arith.constant 0 : i32
    %dma_start3A_58 = arith.constant 0 : i32
    %dma_start3A_59 = tpu.memref_slice %arg3[%dma_start3A_57, %dma_start3A_58] : memref<100000x128xf32, #tpu.memory_space<hbm>> -> memref<100000x128xf32, #tpu.memory_space<hbm>>
    tpu.enqueue_indirect_dma source(%dma_start3A_59 : memref<100000x128xf32, #tpu.memory_space<hbm>>) target(%arg11 : memref<128x128xf32, #tpu.memory_space<vmem>>) offsets(%dma_start3A_56 : memref<128xi32, #tpu.memory_space<vmem>>) semaphore(%arg20 : memref<!tpu.dma_semaphore, #tpu.memory_space<semaphore_mem>>)
    %dma_start3A_60 = arith.constant 256 : i32
    %dma_start3A_61 = tpu.memref_slice %arg8[%dma_start3A_60] : memref<10240xi32, #tpu.memory_space<vmem>> -> memref<128xi32, #tpu.memory_space<vmem>>
    %dma_start3A_62 = arith.constant 0 : i32
    %dma_start3A_63 = tpu.memref_slice %arg4[%dma_start3A_62] : memref<400000xf32, #tpu.memory_space<hbm>> -> memref<400000xf32, #tpu.memory_space<hbm>>
    tpu.enqueue_indirect_dma source(%dma_start3A_63 : memref<400000xf32, #tpu.memory_space<hbm>>) target(%arg15 : memref<128xf32, #tpu.memory_space<vmem>>) offsets(%dma_start3A_61 : memref<128xi32, #tpu.memory_space<vmem>>) semaphore(%arg24 : memref<!tpu.dma_semaphore, #tpu.memory_space<semaphore_mem>>)
    %scan3A = arith.constant 0 : i32
    %scan3A_64 = arith.constant 20 : i32
    %scan3A_65 = arith.addi %scan3A, %scan3A_64 : i32
    %scan3A_66 = arith.constant 1 : i32
    scf.for %scan3A_73 = %scan3A to %scan3A_65 step %scan3A_66  : i32 {
      %mul3A_74 = arith.constant 4 : i32
      %mul3A_75 = arith.muli %scan3A_73, %mul3A_74 : i32
      %add3A_76 = arith.constant 0 : i32
      %add3A_77 = arith.addi %add3A_76, %mul3A_75 : i32
      %add3A_78 = arith.constant 0 : i32
      %add3A_79 = arith.addi %add3A_77, %add3A_78 : i32
      %ge3A = arith.constant 1 : i32
      %ge3A_80 = arith.cmpi sge, %add3A_79, %ge3A : i32
      %convert_element_type3A = arith.extui %ge3A_80 : i1 to i32
      %cond3A = arith.constant 0 : i32
      %cond3A_81 = arith.cmpi ne, %convert_element_type3A, %cond3A : i32
      scf.if %cond3A_81 {
        %sub3A_206 = arith.constant 1 : i32
        %sub3A_207 = arith.subi %add3A_79, %sub3A_206 : i32
        %mul3A_208 = arith.constant 128 : i32
        %mul3A_209 = arith.muli %sub3A_207, %mul3A_208 : i32
        %add3A_210 = arith.addi %mul3A_2, %mul3A_209 : i32
        %dma_wait3A_211 = arith.constant 0 : i32
        %dma_wait3A_212 = tpu.memref_slice %arg6[%add3A_210, %dma_wait3A_211] : memref<327680x128xf32, #tpu.memory_space<hbm>> -> memref<128x128xf32, #tpu.memory_space<hbm>>
        %dma_wait3A_213 = arith.constant 0 : i32
        %dma_wait3A_214 = tpu.memref_slice %arg6[%add3A_210, %dma_wait3A_213] : memref<327680x128xf32, #tpu.memory_space<hbm>> -> memref<128x128xf32, #tpu.memory_space<hbm>>
        tpu.wait_dma2 semaphore(%arg29 : memref<!tpu.dma_semaphore, #tpu.memory_space<semaphore_mem>>) src(%arg12 : memref<128x128xf32, #tpu.memory_space<vmem>>) dst(%dma_wait3A_214 : memref<128x128xf32, #tpu.memory_space<hbm>>)
      } else {
      }
      %add3A_82 = arith.constant 3 : i32
      %add3A_83 = arith.addi %add3A_79, %add3A_82 : i32
      %lt3A = arith.constant 80 : i32
      %lt3A_84 = arith.cmpi slt, %add3A_83, %lt3A : i32
      %convert_element_type3A_85 = arith.extui %lt3A_84 : i1 to i32
      %cond3A_86 = arith.constant 0 : i32
      %cond3A_87 = arith.cmpi ne, %convert_element_type3A_85, %cond3A_86 : i32
      scf.if %cond3A_87 {
        %add3A_206 = arith.constant 3 : i32
        %add3A_207 = arith.addi %add3A_79, %add3A_206 : i32
        %mul3A_208 = arith.constant 128 : i32
        %mul3A_209 = arith.muli %add3A_207, %mul3A_208 : i32
        %dma_start3A_210 = tpu.memref_slice %arg7[%mul3A_209] : memref<10240xi32, #tpu.memory_space<vmem>> -> memref<128xi32, #tpu.memory_space<vmem>>
        %dma_start3A_211 = arith.constant 0 : i32
        %dma_start3A_212 = arith.constant 0 : i32
        %dma_start3A_213 = tpu.memref_slice %arg3[%dma_start3A_211, %dma_start3A_212] : memref<100000x128xf32, #tpu.memory_space<hbm>> -> memref<100000x128xf32, #tpu.memory_space<hbm>>
        tpu.enqueue_indirect_dma source(%dma_start3A_213 : memref<100000x128xf32, #tpu.memory_space<hbm>>) target(%arg12 : memref<128x128xf32, #tpu.memory_space<vmem>>) offsets(%dma_start3A_210 : memref<128xi32, #tpu.memory_space<vmem>>) semaphore(%arg21 : memref<!tpu.dma_semaphore, #tpu.memory_space<semaphore_mem>>)
        %dma_start3A_214 = tpu.memref_slice %arg8[%mul3A_209] : memref<10240xi32, #tpu.memory_space<vmem>> -> memref<128xi32, #tpu.memory_space<vmem>>
        %dma_start3A_215 = arith.constant 0 : i32
        %dma_start3A_216 = tpu.memref_slice %arg4[%dma_start3A_215] : memref<400000xf32, #tpu.memory_space<hbm>> -> memref<400000xf32, #tpu.memory_space<hbm>>
        tpu.enqueue_indirect_dma source(%dma_start3A_216 : memref<400000xf32, #tpu.memory_space<hbm>>) target(%arg16 : memref<128xf32, #tpu.memory_space<vmem>>) offsets(%dma_start3A_214 : memref<128xi32, #tpu.memory_space<vmem>>) semaphore(%arg25 : memref<!tpu.dma_semaphore, #tpu.memory_space<semaphore_mem>>)
      } else {
      }
      %mul3A_88 = arith.constant 128 : i32
      %mul3A_89 = arith.muli %add3A_79, %mul3A_88 : i32
      %dma_wait3A_90 = tpu.memref_slice %arg7[%mul3A_89] : memref<10240xi32, #tpu.memory_space<vmem>> -> memref<128xi32, #tpu.memory_space<vmem>>
      %dma_wait3A_91 = arith.constant 0 : i32
      %dma_wait3A_92 = arith.constant 0 : i32
      %dma_wait3A_93 = tpu.memref_slice %arg3[%dma_wait3A_91, %dma_wait3A_92] : memref<100000x128xf32, #tpu.memory_space<hbm>> -> memref<100000x128xf32, #tpu.memory_space<hbm>>
      tpu.wait_indirect_dma semaphore(%arg18 : memref<!tpu.dma_semaphore, #tpu.memory_space<semaphore_mem>>) src(%dma_wait3A_93 : memref<100000x128xf32, #tpu.memory_space<hbm>>) dst(%arg9 : memref<128x128xf32, #tpu.memory_space<vmem>>)
      %dma_wait3A_94 = tpu.memref_slice %arg8[%mul3A_89] : memref<10240xi32, #tpu.memory_space<vmem>> -> memref<128xi32, #tpu.memory_space<vmem>>
      %dma_wait3A_95 = arith.constant 0 : i32
      %dma_wait3A_96 = tpu.memref_slice %arg4[%dma_wait3A_95] : memref<400000xf32, #tpu.memory_space<hbm>> -> memref<400000xf32, #tpu.memory_space<hbm>>
      tpu.wait_indirect_dma semaphore(%arg22 : memref<!tpu.dma_semaphore, #tpu.memory_space<semaphore_mem>>) src(%dma_wait3A_96 : memref<400000xf32, #tpu.memory_space<hbm>>) dst(%arg13 : memref<128xf32, #tpu.memory_space<vmem>>)
      %parallel_loop3A_97 = arith.constant 0 : i32
      %parallel_loop3A_98 = arith.constant 128 : i32
      %parallel_loop3A_99 = arith.constant 1 : i32
      scf.for %parallel_loop3A_206 = %parallel_loop3A_97 to %parallel_loop3A_98 step %parallel_loop3A_99  : i32 {
        %parallel_loop3A_207 = vector.broadcast %parallel_loop3A_206 : i32 to vector<16xi32>
        %parallel_loop3A_208 = tpu.vector_load_idx %arg13[%parallel_loop3A_207] : memref<128xf32, #tpu.memory_space<vmem>>[vector<16xi32>], vector<16xf32>,
        %parallel_loop3A_209 = arith.index_cast %parallel_loop3A_206 : i32 to index
        %parallel_loop3A_210 = arith.constant 0 : index
        %parallel_loop3A_211 = tpu.vector_load %arg9[%parallel_loop3A_209, %parallel_loop3A_210] {strides = array<i32>} : memref<128x128xf32, #tpu.memory_space<vmem>>, vector<16xf32>,
        %parallel_loop3A_212 = arith.mulf %parallel_loop3A_211, %parallel_loop3A_208 : vector<16xf32>
        %parallel_loop3A_213 = arith.mulf %parallel_loop3A_212, %get3A_23 : vector<16xf32>
        %parallel_loop3A_214 = arith.index_cast %parallel_loop3A_206 : i32 to index
        %parallel_loop3A_215 = arith.constant 0 : index
        %parallel_loop3A_216 = tpu.vector_load %arg9[%parallel_loop3A_214, %parallel_loop3A_215] {strides = array<i32>} : memref<128x128xf32, #tpu.memory_space<vmem>>, vector<16xf32>,
        tpu.vector_store %arg9[%parallel_loop3A_214, %parallel_loop3A_215], %parallel_loop3A_213 {strides = array<i32>} : memref<128x128xf32, #tpu.memory_space<vmem>>, vector<16xf32>,
        %parallel_loop3A_217 = arith.index_cast %parallel_loop3A_206 : i32 to index
        %parallel_loop3A_218 = arith.constant 16 : index
        %parallel_loop3A_219 = tpu.vector_load %arg9[%parallel_loop3A_217, %parallel_loop3A_218] {strides = array<i32>} : memref<128x128xf32, #tpu.memory_space<vmem>>, vector<16xf32>,
        %parallel_loop3A_220 = arith.mulf %parallel_loop3A_219, %parallel_loop3A_208 : vector<16xf32>
        %parallel_loop3A_221 = arith.mulf %parallel_loop3A_220, %get3A_25 : vector<16xf32>
        %parallel_loop3A_222 = arith.index_cast %parallel_loop3A_206 : i32 to index
        %parallel_loop3A_223 = arith.constant 16 : index
        %parallel_loop3A_224 = tpu.vector_load %arg9[%parallel_loop3A_222, %parallel_loop3A_223] {strides = array<i32>} : memref<128x128xf32, #tpu.memory_space<vmem>>, vector<16xf32>,
        tpu.vector_store %arg9[%parallel_loop3A_222, %parallel_loop3A_223], %parallel_loop3A_221 {strides = array<i32>} : memref<128x128xf32, #tpu.memory_space<vmem>>, vector<16xf32>,
        %parallel_loop3A_225 = arith.index_cast %parallel_loop3A_206 : i32 to index
        %parallel_loop3A_226 = arith.constant 32 : index
        %parallel_loop3A_227 = tpu.vector_load %arg9[%parallel_loop3A_225, %parallel_loop3A_226] {strides = array<i32>} : memref<128x128xf32, #tpu.memory_space<vmem>>, vector<16xf32>,
        %parallel_loop3A_228 = arith.mulf %parallel_loop3A_227, %parallel_loop3A_208 : vector<16xf32>
        %parallel_loop3A_229 = arith.mulf %parallel_loop3A_228, %get3A_27 : vector<16xf32>
        %parallel_loop3A_230 = arith.index_cast %parallel_loop3A_206 : i32 to index
        %parallel_loop3A_231 = arith.constant 32 : index
        %parallel_loop3A_232 = tpu.vector_load %arg9[%parallel_loop3A_230, %parallel_loop3A_231] {strides = array<i32>} : memref<128x128xf32, #tpu.memory_space<vmem>>, vector<16xf32>,
        tpu.vector_store %arg9[%parallel_loop3A_230, %parallel_loop3A_231], %parallel_loop3A_229 {strides = array<i32>} : memref<128x128xf32, #tpu.memory_space<vmem>>, vector<16xf32>,
        %parallel_loop3A_233 = arith.index_cast %parallel_loop3A_206 : i32 to index
        %parallel_loop3A_234 = arith.constant 48 : index
        %parallel_loop3A_235 = tpu.vector_load %arg9[%parallel_loop3A_233, %parallel_loop3A_234] {strides = array<i32>} : memref<128x128xf32, #tpu.memory_space<vmem>>, vector<16xf32>,
        %parallel_loop3A_236 = arith.mulf %parallel_loop3A_235, %parallel_loop3A_208 : vector<16xf32>
        %parallel_loop3A_237 = arith.mulf %parallel_loop3A_236, %get3A_29 : vector<16xf32>
        %parallel_loop3A_238 = arith.index_cast %parallel_loop3A_206 : i32 to index
        %parallel_loop3A_239 = arith.constant 48 : index
        %parallel_loop3A_240 = tpu.vector_load %arg9[%parallel_loop3A_238, %parallel_loop3A_239] {strides = array<i32>} : memref<128x128xf32, #tpu.memory_space<vmem>>, vector<16xf32>,
        tpu.vector_store %arg9[%parallel_loop3A_238, %parallel_loop3A_239], %parallel_loop3A_237 {strides = array<i32>} : memref<128x128xf32, #tpu.memory_space<vmem>>, vector<16xf32>,
        %parallel_loop3A_241 = arith.index_cast %parallel_loop3A_206 : i32 to index
        %parallel_loop3A_242 = arith.constant 64 : index
        %parallel_loop3A_243 = tpu.vector_load %arg9[%parallel_loop3A_241, %parallel_loop3A_242] {strides = array<i32>} : memref<128x128xf32, #tpu.memory_space<vmem>>, vector<16xf32>,
        %parallel_loop3A_244 = arith.mulf %parallel_loop3A_243, %parallel_loop3A_208 : vector<16xf32>
        %parallel_loop3A_245 = arith.mulf %parallel_loop3A_244, %get3A_31 : vector<16xf32>
        %parallel_loop3A_246 = arith.index_cast %parallel_loop3A_206 : i32 to index
        %parallel_loop3A_247 = arith.constant 64 : index
        %parallel_loop3A_248 = tpu.vector_load %arg9[%parallel_loop3A_246, %parallel_loop3A_247] {strides = array<i32>} : memref<128x128xf32, #tpu.memory_space<vmem>>, vector<16xf32>,
        tpu.vector_store %arg9[%parallel_loop3A_246, %parallel_loop3A_247], %parallel_loop3A_245 {strides = array<i32>} : memref<128x128xf32, #tpu.memory_space<vmem>>, vector<16xf32>,
        %parallel_loop3A_249 = arith.index_cast %parallel_loop3A_206 : i32 to index
        %parallel_loop3A_250 = arith.constant 80 : index
        %parallel_loop3A_251 = tpu.vector_load %arg9[%parallel_loop3A_249, %parallel_loop3A_250] {strides = array<i32>} : memref<128x128xf32, #tpu.memory_space<vmem>>, vector<16xf32>,
        %parallel_loop3A_252 = arith.mulf %parallel_loop3A_251, %parallel_loop3A_208 : vector<16xf32>
        %parallel_loop3A_253 = arith.mulf %parallel_loop3A_252, %get3A_33 : vector<16xf32>
        %parallel_loop3A_254 = arith.index_cast %parallel_loop3A_206 : i32 to index
        %parallel_loop3A_255 = arith.constant 80 : index
        %parallel_loop3A_256 = tpu.vector_load %arg9[%parallel_loop3A_254, %parallel_loop3A_255] {strides = array<i32>} : memref<128x128xf32, #tpu.memory_space<vmem>>, vector<16xf32>,
        tpu.vector_store %arg9[%parallel_loop3A_254, %parallel_loop3A_255], %parallel_loop3A_253 {strides = array<i32>} : memref<128x128xf32, #tpu.memory_space<vmem>>, vector<16xf32>,
        %parallel_loop3A_257 = arith.index_cast %parallel_loop3A_206 : i32 to index
        %parallel_loop3A_258 = arith.constant 96 : index
        %parallel_loop3A_259 = tpu.vector_load %arg9[%parallel_loop3A_257, %parallel_loop3A_258] {strides = array<i32>} : memref<128x128xf32, #tpu.memory_space<vmem>>, vector<16xf32>,
        %parallel_loop3A_260 = arith.mulf %parallel_loop3A_259, %parallel_loop3A_208 : vector<16xf32>
        %parallel_loop3A_261 = arith.mulf %parallel_loop3A_260, %get3A_35 : vector<16xf32>
        %parallel_loop3A_262 = arith.index_cast %parallel_loop3A_206 : i32 to index
        %parallel_loop3A_263 = arith.constant 96 : index
        %parallel_loop3A_264 = tpu.vector_load %arg9[%parallel_loop3A_262, %parallel_loop3A_263] {strides = array<i32>} : memref<128x128xf32, #tpu.memory_space<vmem>>, vector<16xf32>,
        tpu.vector_store %arg9[%parallel_loop3A_262, %parallel_loop3A_263], %parallel_loop3A_261 {strides = array<i32>} : memref<128x128xf32, #tpu.memory_space<vmem>>, vector<16xf32>,
        %parallel_loop3A_265 = arith.index_cast %parallel_loop3A_206 : i32 to index
        %parallel_loop3A_266 = arith.constant 112 : index
        %parallel_loop3A_267 = tpu.vector_load %arg9[%parallel_loop3A_265, %parallel_loop3A_266] {strides = array<i32>} : memref<128x128xf32, #tpu.memory_space<vmem>>, vector<16xf32>,
        %parallel_loop3A_268 = arith.mulf %parallel_loop3A_267, %parallel_loop3A_208 : vector<16xf32>
        %parallel_loop3A_269 = arith.mulf %parallel_loop3A_268, %get3A_37 : vector<16xf32>
        %parallel_loop3A_270 = arith.index_cast %parallel_loop3A_206 : i32 to index
        %parallel_loop3A_271 = arith.constant 112 : index
        %parallel_loop3A_272 = tpu.vector_load %arg9[%parallel_loop3A_270, %parallel_loop3A_271] {strides = array<i32>} : memref<128x128xf32, #tpu.memory_space<vmem>>, vector<16xf32>,
        tpu.vector_store %arg9[%parallel_loop3A_270, %parallel_loop3A_271], %parallel_loop3A_269 {strides = array<i32>} : memref<128x128xf32, #tpu.memory_space<vmem>>, vector<16xf32>,
      } {sc.loop_unroll_factor = 8 : i64, sc.parallel_access}
      %mul3A_100 = arith.constant 128 : i32
      %mul3A_101 = arith.muli %add3A_79, %mul3A_100 : i32
      %add3A_102 = arith.addi %mul3A_2, %mul3A_101 : i32
      %dma_start3A_103 = arith.constant 0 : i32
      %dma_start3A_104 = tpu.memref_slice %arg6[%add3A_102, %dma_start3A_103] : memref<327680x128xf32, #tpu.memory_space<hbm>> -> memref<128x128xf32, #tpu.memory_space<hbm>>
      %dma_start3A_105 = arith.constant 0 : i32
      %dma_start3A_106 = tpu.memref_slice %arg6[%add3A_102, %dma_start3A_105] : memref<327680x128xf32, #tpu.memory_space<hbm>> -> memref<128x128xf32, #tpu.memory_space<hbm>>
      tpu.enqueue_dma source(%arg9 : memref<128x128xf32, #tpu.memory_space<vmem>>) target(%dma_start3A_106 : memref<128x128xf32, #tpu.memory_space<hbm>>) target_semaphore(%arg26 : memref<!tpu.dma_semaphore, #tpu.memory_space<semaphore_mem>>)
      %add3A_107 = arith.constant 1 : i32
      %add3A_108 = arith.addi %add3A_77, %add3A_107 : i32
      %ge3A_109 = arith.constant 1 : i32
      %ge3A_110 = arith.cmpi sge, %add3A_108, %ge3A_109 : i32
      %convert_element_type3A_111 = arith.extui %ge3A_110 : i1 to i32
      %cond3A_112 = arith.constant 0 : i32
      %cond3A_113 = arith.cmpi ne, %convert_element_type3A_111, %cond3A_112 : i32
      scf.if %cond3A_113 {
        %sub3A_206 = arith.constant 1 : i32
        %sub3A_207 = arith.subi %add3A_108, %sub3A_206 : i32
        %mul3A_208 = arith.constant 128 : i32
        %mul3A_209 = arith.muli %sub3A_207, %mul3A_208 : i32
        %add3A_210 = arith.addi %mul3A_2, %mul3A_209 : i32
        %dma_wait3A_211 = arith.constant 0 : i32
        %dma_wait3A_212 = tpu.memref_slice %arg6[%add3A_210, %dma_wait3A_211] : memref<327680x128xf32, #tpu.memory_space<hbm>> -> memref<128x128xf32, #tpu.memory_space<hbm>>
        %dma_wait3A_213 = arith.constant 0 : i32
        %dma_wait3A_214 = tpu.memref_slice %arg6[%add3A_210, %dma_wait3A_213] : memref<327680x128xf32, #tpu.memory_space<hbm>> -> memref<128x128xf32, #tpu.memory_space<hbm>>
        tpu.wait_dma2 semaphore(%arg26 : memref<!tpu.dma_semaphore, #tpu.memory_space<semaphore_mem>>) src(%arg9 : memref<128x128xf32, #tpu.memory_space<vmem>>) dst(%dma_wait3A_214 : memref<128x128xf32, #tpu.memory_space<hbm>>)
      } else {
      }
      %add3A_114 = arith.constant 3 : i32
      %add3A_115 = arith.addi %add3A_108, %add3A_114 : i32
      %lt3A_116 = arith.constant 80 : i32
      %lt3A_117 = arith.cmpi slt, %add3A_115, %lt3A_116 : i32
      %convert_element_type3A_118 = arith.extui %lt3A_117 : i1 to i32
      %cond3A_119 = arith.constant 0 : i32
      %cond3A_120 = arith.cmpi ne, %convert_element_type3A_118, %cond3A_119 : i32
      scf.if %cond3A_120 {
        %add3A_206 = arith.constant 3 : i32
        %add3A_207 = arith.addi %add3A_108, %add3A_206 : i32
        %mul3A_208 = arith.constant 128 : i32
        %mul3A_209 = arith.muli %add3A_207, %mul3A_208 : i32
        %dma_start3A_210 = tpu.memref_slice %arg7[%mul3A_209] : memref<10240xi32, #tpu.memory_space<vmem>> -> memref<128xi32, #tpu.memory_space<vmem>>
        %dma_start3A_211 = arith.constant 0 : i32
        %dma_start3A_212 = arith.constant 0 : i32
        %dma_start3A_213 = tpu.memref_slice %arg3[%dma_start3A_211, %dma_start3A_212] : memref<100000x128xf32, #tpu.memory_space<hbm>> -> memref<100000x128xf32, #tpu.memory_space<hbm>>
        tpu.enqueue_indirect_dma source(%dma_start3A_213 : memref<100000x128xf32, #tpu.memory_space<hbm>>) target(%arg9 : memref<128x128xf32, #tpu.memory_space<vmem>>) offsets(%dma_start3A_210 : memref<128xi32, #tpu.memory_space<vmem>>) semaphore(%arg18 : memref<!tpu.dma_semaphore, #tpu.memory_space<semaphore_mem>>)
        %dma_start3A_214 = tpu.memref_slice %arg8[%mul3A_209] : memref<10240xi32, #tpu.memory_space<vmem>> -> memref<128xi32, #tpu.memory_space<vmem>>
        %dma_start3A_215 = arith.constant 0 : i32
        %dma_start3A_216 = tpu.memref_slice %arg4[%dma_start3A_215] : memref<400000xf32, #tpu.memory_space<hbm>> -> memref<400000xf32, #tpu.memory_space<hbm>>
        tpu.enqueue_indirect_dma source(%dma_start3A_216 : memref<400000xf32, #tpu.memory_space<hbm>>) target(%arg13 : memref<128xf32, #tpu.memory_space<vmem>>) offsets(%dma_start3A_214 : memref<128xi32, #tpu.memory_space<vmem>>) semaphore(%arg22 : memref<!tpu.dma_semaphore, #tpu.memory_space<semaphore_mem>>)
      } else {
      }
      %mul3A_121 = arith.constant 128 : i32
      %mul3A_122 = arith.muli %add3A_108, %mul3A_121 : i32
      %dma_wait3A_123 = tpu.memref_slice %arg7[%mul3A_122] : memref<10240xi32, #tpu.memory_space<vmem>> -> memref<128xi32, #tpu.memory_space<vmem>>
      %dma_wait3A_124 = arith.constant 0 : i32
      %dma_wait3A_125 = arith.constant 0 : i32
      %dma_wait3A_126 = tpu.memref_slice %arg3[%dma_wait3A_124, %dma_wait3A_125] : memref<100000x128xf32, #tpu.memory_space<hbm>> -> memref<100000x128xf32, #tpu.memory_space<hbm>>
      tpu.wait_indirect_dma semaphore(%arg19 : memref<!tpu.dma_semaphore, #tpu.memory_space<semaphore_mem>>) src(%dma_wait3A_126 : memref<100000x128xf32, #tpu.memory_space<hbm>>) dst(%arg10 : memref<128x128xf32, #tpu.memory_space<vmem>>)
      %dma_wait3A_127 = tpu.memref_slice %arg8[%mul3A_122] : memref<10240xi32, #tpu.memory_space<vmem>> -> memref<128xi32, #tpu.memory_space<vmem>>
      %dma_wait3A_128 = arith.constant 0 : i32
      %dma_wait3A_129 = tpu.memref_slice %arg4[%dma_wait3A_128] : memref<400000xf32, #tpu.memory_space<hbm>> -> memref<400000xf32, #tpu.memory_space<hbm>>
      tpu.wait_indirect_dma semaphore(%arg23 : memref<!tpu.dma_semaphore, #tpu.memory_space<semaphore_mem>>) src(%dma_wait3A_129 : memref<400000xf32, #tpu.memory_space<hbm>>) dst(%arg14 : memref<128xf32, #tpu.memory_space<vmem>>)
      %parallel_loop3A_130 = arith.constant 0 : i32
      %parallel_loop3A_131 = arith.constant 128 : i32
      %parallel_loop3A_132 = arith.constant 1 : i32
      scf.for %parallel_loop3A_206 = %parallel_loop3A_130 to %parallel_loop3A_131 step %parallel_loop3A_132  : i32 {
        %parallel_loop3A_207 = vector.broadcast %parallel_loop3A_206 : i32 to vector<16xi32>
        %parallel_loop3A_208 = tpu.vector_load_idx %arg14[%parallel_loop3A_207] : memref<128xf32, #tpu.memory_space<vmem>>[vector<16xi32>], vector<16xf32>,
        %parallel_loop3A_209 = arith.index_cast %parallel_loop3A_206 : i32 to index
        %parallel_loop3A_210 = arith.constant 0 : index
        %parallel_loop3A_211 = tpu.vector_load %arg10[%parallel_loop3A_209, %parallel_loop3A_210] {strides = array<i32>} : memref<128x128xf32, #tpu.memory_space<vmem>>, vector<16xf32>,
        %parallel_loop3A_212 = arith.mulf %parallel_loop3A_211, %parallel_loop3A_208 : vector<16xf32>
        %parallel_loop3A_213 = arith.mulf %parallel_loop3A_212, %get3A_23 : vector<16xf32>
        %parallel_loop3A_214 = arith.index_cast %parallel_loop3A_206 : i32 to index
        %parallel_loop3A_215 = arith.constant 0 : index
        %parallel_loop3A_216 = tpu.vector_load %arg10[%parallel_loop3A_214, %parallel_loop3A_215] {strides = array<i32>} : memref<128x128xf32, #tpu.memory_space<vmem>>, vector<16xf32>,
        tpu.vector_store %arg10[%parallel_loop3A_214, %parallel_loop3A_215], %parallel_loop3A_213 {strides = array<i32>} : memref<128x128xf32, #tpu.memory_space<vmem>>, vector<16xf32>,
        %parallel_loop3A_217 = arith.index_cast %parallel_loop3A_206 : i32 to index
        %parallel_loop3A_218 = arith.constant 16 : index
        %parallel_loop3A_219 = tpu.vector_load %arg10[%parallel_loop3A_217, %parallel_loop3A_218] {strides = array<i32>} : memref<128x128xf32, #tpu.memory_space<vmem>>, vector<16xf32>,
        %parallel_loop3A_220 = arith.mulf %parallel_loop3A_219, %parallel_loop3A_208 : vector<16xf32>
        %parallel_loop3A_221 = arith.mulf %parallel_loop3A_220, %get3A_25 : vector<16xf32>
        %parallel_loop3A_222 = arith.index_cast %parallel_loop3A_206 : i32 to index
        %parallel_loop3A_223 = arith.constant 16 : index
        %parallel_loop3A_224 = tpu.vector_load %arg10[%parallel_loop3A_222, %parallel_loop3A_223] {strides = array<i32>} : memref<128x128xf32, #tpu.memory_space<vmem>>, vector<16xf32>,
        tpu.vector_store %arg10[%parallel_loop3A_222, %parallel_loop3A_223], %parallel_loop3A_221 {strides = array<i32>} : memref<128x128xf32, #tpu.memory_space<vmem>>, vector<16xf32>,
        %parallel_loop3A_225 = arith.index_cast %parallel_loop3A_206 : i32 to index
        %parallel_loop3A_226 = arith.constant 32 : index
        %parallel_loop3A_227 = tpu.vector_load %arg10[%parallel_loop3A_225, %parallel_loop3A_226] {strides = array<i32>} : memref<128x128xf32, #tpu.memory_space<vmem>>, vector<16xf32>,
        %parallel_loop3A_228 = arith.mulf %parallel_loop3A_227, %parallel_loop3A_208 : vector<16xf32>
        %parallel_loop3A_229 = arith.mulf %parallel_loop3A_228, %get3A_27 : vector<16xf32>
        %parallel_loop3A_230 = arith.index_cast %parallel_loop3A_206 : i32 to index
        %parallel_loop3A_231 = arith.constant 32 : index
        %parallel_loop3A_232 = tpu.vector_load %arg10[%parallel_loop3A_230, %parallel_loop3A_231] {strides = array<i32>} : memref<128x128xf32, #tpu.memory_space<vmem>>, vector<16xf32>,
        tpu.vector_store %arg10[%parallel_loop3A_230, %parallel_loop3A_231], %parallel_loop3A_229 {strides = array<i32>} : memref<128x128xf32, #tpu.memory_space<vmem>>, vector<16xf32>,
        %parallel_loop3A_233 = arith.index_cast %parallel_loop3A_206 : i32 to index
        %parallel_loop3A_234 = arith.constant 48 : index
        %parallel_loop3A_235 = tpu.vector_load %arg10[%parallel_loop3A_233, %parallel_loop3A_234] {strides = array<i32>} : memref<128x128xf32, #tpu.memory_space<vmem>>, vector<16xf32>,
        %parallel_loop3A_236 = arith.mulf %parallel_loop3A_235, %parallel_loop3A_208 : vector<16xf32>
        %parallel_loop3A_237 = arith.mulf %parallel_loop3A_236, %get3A_29 : vector<16xf32>
        %parallel_loop3A_238 = arith.index_cast %parallel_loop3A_206 : i32 to index
        %parallel_loop3A_239 = arith.constant 48 : index
        %parallel_loop3A_240 = tpu.vector_load %arg10[%parallel_loop3A_238, %parallel_loop3A_239] {strides = array<i32>} : memref<128x128xf32, #tpu.memory_space<vmem>>, vector<16xf32>,
        tpu.vector_store %arg10[%parallel_loop3A_238, %parallel_loop3A_239], %parallel_loop3A_237 {strides = array<i32>} : memref<128x128xf32, #tpu.memory_space<vmem>>, vector<16xf32>,
        %parallel_loop3A_241 = arith.index_cast %parallel_loop3A_206 : i32 to index
        %parallel_loop3A_242 = arith.constant 64 : index
        %parallel_loop3A_243 = tpu.vector_load %arg10[%parallel_loop3A_241, %parallel_loop3A_242] {strides = array<i32>} : memref<128x128xf32, #tpu.memory_space<vmem>>, vector<16xf32>,
        %parallel_loop3A_244 = arith.mulf %parallel_loop3A_243, %parallel_loop3A_208 : vector<16xf32>
        %parallel_loop3A_245 = arith.mulf %parallel_loop3A_244, %get3A_31 : vector<16xf32>
        %parallel_loop3A_246 = arith.index_cast %parallel_loop3A_206 : i32 to index
        %parallel_loop3A_247 = arith.constant 64 : index
        %parallel_loop3A_248 = tpu.vector_load %arg10[%parallel_loop3A_246, %parallel_loop3A_247] {strides = array<i32>} : memref<128x128xf32, #tpu.memory_space<vmem>>, vector<16xf32>,
        tpu.vector_store %arg10[%parallel_loop3A_246, %parallel_loop3A_247], %parallel_loop3A_245 {strides = array<i32>} : memref<128x128xf32, #tpu.memory_space<vmem>>, vector<16xf32>,
        %parallel_loop3A_249 = arith.index_cast %parallel_loop3A_206 : i32 to index
        %parallel_loop3A_250 = arith.constant 80 : index
        %parallel_loop3A_251 = tpu.vector_load %arg10[%parallel_loop3A_249, %parallel_loop3A_250] {strides = array<i32>} : memref<128x128xf32, #tpu.memory_space<vmem>>, vector<16xf32>,
        %parallel_loop3A_252 = arith.mulf %parallel_loop3A_251, %parallel_loop3A_208 : vector<16xf32>
        %parallel_loop3A_253 = arith.mulf %parallel_loop3A_252, %get3A_33 : vector<16xf32>
        %parallel_loop3A_254 = arith.index_cast %parallel_loop3A_206 : i32 to index
        %parallel_loop3A_255 = arith.constant 80 : index
        %parallel_loop3A_256 = tpu.vector_load %arg10[%parallel_loop3A_254, %parallel_loop3A_255] {strides = array<i32>} : memref<128x128xf32, #tpu.memory_space<vmem>>, vector<16xf32>,
        tpu.vector_store %arg10[%parallel_loop3A_254, %parallel_loop3A_255], %parallel_loop3A_253 {strides = array<i32>} : memref<128x128xf32, #tpu.memory_space<vmem>>, vector<16xf32>,
        %parallel_loop3A_257 = arith.index_cast %parallel_loop3A_206 : i32 to index
        %parallel_loop3A_258 = arith.constant 96 : index
        %parallel_loop3A_259 = tpu.vector_load %arg10[%parallel_loop3A_257, %parallel_loop3A_258] {strides = array<i32>} : memref<128x128xf32, #tpu.memory_space<vmem>>, vector<16xf32>,
        %parallel_loop3A_260 = arith.mulf %parallel_loop3A_259, %parallel_loop3A_208 : vector<16xf32>
        %parallel_loop3A_261 = arith.mulf %parallel_loop3A_260, %get3A_35 : vector<16xf32>
        %parallel_loop3A_262 = arith.index_cast %parallel_loop3A_206 : i32 to index
        %parallel_loop3A_263 = arith.constant 96 : index
        %parallel_loop3A_264 = tpu.vector_load %arg10[%parallel_loop3A_262, %parallel_loop3A_263] {strides = array<i32>} : memref<128x128xf32, #tpu.memory_space<vmem>>, vector<16xf32>,
        tpu.vector_store %arg10[%parallel_loop3A_262, %parallel_loop3A_263], %parallel_loop3A_261 {strides = array<i32>} : memref<128x128xf32, #tpu.memory_space<vmem>>, vector<16xf32>,
        %parallel_loop3A_265 = arith.index_cast %parallel_loop3A_206 : i32 to index
        %parallel_loop3A_266 = arith.constant 112 : index
        %parallel_loop3A_267 = tpu.vector_load %arg10[%parallel_loop3A_265, %parallel_loop3A_266] {strides = array<i32>} : memref<128x128xf32, #tpu.memory_space<vmem>>, vector<16xf32>,
        %parallel_loop3A_268 = arith.mulf %parallel_loop3A_267, %parallel_loop3A_208 : vector<16xf32>
        %parallel_loop3A_269 = arith.mulf %parallel_loop3A_268, %get3A_37 : vector<16xf32>
        %parallel_loop3A_270 = arith.index_cast %parallel_loop3A_206 : i32 to index
        %parallel_loop3A_271 = arith.constant 112 : index
        %parallel_loop3A_272 = tpu.vector_load %arg10[%parallel_loop3A_270, %parallel_loop3A_271] {strides = array<i32>} : memref<128x128xf32, #tpu.memory_space<vmem>>, vector<16xf32>,
        tpu.vector_store %arg10[%parallel_loop3A_270, %parallel_loop3A_271], %parallel_loop3A_269 {strides = array<i32>} : memref<128x128xf32, #tpu.memory_space<vmem>>, vector<16xf32>,
      } {sc.loop_unroll_factor = 8 : i64, sc.parallel_access}
      %mul3A_133 = arith.constant 128 : i32
      %mul3A_134 = arith.muli %add3A_108, %mul3A_133 : i32
      %add3A_135 = arith.addi %mul3A_2, %mul3A_134 : i32
      %dma_start3A_136 = arith.constant 0 : i32
      %dma_start3A_137 = tpu.memref_slice %arg6[%add3A_135, %dma_start3A_136] : memref<327680x128xf32, #tpu.memory_space<hbm>> -> memref<128x128xf32, #tpu.memory_space<hbm>>
      %dma_start3A_138 = arith.constant 0 : i32
      %dma_start3A_139 = tpu.memref_slice %arg6[%add3A_135, %dma_start3A_138] : memref<327680x128xf32, #tpu.memory_space<hbm>> -> memref<128x128xf32, #tpu.memory_space<hbm>>
      tpu.enqueue_dma source(%arg10 : memref<128x128xf32, #tpu.memory_space<vmem>>) target(%dma_start3A_139 : memref<128x128xf32, #tpu.memory_space<hbm>>) target_semaphore(%arg27 : memref<!tpu.dma_semaphore, #tpu.memory_space<semaphore_mem>>)
      %add3A_140 = arith.constant 2 : i32
      %add3A_141 = arith.addi %add3A_77, %add3A_140 : i32
      %ge3A_142 = arith.constant 1 : i32
      %ge3A_143 = arith.cmpi sge, %add3A_141, %ge3A_142 : i32
      %convert_element_type3A_144 = arith.extui %ge3A_143 : i1 to i32
      %cond3A_145 = arith.constant 0 : i32
      %cond3A_146 = arith.cmpi ne, %convert_element_type3A_144, %cond3A_145 : i32
      scf.if %cond3A_146 {
        %sub3A_206 = arith.constant 1 : i32
        %sub3A_207 = arith.subi %add3A_141, %sub3A_206 : i32
        %mul3A_208 = arith.constant 128 : i32
        %mul3A_209 = arith.muli %sub3A_207, %mul3A_208 : i32
        %add3A_210 = arith.addi %mul3A_2, %mul3A_209 : i32
        %dma_wait3A_211 = arith.constant 0 : i32
        %dma_wait3A_212 = tpu.memref_slice %arg6[%add3A_210, %dma_wait3A_211] : memref<327680x128xf32, #tpu.memory_space<hbm>> -> memref<128x128xf32, #tpu.memory_space<hbm>>
        %dma_wait3A_213 = arith.constant 0 : i32
        %dma_wait3A_214 = tpu.memref_slice %arg6[%add3A_210, %dma_wait3A_213] : memref<327680x128xf32, #tpu.memory_space<hbm>> -> memref<128x128xf32, #tpu.memory_space<hbm>>
        tpu.wait_dma2 semaphore(%arg27 : memref<!tpu.dma_semaphore, #tpu.memory_space<semaphore_mem>>) src(%arg10 : memref<128x128xf32, #tpu.memory_space<vmem>>) dst(%dma_wait3A_214 : memref<128x128xf32, #tpu.memory_space<hbm>>)
      } else {
      }
      %add3A_147 = arith.constant 3 : i32
      %add3A_148 = arith.addi %add3A_141, %add3A_147 : i32
      %lt3A_149 = arith.constant 80 : i32
      %lt3A_150 = arith.cmpi slt, %add3A_148, %lt3A_149 : i32
      %convert_element_type3A_151 = arith.extui %lt3A_150 : i1 to i32
      %cond3A_152 = arith.constant 0 : i32
      %cond3A_153 = arith.cmpi ne, %convert_element_type3A_151, %cond3A_152 : i32
      scf.if %cond3A_153 {
        %add3A_206 = arith.constant 3 : i32
        %add3A_207 = arith.addi %add3A_141, %add3A_206 : i32
        %mul3A_208 = arith.constant 128 : i32
        %mul3A_209 = arith.muli %add3A_207, %mul3A_208 : i32
        %dma_start3A_210 = tpu.memref_slice %arg7[%mul3A_209] : memref<10240xi32, #tpu.memory_space<vmem>> -> memref<128xi32, #tpu.memory_space<vmem>>
        %dma_start3A_211 = arith.constant 0 : i32
        %dma_start3A_212 = arith.constant 0 : i32
        %dma_start3A_213 = tpu.memref_slice %arg3[%dma_start3A_211, %dma_start3A_212] : memref<100000x128xf32, #tpu.memory_space<hbm>> -> memref<100000x128xf32, #tpu.memory_space<hbm>>
        tpu.enqueue_indirect_dma source(%dma_start3A_213 : memref<100000x128xf32, #tpu.memory_space<hbm>>) target(%arg10 : memref<128x128xf32, #tpu.memory_space<vmem>>) offsets(%dma_start3A_210 : memref<128xi32, #tpu.memory_space<vmem>>) semaphore(%arg19 : memref<!tpu.dma_semaphore, #tpu.memory_space<semaphore_mem>>)
        %dma_start3A_214 = tpu.memref_slice %arg8[%mul3A_209] : memref<10240xi32, #tpu.memory_space<vmem>> -> memref<128xi32, #tpu.memory_space<vmem>>
        %dma_start3A_215 = arith.constant 0 : i32
        %dma_start3A_216 = tpu.memref_slice %arg4[%dma_start3A_215] : memref<400000xf32, #tpu.memory_space<hbm>> -> memref<400000xf32, #tpu.memory_space<hbm>>
        tpu.enqueue_indirect_dma source(%dma_start3A_216 : memref<400000xf32, #tpu.memory_space<hbm>>) target(%arg14 : memref<128xf32, #tpu.memory_space<vmem>>) offsets(%dma_start3A_214 : memref<128xi32, #tpu.memory_space<vmem>>) semaphore(%arg23 : memref<!tpu.dma_semaphore, #tpu.memory_space<semaphore_mem>>)
      } else {
      }
      %mul3A_154 = arith.constant 128 : i32
      %mul3A_155 = arith.muli %add3A_141, %mul3A_154 : i32
      %dma_wait3A_156 = tpu.memref_slice %arg7[%mul3A_155] : memref<10240xi32, #tpu.memory_space<vmem>> -> memref<128xi32, #tpu.memory_space<vmem>>
      %dma_wait3A_157 = arith.constant 0 : i32
      %dma_wait3A_158 = arith.constant 0 : i32
      %dma_wait3A_159 = tpu.memref_slice %arg3[%dma_wait3A_157, %dma_wait3A_158] : memref<100000x128xf32, #tpu.memory_space<hbm>> -> memref<100000x128xf32, #tpu.memory_space<hbm>>
      tpu.wait_indirect_dma semaphore(%arg20 : memref<!tpu.dma_semaphore, #tpu.memory_space<semaphore_mem>>) src(%dma_wait3A_159 : memref<100000x128xf32, #tpu.memory_space<hbm>>) dst(%arg11 : memref<128x128xf32, #tpu.memory_space<vmem>>)
      %dma_wait3A_160 = tpu.memref_slice %arg8[%mul3A_155] : memref<10240xi32, #tpu.memory_space<vmem>> -> memref<128xi32, #tpu.memory_space<vmem>>
      %dma_wait3A_161 = arith.constant 0 : i32
      %dma_wait3A_162 = tpu.memref_slice %arg4[%dma_wait3A_161] : memref<400000xf32, #tpu.memory_space<hbm>> -> memref<400000xf32, #tpu.memory_space<hbm>>
      tpu.wait_indirect_dma semaphore(%arg24 : memref<!tpu.dma_semaphore, #tpu.memory_space<semaphore_mem>>) src(%dma_wait3A_162 : memref<400000xf32, #tpu.memory_space<hbm>>) dst(%arg15 : memref<128xf32, #tpu.memory_space<vmem>>)
      %parallel_loop3A_163 = arith.constant 0 : i32
      %parallel_loop3A_164 = arith.constant 128 : i32
      %parallel_loop3A_165 = arith.constant 1 : i32
      scf.for %parallel_loop3A_206 = %parallel_loop3A_163 to %parallel_loop3A_164 step %parallel_loop3A_165  : i32 {
        %parallel_loop3A_207 = vector.broadcast %parallel_loop3A_206 : i32 to vector<16xi32>
        %parallel_loop3A_208 = tpu.vector_load_idx %arg15[%parallel_loop3A_207] : memref<128xf32, #tpu.memory_space<vmem>>[vector<16xi32>], vector<16xf32>,
        %parallel_loop3A_209 = arith.index_cast %parallel_loop3A_206 : i32 to index
        %parallel_loop3A_210 = arith.constant 0 : index
        %parallel_loop3A_211 = tpu.vector_load %arg11[%parallel_loop3A_209, %parallel_loop3A_210] {strides = array<i32>} : memref<128x128xf32, #tpu.memory_space<vmem>>, vector<16xf32>,
        %parallel_loop3A_212 = arith.mulf %parallel_loop3A_211, %parallel_loop3A_208 : vector<16xf32>
        %parallel_loop3A_213 = arith.mulf %parallel_loop3A_212, %get3A_23 : vector<16xf32>
        %parallel_loop3A_214 = arith.index_cast %parallel_loop3A_206 : i32 to index
        %parallel_loop3A_215 = arith.constant 0 : index
        %parallel_loop3A_216 = tpu.vector_load %arg11[%parallel_loop3A_214, %parallel_loop3A_215] {strides = array<i32>} : memref<128x128xf32, #tpu.memory_space<vmem>>, vector<16xf32>,
        tpu.vector_store %arg11[%parallel_loop3A_214, %parallel_loop3A_215], %parallel_loop3A_213 {strides = array<i32>} : memref<128x128xf32, #tpu.memory_space<vmem>>, vector<16xf32>,
        %parallel_loop3A_217 = arith.index_cast %parallel_loop3A_206 : i32 to index
        %parallel_loop3A_218 = arith.constant 16 : index
        %parallel_loop3A_219 = tpu.vector_load %arg11[%parallel_loop3A_217, %parallel_loop3A_218] {strides = array<i32>} : memref<128x128xf32, #tpu.memory_space<vmem>>, vector<16xf32>,
        %parallel_loop3A_220 = arith.mulf %parallel_loop3A_219, %parallel_loop3A_208 : vector<16xf32>
        %parallel_loop3A_221 = arith.mulf %parallel_loop3A_220, %get3A_25 : vector<16xf32>
        %parallel_loop3A_222 = arith.index_cast %parallel_loop3A_206 : i32 to index
        %parallel_loop3A_223 = arith.constant 16 : index
        %parallel_loop3A_224 = tpu.vector_load %arg11[%parallel_loop3A_222, %parallel_loop3A_223] {strides = array<i32>} : memref<128x128xf32, #tpu.memory_space<vmem>>, vector<16xf32>,
        tpu.vector_store %arg11[%parallel_loop3A_222, %parallel_loop3A_223], %parallel_loop3A_221 {strides = array<i32>} : memref<128x128xf32, #tpu.memory_space<vmem>>, vector<16xf32>,
        %parallel_loop3A_225 = arith.index_cast %parallel_loop3A_206 : i32 to index
        %parallel_loop3A_226 = arith.constant 32 : index
        %parallel_loop3A_227 = tpu.vector_load %arg11[%parallel_loop3A_225, %parallel_loop3A_226] {strides = array<i32>} : memref<128x128xf32, #tpu.memory_space<vmem>>, vector<16xf32>,
        %parallel_loop3A_228 = arith.mulf %parallel_loop3A_227, %parallel_loop3A_208 : vector<16xf32>
        %parallel_loop3A_229 = arith.mulf %parallel_loop3A_228, %get3A_27 : vector<16xf32>
        %parallel_loop3A_230 = arith.index_cast %parallel_loop3A_206 : i32 to index
        %parallel_loop3A_231 = arith.constant 32 : index
        %parallel_loop3A_232 = tpu.vector_load %arg11[%parallel_loop3A_230, %parallel_loop3A_231] {strides = array<i32>} : memref<128x128xf32, #tpu.memory_space<vmem>>, vector<16xf32>,
        tpu.vector_store %arg11[%parallel_loop3A_230, %parallel_loop3A_231], %parallel_loop3A_229 {strides = array<i32>} : memref<128x128xf32, #tpu.memory_space<vmem>>, vector<16xf32>,
        %parallel_loop3A_233 = arith.index_cast %parallel_loop3A_206 : i32 to index
        %parallel_loop3A_234 = arith.constant 48 : index
        %parallel_loop3A_235 = tpu.vector_load %arg11[%parallel_loop3A_233, %parallel_loop3A_234] {strides = array<i32>} : memref<128x128xf32, #tpu.memory_space<vmem>>, vector<16xf32>,
        %parallel_loop3A_236 = arith.mulf %parallel_loop3A_235, %parallel_loop3A_208 : vector<16xf32>
        %parallel_loop3A_237 = arith.mulf %parallel_loop3A_236, %get3A_29 : vector<16xf32>
        %parallel_loop3A_238 = arith.index_cast %parallel_loop3A_206 : i32 to index
        %parallel_loop3A_239 = arith.constant 48 : index
        %parallel_loop3A_240 = tpu.vector_load %arg11[%parallel_loop3A_238, %parallel_loop3A_239] {strides = array<i32>} : memref<128x128xf32, #tpu.memory_space<vmem>>, vector<16xf32>,
        tpu.vector_store %arg11[%parallel_loop3A_238, %parallel_loop3A_239], %parallel_loop3A_237 {strides = array<i32>} : memref<128x128xf32, #tpu.memory_space<vmem>>, vector<16xf32>,
        %parallel_loop3A_241 = arith.index_cast %parallel_loop3A_206 : i32 to index
        %parallel_loop3A_242 = arith.constant 64 : index
        %parallel_loop3A_243 = tpu.vector_load %arg11[%parallel_loop3A_241, %parallel_loop3A_242] {strides = array<i32>} : memref<128x128xf32, #tpu.memory_space<vmem>>, vector<16xf32>,
        %parallel_loop3A_244 = arith.mulf %parallel_loop3A_243, %parallel_loop3A_208 : vector<16xf32>
        %parallel_loop3A_245 = arith.mulf %parallel_loop3A_244, %get3A_31 : vector<16xf32>
        %parallel_loop3A_246 = arith.index_cast %parallel_loop3A_206 : i32 to index
        %parallel_loop3A_247 = arith.constant 64 : index
        %parallel_loop3A_248 = tpu.vector_load %arg11[%parallel_loop3A_246, %parallel_loop3A_247] {strides = array<i32>} : memref<128x128xf32, #tpu.memory_space<vmem>>, vector<16xf32>,
        tpu.vector_store %arg11[%parallel_loop3A_246, %parallel_loop3A_247], %parallel_loop3A_245 {strides = array<i32>} : memref<128x128xf32, #tpu.memory_space<vmem>>, vector<16xf32>,
        %parallel_loop3A_249 = arith.index_cast %parallel_loop3A_206 : i32 to index
        %parallel_loop3A_250 = arith.constant 80 : index
        %parallel_loop3A_251 = tpu.vector_load %arg11[%parallel_loop3A_249, %parallel_loop3A_250] {strides = array<i32>} : memref<128x128xf32, #tpu.memory_space<vmem>>, vector<16xf32>,
        %parallel_loop3A_252 = arith.mulf %parallel_loop3A_251, %parallel_loop3A_208 : vector<16xf32>
        %parallel_loop3A_253 = arith.mulf %parallel_loop3A_252, %get3A_33 : vector<16xf32>
        %parallel_loop3A_254 = arith.index_cast %parallel_loop3A_206 : i32 to index
        %parallel_loop3A_255 = arith.constant 80 : index
        %parallel_loop3A_256 = tpu.vector_load %arg11[%parallel_loop3A_254, %parallel_loop3A_255] {strides = array<i32>} : memref<128x128xf32, #tpu.memory_space<vmem>>, vector<16xf32>,
        tpu.vector_store %arg11[%parallel_loop3A_254, %parallel_loop3A_255], %parallel_loop3A_253 {strides = array<i32>} : memref<128x128xf32, #tpu.memory_space<vmem>>, vector<16xf32>,
        %parallel_loop3A_257 = arith.index_cast %parallel_loop3A_206 : i32 to index
        %parallel_loop3A_258 = arith.constant 96 : index
        %parallel_loop3A_259 = tpu.vector_load %arg11[%parallel_loop3A_257, %parallel_loop3A_258] {strides = array<i32>} : memref<128x128xf32, #tpu.memory_space<vmem>>, vector<16xf32>,
        %parallel_loop3A_260 = arith.mulf %parallel_loop3A_259, %parallel_loop3A_208 : vector<16xf32>
        %parallel_loop3A_261 = arith.mulf %parallel_loop3A_260, %get3A_35 : vector<16xf32>
        %parallel_loop3A_262 = arith.index_cast %parallel_loop3A_206 : i32 to index
        %parallel_loop3A_263 = arith.constant 96 : index
        %parallel_loop3A_264 = tpu.vector_load %arg11[%parallel_loop3A_262, %parallel_loop3A_263] {strides = array<i32>} : memref<128x128xf32, #tpu.memory_space<vmem>>, vector<16xf32>,
        tpu.vector_store %arg11[%parallel_loop3A_262, %parallel_loop3A_263], %parallel_loop3A_261 {strides = array<i32>} : memref<128x128xf32, #tpu.memory_space<vmem>>, vector<16xf32>,
        %parallel_loop3A_265 = arith.index_cast %parallel_loop3A_206 : i32 to index
        %parallel_loop3A_266 = arith.constant 112 : index
        %parallel_loop3A_267 = tpu.vector_load %arg11[%parallel_loop3A_265, %parallel_loop3A_266] {strides = array<i32>} : memref<128x128xf32, #tpu.memory_space<vmem>>, vector<16xf32>,
        %parallel_loop3A_268 = arith.mulf %parallel_loop3A_267, %parallel_loop3A_208 : vector<16xf32>
        %parallel_loop3A_269 = arith.mulf %parallel_loop3A_268, %get3A_37 : vector<16xf32>
        %parallel_loop3A_270 = arith.index_cast %parallel_loop3A_206 : i32 to index
        %parallel_loop3A_271 = arith.constant 112 : index
        %parallel_loop3A_272 = tpu.vector_load %arg11[%parallel_loop3A_270, %parallel_loop3A_271] {strides = array<i32>} : memref<128x128xf32, #tpu.memory_space<vmem>>, vector<16xf32>,
        tpu.vector_store %arg11[%parallel_loop3A_270, %parallel_loop3A_271], %parallel_loop3A_269 {strides = array<i32>} : memref<128x128xf32, #tpu.memory_space<vmem>>, vector<16xf32>,
      } {sc.loop_unroll_factor = 8 : i64, sc.parallel_access}
      %mul3A_166 = arith.constant 128 : i32
      %mul3A_167 = arith.muli %add3A_141, %mul3A_166 : i32
      %add3A_168 = arith.addi %mul3A_2, %mul3A_167 : i32
      %dma_start3A_169 = arith.constant 0 : i32
      %dma_start3A_170 = tpu.memref_slice %arg6[%add3A_168, %dma_start3A_169] : memref<327680x128xf32, #tpu.memory_space<hbm>> -> memref<128x128xf32, #tpu.memory_space<hbm>>
      %dma_start3A_171 = arith.constant 0 : i32
      %dma_start3A_172 = tpu.memref_slice %arg6[%add3A_168, %dma_start3A_171] : memref<327680x128xf32, #tpu.memory_space<hbm>> -> memref<128x128xf32, #tpu.memory_space<hbm>>
      tpu.enqueue_dma source(%arg11 : memref<128x128xf32, #tpu.memory_space<vmem>>) target(%dma_start3A_172 : memref<128x128xf32, #tpu.memory_space<hbm>>) target_semaphore(%arg28 : memref<!tpu.dma_semaphore, #tpu.memory_space<semaphore_mem>>)
      %add3A_173 = arith.constant 3 : i32
      %add3A_174 = arith.addi %add3A_77, %add3A_173 : i32
      %ge3A_175 = arith.constant 1 : i32
      %ge3A_176 = arith.cmpi sge, %add3A_174, %ge3A_175 : i32
      %convert_element_type3A_177 = arith.extui %ge3A_176 : i1 to i32
      %cond3A_178 = arith.constant 0 : i32
      %cond3A_179 = arith.cmpi ne, %convert_element_type3A_177, %cond3A_178 : i32
      scf.if %cond3A_179 {
        %sub3A_206 = arith.constant 1 : i32
        %sub3A_207 = arith.subi %add3A_174, %sub3A_206 : i32
        %mul3A_208 = arith.constant 128 : i32
        %mul3A_209 = arith.muli %sub3A_207, %mul3A_208 : i32
        %add3A_210 = arith.addi %mul3A_2, %mul3A_209 : i32
        %dma_wait3A_211 = arith.constant 0 : i32
        %dma_wait3A_212 = tpu.memref_slice %arg6[%add3A_210, %dma_wait3A_211] : memref<327680x128xf32, #tpu.memory_space<hbm>> -> memref<128x128xf32, #tpu.memory_space<hbm>>
        %dma_wait3A_213 = arith.constant 0 : i32
        %dma_wait3A_214 = tpu.memref_slice %arg6[%add3A_210, %dma_wait3A_213] : memref<327680x128xf32, #tpu.memory_space<hbm>> -> memref<128x128xf32, #tpu.memory_space<hbm>>
        tpu.wait_dma2 semaphore(%arg28 : memref<!tpu.dma_semaphore, #tpu.memory_space<semaphore_mem>>) src(%arg11 : memref<128x128xf32, #tpu.memory_space<vmem>>) dst(%dma_wait3A_214 : memref<128x128xf32, #tpu.memory_space<hbm>>)
      } else {
      }
      %add3A_180 = arith.constant 3 : i32
      %add3A_181 = arith.addi %add3A_174, %add3A_180 : i32
      %lt3A_182 = arith.constant 80 : i32
      %lt3A_183 = arith.cmpi slt, %add3A_181, %lt3A_182 : i32
      %convert_element_type3A_184 = arith.extui %lt3A_183 : i1 to i32
      %cond3A_185 = arith.constant 0 : i32
      %cond3A_186 = arith.cmpi ne, %convert_element_type3A_184, %cond3A_185 : i32
      scf.if %cond3A_186 {
        %add3A_206 = arith.constant 3 : i32
        %add3A_207 = arith.addi %add3A_174, %add3A_206 : i32
        %mul3A_208 = arith.constant 128 : i32
        %mul3A_209 = arith.muli %add3A_207, %mul3A_208 : i32
        %dma_start3A_210 = tpu.memref_slice %arg7[%mul3A_209] : memref<10240xi32, #tpu.memory_space<vmem>> -> memref<128xi32, #tpu.memory_space<vmem>>
        %dma_start3A_211 = arith.constant 0 : i32
        %dma_start3A_212 = arith.constant 0 : i32
        %dma_start3A_213 = tpu.memref_slice %arg3[%dma_start3A_211, %dma_start3A_212] : memref<100000x128xf32, #tpu.memory_space<hbm>> -> memref<100000x128xf32, #tpu.memory_space<hbm>>
        tpu.enqueue_indirect_dma source(%dma_start3A_213 : memref<100000x128xf32, #tpu.memory_space<hbm>>) target(%arg11 : memref<128x128xf32, #tpu.memory_space<vmem>>) offsets(%dma_start3A_210 : memref<128xi32, #tpu.memory_space<vmem>>) semaphore(%arg20 : memref<!tpu.dma_semaphore, #tpu.memory_space<semaphore_mem>>)
        %dma_start3A_214 = tpu.memref_slice %arg8[%mul3A_209] : memref<10240xi32, #tpu.memory_space<vmem>> -> memref<128xi32, #tpu.memory_space<vmem>>
        %dma_start3A_215 = arith.constant 0 : i32
        %dma_start3A_216 = tpu.memref_slice %arg4[%dma_start3A_215] : memref<400000xf32, #tpu.memory_space<hbm>> -> memref<400000xf32, #tpu.memory_space<hbm>>
        tpu.enqueue_indirect_dma source(%dma_start3A_216 : memref<400000xf32, #tpu.memory_space<hbm>>) target(%arg15 : memref<128xf32, #tpu.memory_space<vmem>>) offsets(%dma_start3A_214 : memref<128xi32, #tpu.memory_space<vmem>>) semaphore(%arg24 : memref<!tpu.dma_semaphore, #tpu.memory_space<semaphore_mem>>)
      } else {
      }
      %mul3A_187 = arith.constant 128 : i32
      %mul3A_188 = arith.muli %add3A_174, %mul3A_187 : i32
      %dma_wait3A_189 = tpu.memref_slice %arg7[%mul3A_188] : memref<10240xi32, #tpu.memory_space<vmem>> -> memref<128xi32, #tpu.memory_space<vmem>>
      %dma_wait3A_190 = arith.constant 0 : i32
      %dma_wait3A_191 = arith.constant 0 : i32
      %dma_wait3A_192 = tpu.memref_slice %arg3[%dma_wait3A_190, %dma_wait3A_191] : memref<100000x128xf32, #tpu.memory_space<hbm>> -> memref<100000x128xf32, #tpu.memory_space<hbm>>
      tpu.wait_indirect_dma semaphore(%arg21 : memref<!tpu.dma_semaphore, #tpu.memory_space<semaphore_mem>>) src(%dma_wait3A_192 : memref<100000x128xf32, #tpu.memory_space<hbm>>) dst(%arg12 : memref<128x128xf32, #tpu.memory_space<vmem>>)
      %dma_wait3A_193 = tpu.memref_slice %arg8[%mul3A_188] : memref<10240xi32, #tpu.memory_space<vmem>> -> memref<128xi32, #tpu.memory_space<vmem>>
      %dma_wait3A_194 = arith.constant 0 : i32
      %dma_wait3A_195 = tpu.memref_slice %arg4[%dma_wait3A_194] : memref<400000xf32, #tpu.memory_space<hbm>> -> memref<400000xf32, #tpu.memory_space<hbm>>
      tpu.wait_indirect_dma semaphore(%arg25 : memref<!tpu.dma_semaphore, #tpu.memory_space<semaphore_mem>>) src(%dma_wait3A_195 : memref<400000xf32, #tpu.memory_space<hbm>>) dst(%arg16 : memref<128xf32, #tpu.memory_space<vmem>>)
      %parallel_loop3A_196 = arith.constant 0 : i32
      %parallel_loop3A_197 = arith.constant 128 : i32
      %parallel_loop3A_198 = arith.constant 1 : i32
      scf.for %parallel_loop3A_206 = %parallel_loop3A_196 to %parallel_loop3A_197 step %parallel_loop3A_198  : i32 {
        %parallel_loop3A_207 = vector.broadcast %parallel_loop3A_206 : i32 to vector<16xi32>
        %parallel_loop3A_208 = tpu.vector_load_idx %arg16[%parallel_loop3A_207] : memref<128xf32, #tpu.memory_space<vmem>>[vector<16xi32>], vector<16xf32>,
        %parallel_loop3A_209 = arith.index_cast %parallel_loop3A_206 : i32 to index
        %parallel_loop3A_210 = arith.constant 0 : index
        %parallel_loop3A_211 = tpu.vector_load %arg12[%parallel_loop3A_209, %parallel_loop3A_210] {strides = array<i32>} : memref<128x128xf32, #tpu.memory_space<vmem>>, vector<16xf32>,
        %parallel_loop3A_212 = arith.mulf %parallel_loop3A_211, %parallel_loop3A_208 : vector<16xf32>
        %parallel_loop3A_213 = arith.mulf %parallel_loop3A_212, %get3A_23 : vector<16xf32>
        %parallel_loop3A_214 = arith.index_cast %parallel_loop3A_206 : i32 to index
        %parallel_loop3A_215 = arith.constant 0 : index
        %parallel_loop3A_216 = tpu.vector_load %arg12[%parallel_loop3A_214, %parallel_loop3A_215] {strides = array<i32>} : memref<128x128xf32, #tpu.memory_space<vmem>>, vector<16xf32>,
        tpu.vector_store %arg12[%parallel_loop3A_214, %parallel_loop3A_215], %parallel_loop3A_213 {strides = array<i32>} : memref<128x128xf32, #tpu.memory_space<vmem>>, vector<16xf32>,
        %parallel_loop3A_217 = arith.index_cast %parallel_loop3A_206 : i32 to index
        %parallel_loop3A_218 = arith.constant 16 : index
        %parallel_loop3A_219 = tpu.vector_load %arg12[%parallel_loop3A_217, %parallel_loop3A_218] {strides = array<i32>} : memref<128x128xf32, #tpu.memory_space<vmem>>, vector<16xf32>,
        %parallel_loop3A_220 = arith.mulf %parallel_loop3A_219, %parallel_loop3A_208 : vector<16xf32>
        %parallel_loop3A_221 = arith.mulf %parallel_loop3A_220, %get3A_25 : vector<16xf32>
        %parallel_loop3A_222 = arith.index_cast %parallel_loop3A_206 : i32 to index
        %parallel_loop3A_223 = arith.constant 16 : index
        %parallel_loop3A_224 = tpu.vector_load %arg12[%parallel_loop3A_222, %parallel_loop3A_223] {strides = array<i32>} : memref<128x128xf32, #tpu.memory_space<vmem>>, vector<16xf32>,
        tpu.vector_store %arg12[%parallel_loop3A_222, %parallel_loop3A_223], %parallel_loop3A_221 {strides = array<i32>} : memref<128x128xf32, #tpu.memory_space<vmem>>, vector<16xf32>,
        %parallel_loop3A_225 = arith.index_cast %parallel_loop3A_206 : i32 to index
        %parallel_loop3A_226 = arith.constant 32 : index
        %parallel_loop3A_227 = tpu.vector_load %arg12[%parallel_loop3A_225, %parallel_loop3A_226] {strides = array<i32>} : memref<128x128xf32, #tpu.memory_space<vmem>>, vector<16xf32>,
        %parallel_loop3A_228 = arith.mulf %parallel_loop3A_227, %parallel_loop3A_208 : vector<16xf32>
        %parallel_loop3A_229 = arith.mulf %parallel_loop3A_228, %get3A_27 : vector<16xf32>
        %parallel_loop3A_230 = arith.index_cast %parallel_loop3A_206 : i32 to index
        %parallel_loop3A_231 = arith.constant 32 : index
        %parallel_loop3A_232 = tpu.vector_load %arg12[%parallel_loop3A_230, %parallel_loop3A_231] {strides = array<i32>} : memref<128x128xf32, #tpu.memory_space<vmem>>, vector<16xf32>,
        tpu.vector_store %arg12[%parallel_loop3A_230, %parallel_loop3A_231], %parallel_loop3A_229 {strides = array<i32>} : memref<128x128xf32, #tpu.memory_space<vmem>>, vector<16xf32>,
        %parallel_loop3A_233 = arith.index_cast %parallel_loop3A_206 : i32 to index
        %parallel_loop3A_234 = arith.constant 48 : index
        %parallel_loop3A_235 = tpu.vector_load %arg12[%parallel_loop3A_233, %parallel_loop3A_234] {strides = array<i32>} : memref<128x128xf32, #tpu.memory_space<vmem>>, vector<16xf32>,
        %parallel_loop3A_236 = arith.mulf %parallel_loop3A_235, %parallel_loop3A_208 : vector<16xf32>
        %parallel_loop3A_237 = arith.mulf %parallel_loop3A_236, %get3A_29 : vector<16xf32>
        %parallel_loop3A_238 = arith.index_cast %parallel_loop3A_206 : i32 to index
        %parallel_loop3A_239 = arith.constant 48 : index
        %parallel_loop3A_240 = tpu.vector_load %arg12[%parallel_loop3A_238, %parallel_loop3A_239] {strides = array<i32>} : memref<128x128xf32, #tpu.memory_space<vmem>>, vector<16xf32>,
        tpu.vector_store %arg12[%parallel_loop3A_238, %parallel_loop3A_239], %parallel_loop3A_237 {strides = array<i32>} : memref<128x128xf32, #tpu.memory_space<vmem>>, vector<16xf32>,
        %parallel_loop3A_241 = arith.index_cast %parallel_loop3A_206 : i32 to index
        %parallel_loop3A_242 = arith.constant 64 : index
        %parallel_loop3A_243 = tpu.vector_load %arg12[%parallel_loop3A_241, %parallel_loop3A_242] {strides = array<i32>} : memref<128x128xf32, #tpu.memory_space<vmem>>, vector<16xf32>,
        %parallel_loop3A_244 = arith.mulf %parallel_loop3A_243, %parallel_loop3A_208 : vector<16xf32>
        %parallel_loop3A_245 = arith.mulf %parallel_loop3A_244, %get3A_31 : vector<16xf32>
        %parallel_loop3A_246 = arith.index_cast %parallel_loop3A_206 : i32 to index
        %parallel_loop3A_247 = arith.constant 64 : index
        %parallel_loop3A_248 = tpu.vector_load %arg12[%parallel_loop3A_246, %parallel_loop3A_247] {strides = array<i32>} : memref<128x128xf32, #tpu.memory_space<vmem>>, vector<16xf32>,
        tpu.vector_store %arg12[%parallel_loop3A_246, %parallel_loop3A_247], %parallel_loop3A_245 {strides = array<i32>} : memref<128x128xf32, #tpu.memory_space<vmem>>, vector<16xf32>,
        %parallel_loop3A_249 = arith.index_cast %parallel_loop3A_206 : i32 to index
        %parallel_loop3A_250 = arith.constant 80 : index
        %parallel_loop3A_251 = tpu.vector_load %arg12[%parallel_loop3A_249, %parallel_loop3A_250] {strides = array<i32>} : memref<128x128xf32, #tpu.memory_space<vmem>>, vector<16xf32>,
        %parallel_loop3A_252 = arith.mulf %parallel_loop3A_251, %parallel_loop3A_208 : vector<16xf32>
        %parallel_loop3A_253 = arith.mulf %parallel_loop3A_252, %get3A_33 : vector<16xf32>
        %parallel_loop3A_254 = arith.index_cast %parallel_loop3A_206 : i32 to index
        %parallel_loop3A_255 = arith.constant 80 : index
        %parallel_loop3A_256 = tpu.vector_load %arg12[%parallel_loop3A_254, %parallel_loop3A_255] {strides = array<i32>} : memref<128x128xf32, #tpu.memory_space<vmem>>, vector<16xf32>,
        tpu.vector_store %arg12[%parallel_loop3A_254, %parallel_loop3A_255], %parallel_loop3A_253 {strides = array<i32>} : memref<128x128xf32, #tpu.memory_space<vmem>>, vector<16xf32>,
        %parallel_loop3A_257 = arith.index_cast %parallel_loop3A_206 : i32 to index
        %parallel_loop3A_258 = arith.constant 96 : index
        %parallel_loop3A_259 = tpu.vector_load %arg12[%parallel_loop3A_257, %parallel_loop3A_258] {strides = array<i32>} : memref<128x128xf32, #tpu.memory_space<vmem>>, vector<16xf32>,
        %parallel_loop3A_260 = arith.mulf %parallel_loop3A_259, %parallel_loop3A_208 : vector<16xf32>
        %parallel_loop3A_261 = arith.mulf %parallel_loop3A_260, %get3A_35 : vector<16xf32>
        %parallel_loop3A_262 = arith.index_cast %parallel_loop3A_206 : i32 to index
        %parallel_loop3A_263 = arith.constant 96 : index
        %parallel_loop3A_264 = tpu.vector_load %arg12[%parallel_loop3A_262, %parallel_loop3A_263] {strides = array<i32>} : memref<128x128xf32, #tpu.memory_space<vmem>>, vector<16xf32>,
        tpu.vector_store %arg12[%parallel_loop3A_262, %parallel_loop3A_263], %parallel_loop3A_261 {strides = array<i32>} : memref<128x128xf32, #tpu.memory_space<vmem>>, vector<16xf32>,
        %parallel_loop3A_265 = arith.index_cast %parallel_loop3A_206 : i32 to index
        %parallel_loop3A_266 = arith.constant 112 : index
        %parallel_loop3A_267 = tpu.vector_load %arg12[%parallel_loop3A_265, %parallel_loop3A_266] {strides = array<i32>} : memref<128x128xf32, #tpu.memory_space<vmem>>, vector<16xf32>,
        %parallel_loop3A_268 = arith.mulf %parallel_loop3A_267, %parallel_loop3A_208 : vector<16xf32>
        %parallel_loop3A_269 = arith.mulf %parallel_loop3A_268, %get3A_37 : vector<16xf32>
        %parallel_loop3A_270 = arith.index_cast %parallel_loop3A_206 : i32 to index
        %parallel_loop3A_271 = arith.constant 112 : index
        %parallel_loop3A_272 = tpu.vector_load %arg12[%parallel_loop3A_270, %parallel_loop3A_271] {strides = array<i32>} : memref<128x128xf32, #tpu.memory_space<vmem>>, vector<16xf32>,
        tpu.vector_store %arg12[%parallel_loop3A_270, %parallel_loop3A_271], %parallel_loop3A_269 {strides = array<i32>} : memref<128x128xf32, #tpu.memory_space<vmem>>, vector<16xf32>,
      } {sc.loop_unroll_factor = 8 : i64, sc.parallel_access}
      %mul3A_199 = arith.constant 128 : i32
      %mul3A_200 = arith.muli %add3A_174, %mul3A_199 : i32
      %add3A_201 = arith.addi %mul3A_2, %mul3A_200 : i32
      %dma_start3A_202 = arith.constant 0 : i32
      %dma_start3A_203 = tpu.memref_slice %arg6[%add3A_201, %dma_start3A_202] : memref<327680x128xf32, #tpu.memory_space<hbm>> -> memref<128x128xf32, #tpu.memory_space<hbm>>
      %dma_start3A_204 = arith.constant 0 : i32
      %dma_start3A_205 = tpu.memref_slice %arg6[%add3A_201, %dma_start3A_204] : memref<327680x128xf32, #tpu.memory_space<hbm>> -> memref<128x128xf32, #tpu.memory_space<hbm>>
      tpu.enqueue_dma source(%arg12 : memref<128x128xf32, #tpu.memory_space<vmem>>) target(%dma_start3A_205 : memref<128x128xf32, #tpu.memory_space<hbm>>) target_semaphore(%arg29 : memref<!tpu.dma_semaphore, #tpu.memory_space<semaphore_mem>>)
    }
    %scan3A_67 = arith.constant 20 : i32
    %add3A_68 = arith.constant 10112 : i32
    %add3A_69 = arith.addi %mul3A_2, %add3A_68 : i32
    %dma_wait3A = arith.constant 0 : i32
    %dma_wait3A_70 = tpu.memref_slice %arg6[%add3A_69, %dma_wait3A] : memref<327680x128xf32, #tpu.memory_space<hbm>> -> memref<128x128xf32, #tpu.memory_space<hbm>>
    %dma_wait3A_71 = arith.constant 0 : i32
    %dma_wait3A_72 = tpu.memref_slice %arg6[%add3A_69, %dma_wait3A_71] : memref<327680x128xf32, #tpu.memory_space<hbm>> -> memref<128x128xf32, #tpu.memory_space<hbm>>
    tpu.wait_dma2 semaphore(%arg29 : memref<!tpu.dma_semaphore, #tpu.memory_space<semaphore_mem>>) src(%arg12 : memref<128x128xf32, #tpu.memory_space<vmem>>) dst(%dma_wait3A_72 : memref<128x128xf32, #tpu.memory_space<hbm>>)
    return
  }
}

</mosaic_0001>

<sc_bundles>
// kernel: kernel.3.cloned.1.call-start
scs
__scs_entry_jumppad:
0x0: {  	(pc) =	sbr.rel $0x88, $3  }
0x1: {  	(tag) =	ssettag $0x0;
	lr =	simm.s32 $0x1  }
0x2: {  	[smem:$0x3F9D] =	sst lr;
	_ =	strace $0xD0000000  }
0x3: {  	_ = 	snop  }
0x4: {  	_ = 	snop  }
0x5: {  	_ = 	snop  }
0x6: {  	_ = 	snop  }
0x7: {  	_ = 	snop  }
__scs_overlays_trampoline_lowered:
0x8: {  	[smem:$0x3FAC] =	sst s0  }
0x9: {  	[smem:$0x3FAD] =	sst s1  }
0xa: {  	[smem:$0x3FAE] =	sst s2  }
0xb: {  	[smem:$0x3FAF] =	sst s3  }
0xc: {  	[smem:$0x3FB0] =	sst s4  }
0xd: {  	[smem:$0x3FB1] =	sst s5  }
0xe: {  	[smem:$0x3FB2] =	sst s6  }
0xf: {  	[smem:$0x3FB3] =	sst s7  }
0x10: {  	[smem:$0x3FB4] =	sst s8  }
0x11: {  	[smem:$0x3FB5] =	sst s9;
	s0 =	simm.s32 @!p0 $0x0  }
0x12: {  	s1 =	sld [smem:$0x3F9B];
	s0 =	simm.s32 @p0 $0x1  }
0x13: {  	[smem:$0x3FB6] =	sst s0;
	s0 =	simm.s32 @!p1 $0x0  }
0x14: {  	s2 =	sld [smem:$0x3F9A];
	s0 =	simm.s32 @p1 $0x1  }
0x15: {  	[smem:$0x3FB7] =	sst s0;
	s0 =	simm.s32 @!p2 $0x0  }
0x16: {  	s3 =	sld [smem:$0x3FDB];
	s0 =	simm.s32 @p2 $0x1  }
0x17: {  	s4 =	simm.s32 $0x1BF5;
	[smem:$0x3FB9] =	sst s0  }
0x18: {  	s0 =	sld [smem:$0x3F9C];
	_ =	swait.ge [sflag:s4], $0x0  }
0x19: {  	s7 =	sld [smem:$0x3F9D]  }
0x1a: {  	s8 =	sadd.s32 $0xFFFFE003, lr  }
0x1b: {  	s9 =	sadd.s32 $0xFFFFFEF7, lr;
	s5 =	simm.s32 $0xFFFFFFFF;
	p2 =	slt.u32 s8, $0xFFFFF086  }
0x1c: {  	p1 =	slt.u32 s9, $0xF7A;
	s5 =	simm.s32 @!p2 $0x0  }
0x1d: {  	s5 =	simm.s32 @p1 $0x1;
	p0 =	seq.s32 s7, s2  }
0x1e: {  	s7 =	smul.u32 @!p0 $0xF7A, s2;
	p2 =	seq.s32 @!p0 s5, $0x0  }
0x1f: {  	s9 =	smul.u32 $0xF7A, s1;
	s8 =	simm.s32 @!p0 $0x1BF5;
	p2 =	por !p2, p0  }
0x20: {  	[sflag:s8] =	ssyncset.s32 @!p0 $0xFFFFF086;
	s6 =	sadd.s32 @!p0 s3, s7;
	s7 =	simm.s32 @!p0 $0x108  }
0x21: {  	s3 =	sadd.s32 s3, s9;
	s6 =	sadd.s32 @!p0 $0x88, s6;
	s7 =	simm.s32 @p2 $0x1082  }
0x22: {  	[simem:s7], [sflag:s8] =	dma.local @!p0 [hbm:s6], $0xF7A  }
0x23: {  	s9 =	sor.u32 $0xD0000000, s2;
	s6 =	simm.s32 $0x108;
	_ =	swait.ge @!p0 [sflag:s8], $0x0  }
0x24: {  	s3 =	sadd.s32 $0x88, s3;
	s6 =	simm.s32 @!p1 $0x1082;
	[sflag:s4] =	ssyncset.s32 $0xFFFFF086  }
0x25: {  	[simem:s6], [sflag:s4] =	dma.local [hbm:s3], $0xF7A  }
0x26: {  	[smem:$0x3F9D] =	sst s1;
	(tag) =	ssettag s2;
	_ =	strace s9  }
0x27: {  	s1 =	sld [smem:$0x3FAD]  }
0x28: {  	s2 =	sld [smem:$0x3FAE]  }
0x29: {  	s4 =	sld [smem:$0x3FB0]  }
0x2a: {  	p0 =	seq.s32 s5, $0x0;
	s5 =	sld [smem:$0x3FB1]  }
0x2b: {  	s6 =	sld [smem:$0x3FB2]  }
0x2c: {  	s7 =	sld [smem:$0x3FB3]  }
0x2d: {  	s3 =	simm.s32 $0x108;
	s8 =	sld [smem:$0x3FB4]  }
0x2e: {  	s3 =	simm.s32 @!p0 $0x1082;
	s9 =	sld [smem:$0x3FB5]  }
0x2f: {  	lr =	sadd.s32 s0, s3;
	s0 =	sld [smem:$0x3FAC]  }
0x30: {  	s3 =	sld [smem:$0x3FAF]  }
0x31: {  	[smem:$0x3FB8] =	sst s10  }
0x32: {  	s10 =	sld [smem:$0x3FB6];
	_ =	sdelay $0x3  }
0x33: {  	p0 =	seq.s32 s10, $0x1;
	s10 =	sld [smem:$0x3FB8];
	_ =	sdelay $0x3  }
0x34: {  	[smem:$0x3FB8] =	sst s10  }
0x35: {  	s10 =	sld [smem:$0x3FB7];
	_ =	sdelay $0x3  }
0x36: {  	p1 =	seq.s32 s10, $0x1;
	s10 =	sld [smem:$0x3FB8];
	_ =	sdelay $0x3  }
0x37: {  	[smem:$0x3FB8] =	sst s10  }
0x38: {  	s10 =	sld [smem:$0x3FB9]  }
0x39: {  	_ = 	snop;
	(pc) =	sbr.ind lr, $3  }
0x3a: {  	_ = 	snop  }
0x3b: {  	_ = 	snop  }
0x3c: {  	p2 =	seq.s32 s10, $0x1;
	s10 =	sld [smem:$0x3FB8]  }
0x3d: {  	_ =	shalt  }
0x3e: {  	_ =	shalt  }
0x3f: {  	_ =	shalt  }
0x40: {  	_ =	shalt  }
0x41: {  	_ =	shalt  }
0x42: {  	_ =	shalt  }
0x43: {  	_ =	shalt  }
0x44: {  	_ =	shalt  }
0x45: {  	_ =	shalt  }
0x46: {  	_ =	shalt  }
0x47: {  	_ =	shalt  }
0x48: {  	_ =	shalt  }
0x49: {  	_ =	shalt  }
0x4a: {  	_ =	shalt  }
0x4b: {  	_ =	shalt  }
0x4c: {  	_ =	shalt  }
0x4d: {  	_ =	shalt  }
0x4e: {  	_ =	shalt  }
0x4f: {  	_ =	shalt  }
0x50: {  	_ =	shalt  }
0x51: {  	_ =	shalt  }
0x52: {  	_ =	shalt  }
0x53: {  	_ =	shalt  }
0x54: {  	_ =	shalt  }
0x55: {  	_ =	shalt  }
0x56: {  	_ =	shalt  }
0x57: {  	_ =	shalt  }
0x58: {  	_ =	shalt  }
0x59: {  	_ =	shalt  }
0x5a: {  	_ =	shalt  }
0x5b: {  	_ =	shalt  }
0x5c: {  	_ =	shalt  }
0x5d: {  	_ =	shalt  }
0x5e: {  	_ =	shalt  }
0x5f: {  	_ =	shalt  }
0x60: {  	_ =	shalt  }
0x61: {  	_ =	shalt  }
0x62: {  	_ =	shalt  }
0x63: {  	_ =	shalt  }
0x64: {  	_ =	shalt  }
0x65: {  	_ =	shalt  }
0x66: {  	_ =	shalt  }
0x67: {  	_ =	shalt  }
0x68: {  	_ =	shalt  }
0x69: {  	_ =	shalt  }
0x6a: {  	_ =	shalt  }
0x6b: {  	_ =	shalt  }
0x6c: {  	_ =	shalt  }
0x6d: {  	_ =	shalt  }
0x6e: {  	_ =	shalt  }
0x6f: {  	_ =	shalt  }
0x70: {  	_ =	shalt  }
0x71: {  	_ =	shalt  }
0x72: {  	_ =	shalt  }
0x73: {  	_ =	shalt  }
0x74: {  	_ =	shalt  }
0x75: {  	_ =	shalt  }
0x76: {  	_ =	shalt  }
0x77: {  	_ =	shalt  }
0x78: {  	_ =	shalt  }
0x79: {  	_ =	shalt  }
0x7a: {  	_ =	shalt  }
0x7b: {  	_ =	shalt  }
0x7c: {  	_ =	shalt  }
0x7d: {  	_ =	shalt  }
0x7e: {  	_ =	shalt  }
0x7f: {  	_ =	shalt  }
0x80: {  	_ =	shalt  }
0x81: {  	_ =	shalt  }
0x82: {  	_ =	shalt  }
0x83: {  	_ =	shalt  }
0x84: {  	_ =	shalt  }
0x85: {  	_ =	shalt  }
0x86: {  	_ =	shalt  }
0x87: {  	_ =	shalt  }
.Lfunc_end0:
.L_simem_size_0:
called_computation_lowered:
.L_overlay_start_0:
0x88: {  	s2 =	sld [smem:$0x3FD9]  }
0x89: {  	s3 =	sld [smem:$0x3FFE];
	_ =	sdelay $0x1  }
0x8a: {  	s1 =	srdreg.scid  }
0x8b: {  	s0 =	sand.u32 $0x1, s1  }
0x8c: {  	s17 =	sshll.u32 s0, $0xA;
	s2 =	sadd.s32 s3, s2  }
0x8d: {  	s2 =	sadd.s32 s2, s17  }
0x8e: {  	[smem:$0x3FC4] =	sst s2  }
0x8f: {  	_ = 	snop  }
0x90: {  	s2 =	sld [smem:$0x3FC8]  }
0x91: {  	s18 =	sld [smem:$0x3FC6]  }
0x92: {  	s4 =	sld [smem:$0x3FD0];
	(tm) =	ssettm $0x1  }
0x93: {  	s5 =	sld [smem:$0x3FFB];
	_ =	sdelay $0x3  }
0x94: {  	_ =	strace s5  }
0x95: {  	s5 =	sld [smem:$0x3FFC];
	_ =	sdelay $0x3  }
0x96: {  	_ =	strace s5  }
0x97: {  	s5 =	sld [smem:$0x3FFD];
	_ =	sdelay $0x3  }
0x98: {  	_ =	strace s5  }
0x99: {  	_ =	strace $0x8FFFFFFF  }
0x9a: {  	s19 =	sld [smem:$0x3FDB];
	_ =	sdelay $0x1  }
0x9b: {  	s6 =	simm.s32 $_scs_section_size  }
0x9c: {  	s7 =	simm.s32 $_size__tile_overlayer_lowered;
	s8 =	simm.s32 $_tile_overlayer_lowered  }
0x9d: {  	s22 =	simm.s32 $0x1BFF;
	s21 =	sshll.u32 s8, $0x1;
	s5 =	sadd.s32 s6, s19  }
0x9e: {  	s9 =	simm.s32 $0x0;
	s20 =	sshll.u32 s7, $0x1;
	s7 =	sadd.s32 s21, s5  }
0x9f: {  	[timem:s9], [sflag:s22] =	dma.local [hbm:s7], s20  }
0xa0: {  	_ =	swait.ge [sflag:s22], s20  }
0xa1: {  	s6 =	ssub.s32 $0x0, s20;
	[sflag:s22] =	ssyncset.done $0x0  }
0xa2: {  	[sflag:s22] =	ssyncadd.s32 s6;
	_ =	sdelay $0x1  }
0xa3: {  	s23 =	simm.s32 $0x1B8B  }
0xa4: {  	_ =	swait.ge [sflag:s23], $0x1  }
0xa5: {  	[sflag:s23] =	ssyncset.done $0x0  }
0xa6: {  	s25 =	simm.s32 $0x1B8E;
	s24 =	sld [smem:$0x3FFE];
	[sflag:s23] =	ssyncadd.s32 $0xFFFFFFFF  }
0xa7: {  	s26 =	simm.s32 $execute0_lowered;
	[smem:$0x3FD2] =	sst s25  }
0xa8: {  	s7 =	sshll.u32 s26, $0x1;
	_ =	strace $0x80000046;
	[dreg:$0x1] =	wrdreg $0xFFFFFFFF  }
0xa9: {  	s28 =	simm.s32 $_size_execute0_lowered;
	s5 =	sadd.s32 s5, s7;
	[dreg:$0x0] =	wrdreg $0x0  }
0xaa: {  	s7 =	sshll.u32 s28, $0x1;
	[dreg:$0x2] =	wrdreg s5  }
0xab: {  	[dreg:$0x3] =	wrdreg s7  }
0xac: {  	[dreg:$0x4] =	wrdreg $0xC0  }
0xad: {  	_ =	task [dreg:s9], $0x5FFFF  }
0xae: {  	[dreg:$0x1] =	wrdreg $0xFFFFFFFF  }
0xaf: {  	[dreg:$0x0] =	wrdreg $0x60  }
0xb0: {  	[dreg:$0x2] =	wrdreg s24  }
0xb1: {  	[dreg:$0x3] =	wrdreg s2  }
0xb2: {  	[dreg:$0x4] =	wrdreg s18  }
0xb3: {  	[dreg:$0x5] =	wrdreg s4  }
0xb4: {  	[dreg:$0x6] =	wrdreg $0x9  }
0xb5: {  	_ =	task.clear_ibuf [dreg:s9], $0x7FFFF;
	_ =	strace $0x90000046  }
0xb6: {  	s29 =	simm.s32 $0x9;
	_ =	strace $0x80000048  }
0xb7: {  	_ =	swait.ge [sflag:s29], $0x1  }
0xb8: {  	[sflag:s29] =	ssyncadd.s32 $0xFFFFFFFF  }
0xb9: {  	_ =	strace $0x90000048  }
0xba: {  	_ =	sfence  }
0xbb: {  	s30 =	sld [smem:$0x0];
	_ =	sdelay $0x2  }
0xbc: {  	s31 =	sshll.u32 s1, $0xD;
	s1 =	sshrl.u32 s1, $0x2  }
0xbd: {  	s3 =	sand.u32 $0x4000, s31;
	s1 =	sadd.s32 s1, s30  }
0xbe: {  	s0 =	sor.u32 s3, s0;
	s1 =	sshll.u32 s1, $0x11  }
0xbf: {  	s0 =	sor.u32 s1, s0  }
0xc0: {  	s0 =	sadd.s32 $0x8F2B, s0  }
0xc1: {  	[sflag:s0] =	ssyncadd.remote.s32 $0x1  }
0xc2: {  	_ =	sfence.sel $0xFFFF  }
0xc3: {  	[dreg:$0x0] =	wrdreg $0xFFFFFFFF;
	(pc) =	sbr.abs _section_cstart, $3  }
0xc4: {  	[dreg:$0x1] =	wrdreg $0xFFFFFFFF  }
0xc5: {  	_ =	task.clear_ibuf [dreg:s9], $0x2FFFF;
	_ =	strace $0x9FFFFFFF  }
0xc6: {  	(tm) =	ssettm $0x7FFFFFFF  }
0xc7: {  	_ =	shalt  }
tec
execute0_lowered:
.L_overlay_start_1:
0x0: {  	(tag) =	ssettag $0x1  }
0x1: {  	s0 =	rddreg [dreg:$0x0]  }
0x2: {  	s2 =	srdreg.scid;
	s1 =	rddreg [dreg:$0x1]  }
0x3: {  	s11 =	stileid.u32;
	s6 =	rddreg [dreg:$0x2];
	s4 =	simm.s32 $0x0  }
0x4: {  	s14 =	simm.s32 $0x80;
	s17 =	simm.s32 $0x15000;
	s20 =	simm.s32 $0x15080  }
0x5: {  	s28 =	simm.s32 $0x1;
	s29 =	simm.s32 $0x5;
	s30 =	simm.s32 $0x9  }
0x6: {  	s31 =	simm.s32 $0x2;
	s13 =	simm.s32 $0x3;
	s16 =	simm.s32 $0x7  }
0x7: {  	s19 =	simm.s32 $0xB;
	s2 =	sand.u32 $0x1, s2;
	s3 =	sshll.u32 s11, $0x1  }
0x8: {  	[smem:$0x7FF] =	sst s4;
	s22 =	sshrl.u32 s11, $0x2;
	s7 =	sor.u32 s2, s3  }
0x9: {  	s3 =	rddreg [dreg:$0x3];
	s2 =	ssub.s32 $0x2, s2;
	s11 =	smul.u32 $0x186A0, s22  }
0xa: {  	_ =	strace $0x80000047;
	s23 =	sshll.u32 s22, $0x4;
	s10 =	smul.u32 $0x2800, s7  }
0xb: {  	s9 =	sshrl.u32 s2, $0x1;
	s24 =	sadd.s32 s6, s23;
	s23 =	simm.s32 $0x8  }
0xc: {  	s21 =	ssub.s32 s2, s9;
	[dreg:$0x6] =	wrdreg s24;
	s24 =	simm.s32 $0x15100  }
0xd: {  	s2 =	simm.s32 $0x6;
	s9 =	simm.s32 $0x0;
	s25 =	sor.u32 $0x80, s10  }
0xe: {  	s5 =	sshrl.u32 s10, $0x3;
	s26 =	sor.u32 $0x100, s10;
	[dreg:$0x7] =	wrdreg s25  }
0xf: {  	s8 =	sadd.s32 s5, s0;
	s5 =	sadd.s32 $0xA600, s0;
	[dreg:$0x8] =	wrdreg s26  }
0x10: {  	s0 =	smax.u32 s21, $0x1;
	s25 =	simm.s32 $0x11000;
	s26 =	simm.s32 $0x15180  }
0x11: {  	s21 =	simm.s32 $0x4;
	s8 =	sadd.s32 $0x600, s8;
	[dreg:$0x9] =	wrdreg s0  }
0x12: {  	v0 =	vmov s11;
	s0 =	simm.s32 $0xA;
	[dreg:$0x5] =	wrdreg s8;
	s8 =	smul.u32 $0x140000, s7  }
.LBB2_1:
0x13: {  	[dreg:$0xa] =	wrdreg s9  }
0x14: {  	s6 =	rddreg [dreg:$0x5];
	s7 =	simm.s32 $0xD  }
0x15: {  	[tilespmem:s4], [sflag:$0xD] =	stream.linear.gather [hbm4b:s6+s4], $0x2800, $0x38;
	[tilespmem:$0x15280] =	vst v63  }
0x16: {  	_ =	swait.ge [sflag:s7], $0x2800  }
0x17: {  	[sflag:s7] =	ssyncset.done $0x0  }
0x18: {  	s18 =	simm.s32 $0x15200;
	s15 =	rddreg [dreg:$0x6];
	[sflag:s7] =	ssyncadd.s32 $0xFFFFD800  }
0x19: {  	[tilespmem:s18], [sflag:$0xD] =	stream.linear.gather [hbm4b:s15+s4], $0x80, $0x38;
	[tilespmem:$0x15280] =	vst v63  }
0x1a: {  	_ =	swait.ge [sflag:s7], $0x80  }
0x1b: {  	[sflag:s7] =	ssyncset.done $0x0  }
0x1c: {  	s22 =	simm.s32 $0x20;
	[sflag:s7] =	ssyncadd.s32 $0xFFFFFF80  }
0x1d: {  	v1 =	vld [tilespmem:s22+$0xFFFFFFE0]  }
0x1e: {  	v3 =	vld [tilespmem:s22+$0x0]  }
0x1f: {  	v2 =	vld [tilespmem:s22+$0x10]  }
0x20: {  	v4 =	vld [tilespmem:s22+$0xFFFFFFF0];
	_ =	sdelay $0x1  }
0x21: {  	s6 =	simm.s32 $0x2820;
	s7 =	simm.s32 $0x60;
	v5 =	vadd.s32 v0, v1  }
0x22: {  	v1 =	vld [tilespmem:s7+$0xFFFFFFE0];
	v6 =	vadd.s32 v0, v3;
	[tilespmem:s6+$0xFFFFFFE0] =	vst v5  }
0x23: {  	v3 =	vld [tilespmem:s7+$0x0];
	v5 =	vadd.s32 v0, v2;
	[tilespmem:s6+$0x0] =	vst v6  }
0x24: {  	s11 =	simm.s32 $0x40;
	v4 =	vadd.s32 v0, v4;
	v2 =	vld [tilespmem:s7+$0x10];
	[tilespmem:s6+$0x10] =	vst v5  }
.LBB2_2:
0x25: {  	s11 =	sadd.s32 $0x40, s11  }
0x26: {  	v5 =	vld [tilespmem:s7+$0xFFFFFFF0];
	[tilespmem:s6+$0xFFFFFFF0] =	vst v4;
	s6 =	sadd.s32 $0x40, s6;
	p0 =	slt.u32 s11, $0x27C0  }
.Ltmp0:
0x27: {  	(pc) =	sbr.rel @p0 .LBB2_2-.Ltmp0, $4  }
0x28: {  	s7 =	sadd.s32 $0x40, s7;
	v4 =	vadd.s32 v0, v1  }
0x29: {  	v1 =	vld [tilespmem:s7+$0xFFFFFFE0];
	[tilespmem:s6+$0xFFFFFFE0] =	vst v4;
	v4 =	vadd.s32 v0, v2  }
0x2a: {  	v2 =	vld [tilespmem:s7+$0x10];
	v6 =	vadd.s32 v0, v3;
	[tilespmem:s6+$0x10] =	vst v4  }
0x2b: {  	v3 =	vld [tilespmem:s7+$0x0];
	v4 =	vadd.s32 v0, v5;
	[tilespmem:s6+$0x0] =	vst v6  }
0x2c: {  	v5 =	vld [tilespmem:s7+$0xFFFFFFF0];
	_ =	sdelay $0x1  }
0x2d: {  	[tilespmem:s6+$0xFFFFFFF0] =	vst v4;
	s22 =	sadd.s32 $0x40, s6;
	v1 =	vadd.s32 v0, v1  }
0x2e: {  	[tilespmem:s22+$0xFFFFFFE0] =	vst v1;
	v1 =	vadd.s32 v0, v2  }
0x2f: {  	v2 =	vadd.s32 v0, v3;
	[tilespmem:s22+$0x10] =	vst v1  }
0x30: {  	v1 =	vadd.s32 v0, v5;
	[tilespmem:s22+$0x0] =	vst v2  }
0x31: {  	[tilespmem:s22+$0xFFFFFFF0] =	vst v1  }
0x32: {  	v1 =	vld [tilespmem:$0x15200]  }
0x33: {  	v2 =	vld [tilespmem:$0x15210]  }
0x34: {  	v3 =	vld [tilespmem:$0x15220]  }
0x35: {  	v4 =	vld [tilespmem:$0x15230]  }
0x36: {  	v5 =	vld [tilespmem:$0x15240]  }
0x37: {  	v6 =	vld [tilespmem:$0x15250]  }
0x38: {  	s6 =	simm.s32 $0x0;
	s9 =	simm.s32 $0x5000;
	v7 =	vld [tilespmem:$0x15260]  }
0x39: {  	v8 =	vld [tilespmem:$0x15270];
	[tilespmem:s9], [sflag:$0x1] =	stream.indirect.gather [hbm4b:s1+s14], $0x80, s6, s14, $0xb8  }
0x3a: {  	s10 =	simm.s32 $0x2800  }
0x3b: {  	[tilespmem:s17], [sflag:$0x5] =	stream.indirect.gather [hbm4b:s5+s14], $0x1, s10, s14, $0xb8;
	[tilespmem:$0x15280] =	vst v63  }
0x3c: {  	s11 =	simm.s32 $0x9000  }
0x3d: {  	[tilespmem:s11], [sflag:$0x2] =	stream.indirect.gather [hbm4b:s1+s14], $0x80, s14, s14, $0xb8;
	[tilespmem:$0x15280] =	vst v63  }
0x3e: {  	s12 =	simm.s32 $0x2880  }
0x3f: {  	[tilespmem:s20], [sflag:$0x6] =	stream.indirect.gather [hbm4b:s5+s14], $0x1, s12, s14, $0xb8;
	[tilespmem:$0x15280] =	vst v63  }
0x40: {  	s15 =	simm.s32 $0x100;
	s18 =	simm.s32 $0xD000  }
0x41: {  	[tilespmem:s18], [sflag:$0x3] =	stream.indirect.gather [hbm4b:s1+s14], $0x80, s15, s14, $0xb8;
	[tilespmem:$0x15280] =	vst v63  }
0x42: {  	s22 =	simm.s32 $0x2900;
	s6 =	simm.s32 $0x0  }
0x43: {  	[tilespmem:s24], [sflag:$0x7] =	stream.indirect.gather [hbm4b:s5+s14], $0x1, s22, s14, $0xb8;
	[tilespmem:$0x15280] =	vst v63  }
.LBB2_4:
0x44: {  	p0 =	seq.s32 s6, $0x0  }
0x45: {  	s7 =	simm.s32 @!p0 $0xC  }
0x46: {  	s11 =	sshll.u32 s6, $0x2;
	_ =	swait.ge @!p0 [sflag:s7], $0x4000  }
0x47: {  	s12 =	sor.u32 $0x3, s11;
	[sflag:s7] =	ssyncset.done @!p0 $0x0  }
0x48: {  	s15 =	simm.s32 $0x1;
	s10 =	sshll.u32 s12, $0x7;
	[sflag:s7] =	ssyncadd.s32 @!p0 $0xFFFFC000  }
0x49: {  	[tilespmem:s25], [sflag:$0x4] =	stream.indirect.gather [hbm4b:s1+s14], $0x80, s10, s14, $0xb8;
	[tilespmem:$0x15280] =	vst v63  }
0x4a: {  	s18 =	simm.s32 $0x2;
	s11 =	simm.s32 $0x0;
	s7 =	sadd.s32 $0x2800, s10  }
0x4b: {  	v9 =	vmov s11;
	[tilespmem:s26], [sflag:$0x8] =	stream.indirect.gather [hbm4b:s5+s14], $0x1, s7, s14, $0xb8;
	[tilespmem:$0x15280] =	vst v63  }
0x4c: {  	s22 =	simm.s32 $0x7;
	v10 =	vmov s15;
	v11 =	vmov s18;
	v9 =	vand.u32 $0xFFFFFFF8, v9;
	_ =	swait.ge [sflag:s28], $0x4000  }
0x4d: {  	s9 =	simm.s32 $0x3;
	v12 =	vbroadcast v9, $0x0;
	v9 =	vand.u32 $0xFFFFFFF9, v10;
	v10 =	vmov s22;
	[sflag:s28] =	ssyncset.done $0x0  }
0x4e: {  	v13 =	vmov s9;
	s10 =	simm.s32 $0x4;
	v14 =	vbroadcast v9, $0x0;
	v9 =	vand.u32 $0xFFFFFFFA, v11;
	[sflag:s28] =	ssyncadd.s32 $0xFFFFC000  }
0x4f: {  	s15 =	simm.s32 $0x5;
	v13 =	vand.u32 $0xFFFFFFFB, v13;
	v11 =	vmov s10;
	v15 =	vbroadcast v9, $0x0;
	_ =	swait.ge [sflag:s29], $0x80  }
0x50: {  	v13 =	vbroadcast v13, $0x0;
	v9 =	vmov s15;
	v11 =	vand.u32 $0xFFFFFFFC, v11;
	[sflag:s29] =	ssyncset.done $0x0  }
0x51: {  	v9 =	vand.u32 $0xFFFFFFFD, v9;
	v11 =	vbroadcast v11, $0x0;
	[sflag:s29] =	ssyncadd.s32 $0xFFFFFF80  }
0x52: {  	s18 =	simm.s32 $0x6;
	v17 =	vbroadcast v9, $0x0;
	v9 =	vld.idx.msk [tilespmem:v10+s17+$0x0], $0xffff  }
0x53: {  	v16 =	vmov s18;
	v20 =	vld.idx.msk [tilespmem:v12+s17+$0x0], $0xffff  }
0x54: {  	v16 =	vand.u32 $0xFFFFFFFE, v16;
	v21 =	vld.idx.msk [tilespmem:v14+s17+$0x0], $0xffff  }
0x55: {  	v10 =	vbroadcast v16, $0x0;
	v22 =	vld.idx.msk [tilespmem:v15+s17+$0x0], $0xffff  }
0x56: {  	v19 =	vld.idx.msk [tilespmem:v13+s17+$0x0], $0xffff  }
0x57: {  	s7 =	simm.s32 $0x5200;
	v18 =	vld.idx.msk [tilespmem:v11+s17+$0x0], $0xffff  }
0x58: {  	v15 =	vld [tilespmem:s7+$0x170]  }
0x59: {  	v24 =	vld [tilespmem:s7+$0xFFFFFE00]  }
0x5a: {  	s10 =	simm.s32 $0xA;
	s15 =	simm.s32 $0xB;
	v26 =	vld [tilespmem:s7+$0xFFFFFE10]  }
0x5b: {  	s18 =	simm.s32 $0xC;
	v12 =	vmov s10;
	v13 =	vmov s15;
	v16 =	vld.idx.msk [tilespmem:v10+s17+$0x0], $0xffff  }
0x5c: {  	v23 =	vmov s18;
	v27 =	vld [tilespmem:s7+$0xFFFFFE20];
	v12 =	vand.u32 $0xFFFFFFFA, v12;
	v13 =	vand.u32 $0xFFFFFFFB, v13  }
0x5d: {  	s18 =	simm.s32 $0xD;
	v14 =	vbroadcast v12, $0x0;
	v12 =	vbroadcast v13, $0x0;
	v13 =	vand.u32 $0xFFFFFFFC, v23;
	v23 =	vld [tilespmem:s7+$0xFFFFFE30]  }
0x5e: {  	v25 =	vmov s18;
	v28 =	vld [tilespmem:s7+$0xFFFFFE40]  }
0x5f: {  	v25 =	vand.u32 $0xFFFFFFFD, v25;
	v17 =	vld.idx.msk [tilespmem:v17+s17+$0x0], $0xffff;
	v24 =	vmul.f32 v24, v20;
	v26 =	vmul.f32 v26, v20  }
0x60: {  	v29 =	vmul.f32 v15, v16;
	v15 =	vbroadcast v25, $0x0;
	v25 =	vld [tilespmem:s7+$0xFFFFFE50]  }
0x61: {  	v30 =	vld [tilespmem:s7+$0xFFFFFE60];
	v27 =	vmul.f32 v27, v20;
	v24 =	vmul.f32 v24, v1  }
0x62: {  	v31 =	vld [tilespmem:s7+$0xFFFFFE70];
	v26 =	vmul.f32 v26, v2;
	v23 =	vmul.f32 v23, v20  }
0x63: {  	v32 =	vld [tilespmem:s7+$0xFFFFFE80];
	[tilespmem:s7+$0xFFFFFE00] =	vst v24;
	v24 =	vmul.f32 v27, v3;
	v27 =	vmul.f32 v28, v20  }
0x64: {  	v53 =	vld [tilespmem:s7+$0xFFFFFE90];
	v13 =	vbroadcast v13, $0x0;
	[tilespmem:s7+$0xFFFFFE10] =	vst v26;
	v23 =	vmul.f32 v23, v4  }
0x65: {  	v26 =	vld [tilespmem:s7+$0xFFFFFEA0];
	[tilespmem:s7+$0xFFFFFE20] =	vst v24;
	v24 =	vmul.f32 v27, v5;
	v25 =	vmul.f32 v25, v20  }
0x66: {  	v54 =	vld [tilespmem:s7+$0xFFFFFEB0];
	v27 =	vmul.f32 v30, v20;
	v29 =	vmul.f32 v29, v8  }
0x67: {  	[tilespmem:s7+$0xFFFFFE30] =	vst v23;
	v20 =	vmul.f32 v31, v20;
	v23 =	vmul.f32 v25, v6;
	v25 =	vld [tilespmem:s7+$0xFFFFFEC0]  }
0x68: {  	v55 =	vld [tilespmem:s7+$0xFFFFFED0];
	[tilespmem:s7+$0xFFFFFE40] =	vst v24;
	v24 =	vmul.f32 v27, v7;
	v27 =	vmul.f32 v32, v21  }
0x69: {  	v56 =	vld [tilespmem:s7+$0xFFFFFEE0];
	v20 =	vmul.f32 v20, v8;
	[tilespmem:s7+$0xFFFFFE50] =	vst v23;
	v23 =	vmul.f32 v53, v21  }
0x6a: {  	v26 =	vmul.f32 v26, v21;
	[tilespmem:s7+$0xFFFFFE60] =	vst v24;
	v24 =	vmul.f32 v27, v1;
	v27 =	vld [tilespmem:s7+$0xFFFFFEF0]  }
0x6b: {  	v57 =	vld [tilespmem:s7+$0xFFFFFF00];
	[tilespmem:s7+$0xFFFFFE70] =	vst v20;
	v20 =	vmul.f32 v23, v2;
	v23 =	vmul.f32 v54, v21  }
0x6c: {  	[tilespmem:s7+$0xFFFFFE80] =	vst v24;
	v24 =	vmul.f32 v26, v3;
	v26 =	vld [tilespmem:s7+$0xFFFFFF10];
	v25 =	vmul.f32 v25, v21  }
0x6d: {  	v58 =	vld [tilespmem:s7+$0xFFFFFF20];
	[tilespmem:s7+$0xFFFFFE90] =	vst v20;
	v20 =	vmul.f32 v23, v4;
	v23 =	vmul.f32 v55, v21  }
0x6e: {  	v59 =	vld [tilespmem:s7+$0xFFFFFF30];
	[tilespmem:s7+$0xFFFFFEA0] =	vst v24;
	v24 =	vmul.f32 v25, v5;
	v25 =	vmul.f32 v56, v21  }
0x6f: {  	v21 =	vmul.f32 v27, v21;
	[tilespmem:s7+$0xFFFFFEB0] =	vst v20;
	v20 =	vmul.f32 v23, v6;
	v23 =	vld [tilespmem:s7+$0xFFFFFF40]  }
0x70: {  	v27 =	vld [tilespmem:s7+$0xFFFFFF50];
	[tilespmem:s7+$0xFFFFFEC0] =	vst v24;
	v24 =	vmul.f32 v25, v7;
	v25 =	vmul.f32 v57, v22  }
0x71: {  	[tilespmem:s7+$0xFFFFFED0] =	vst v20;
	v20 =	vmul.f32 v21, v8;
	v21 =	vmul.f32 v26, v22;
	v26 =	vld [tilespmem:s7+$0xFFFFFF60]  }
0x72: {  	v60 =	vld [tilespmem:s7+$0xFFFFFF70];
	[tilespmem:s7+$0xFFFFFEE0] =	vst v24;
	v24 =	vmul.f32 v25, v1;
	v25 =	vmul.f32 v58, v22  }
0x73: {  	v61 =	vld [tilespmem:s7+$0xFFFFFF80];
	[tilespmem:s7+$0xFFFFFEF0] =	vst v20;
	v20 =	vmul.f32 v21, v2;
	v21 =	vmul.f32 v59, v22  }
0x74: {  	[tilespmem:s7+$0xFFFFFF00] =	vst v24;
	v24 =	vmul.f32 v25, v3;
	v23 =	vmul.f32 v23, v22;
	v25 =	vld [tilespmem:s7+$0xFFFFFF90]  }
0x75: {  	[tilespmem:s7+$0xFFFFFF10] =	vst v20;
	v20 =	vmul.f32 v21, v4;
	v21 =	vmul.f32 v27, v22;
	v27 =	vld [tilespmem:s7+$0xFFFFFFA0]  }
0x76: {  	[tilespmem:s7+$0xFFFFFF20] =	vst v24;
	v23 =	vmul.f32 v23, v5;
	v24 =	vmul.f32 v26, v22;
	v26 =	vld [tilespmem:s7+$0xFFFFFFB0]  }
0x77: {  	[tilespmem:s7+$0xFFFFFF30] =	vst v20;
	v20 =	vmul.f32 v21, v6;
	v21 =	vmul.f32 v60, v22;
	v22 =	vld [tilespmem:s7+$0xFFFFFFC0]  }
0x78: {  	v62 =	vld [tilespmem:s7+$0xFFFFFFD0];
	[tilespmem:s7+$0xFFFFFF40] =	vst v23;
	v23 =	vmul.f32 v24, v7;
	v24 =	vmul.f32 v61, v19  }
0x79: {  	[tilespmem:s7+$0xFFFFFF50] =	vst v20;
	v20 =	vmul.f32 v21, v8;
	v21 =	vmul.f32 v25, v19;
	v25 =	vld [tilespmem:s7+$0xFFFFFFE0]  }
0x7a: {  	[tilespmem:s7+$0xFFFFFF60] =	vst v23;
	v23 =	vmul.f32 v24, v1;
	v24 =	vmul.f32 v27, v19;
	v27 =	vld [tilespmem:s7+$0xFFFFFFF0]  }
0x7b: {  	[tilespmem:s7+$0xFFFFFF70] =	vst v20;
	v20 =	vmul.f32 v21, v2;
	v21 =	vmul.f32 v26, v19;
	v26 =	vld [tilespmem:s7+$0x0]  }
0x7c: {  	[tilespmem:s7+$0xFFFFFF80] =	vst v23;
	v23 =	vmul.f32 v24, v3;
	v22 =	vmul.f32 v22, v19;
	v24 =	vld [tilespmem:s7+$0x10]  }
0x7d: {  	v63 =	vld [tilespmem:s7+$0x20];
	[tilespmem:s7+$0xFFFFFF90] =	vst v20;
	v20 =	vmul.f32 v21, v4;
	v21 =	vmul.f32 v62, v19  }
0x7e: {  	[tilespmem:s7+$0xFFFFFFA0] =	vst v23;
	v22 =	vmul.f32 v22, v5;
	v23 =	vmul.f32 v25, v19;
	v25 =	vld [tilespmem:s7+$0x30]  }
0x7f: {  	[tilespmem:s7+$0xFFFFFFB0] =	vst v20;
	v20 =	vmul.f32 v21, v6;
	v19 =	vmul.f32 v27, v19;
	v21 =	vld [tilespmem:s7+$0x40]  }
0x80: {  	[tilespmem:s7+$0xFFFFFFC0] =	vst v22;
	v22 =	vmul.f32 v23, v7;
	v23 =	vmul.f32 v26, v18;
	v26 =	vld [tilespmem:s7+$0x50]  }
0x81: {  	[tilespmem:s7+$0xFFFFFFD0] =	vst v20;
	v19 =	vmul.f32 v19, v8;
	v20 =	vmul.f32 v24, v18;
	v24 =	vld [tilespmem:s7+$0x60]  }
0x82: {  	v27 =	vld [tilespmem:s7+$0x70];
	[tilespmem:s7+$0xFFFFFFE0] =	vst v22;
	v22 =	vmul.f32 v23, v1;
	v23 =	vmul.f32 v63, v18  }
0x83: {  	[tilespmem:s7+$0xFFFFFFF0] =	vst v19;
	v19 =	vmul.f32 v20, v2;
	v20 =	vmul.f32 v25, v18;
	v25 =	vld [tilespmem:s7+$0x80]  }
0x84: {  	[tilespmem:s7+$0x0] =	vst v22;
	v22 =	vmul.f32 v23, v3;
	v21 =	vmul.f32 v21, v18;
	v23 =	vld [tilespmem:s7+$0x90]  }
0x85: {  	[tilespmem:s7+$0x10] =	vst v19;
	v19 =	vmul.f32 v20, v4;
	v20 =	vmul.f32 v26, v18;
	v26 =	vld [tilespmem:s7+$0xA0]  }
0x86: {  	[tilespmem:s7+$0x20] =	vst v22;
	v21 =	vmul.f32 v21, v5;
	v22 =	vmul.f32 v24, v18;
	v24 =	vld [tilespmem:s7+$0xB0]  }
0x87: {  	v18 =	vmul.f32 v27, v18;
	[tilespmem:s7+$0x30] =	vst v19;
	v19 =	vmul.f32 v20, v6;
	v20 =	vld [tilespmem:s7+$0xC0]  }
0x88: {  	[tilespmem:s7+$0x40] =	vst v21;
	v21 =	vmul.f32 v22, v7;
	v22 =	vmul.f32 v25, v17;
	v25 =	vld [tilespmem:s7+$0xD0]  }
0x89: {  	v18 =	vmul.f32 v18, v8;
	[tilespmem:s7+$0x50] =	vst v19;
	v19 =	vmul.f32 v23, v17;
	v23 =	vld [tilespmem:s7+$0xE0]  }
0x8a: {  	[tilespmem:s7+$0x60] =	vst v21;
	v21 =	vmul.f32 v22, v1;
	v22 =	vmul.f32 v26, v17;
	v26 =	vld [tilespmem:s7+$0xF0]  }
0x8b: {  	[tilespmem:s7+$0x70] =	vst v18;
	v18 =	vmul.f32 v19, v2;
	v19 =	vmul.f32 v24, v17;
	v24 =	vld [tilespmem:s7+$0x100]  }
0x8c: {  	[tilespmem:s7+$0x80] =	vst v21;
	v21 =	vmul.f32 v22, v3;
	v20 =	vmul.f32 v20, v17;
	v22 =	vld [tilespmem:s7+$0x110]  }
0x8d: {  	[tilespmem:s7+$0x90] =	vst v18;
	v18 =	vmul.f32 v19, v4;
	v19 =	vmul.f32 v25, v17;
	v25 =	vld [tilespmem:s7+$0x120]  }
0x8e: {  	[tilespmem:s7+$0xA0] =	vst v21;
	v20 =	vmul.f32 v20, v5;
	v21 =	vmul.f32 v23, v17;
	v23 =	vld [tilespmem:s7+$0x130]  }
0x8f: {  	[tilespmem:s7+$0xB0] =	vst v18;
	v18 =	vmul.f32 v19, v6;
	v17 =	vmul.f32 v26, v17;
	v19 =	vld [tilespmem:s7+$0x140]  }
0x90: {  	[tilespmem:s7+$0xC0] =	vst v20;
	v20 =	vmul.f32 v21, v7;
	v21 =	vmul.f32 v24, v16  }
0x91: {  	s22 =	simm.s32 $0x8;
	v24 =	vld [tilespmem:s7+$0x150];
	[tilespmem:s7+$0xD0] =	vst v18;
	v17 =	vmul.f32 v17, v8;
	v18 =	vmul.f32 v22, v16  }
0x92: {  	v11 =	vmov s22;
	v22 =	vld [tilespmem:s7+$0x160];
	[tilespmem:s7+$0xE0] =	vst v20;
	v20 =	vmul.f32 v21, v1;
	v21 =	vmul.f32 v25, v16  }
0x93: {  	s9 =	simm.s32 $0x9;
	v10 =	vand.u32 $0xFFFFFFF8, v11;
	v25 =	vld [tilespmem:s7+$0x180];
	[tilespmem:s7+$0xF0] =	vst v17;
	v17 =	vmul.f32 v18, v2;
	v18 =	vmul.f32 v23, v16  }
0x94: {  	v11 =	vmov s9;
	v26 =	vld [tilespmem:s7+$0x190];
	[tilespmem:s7+$0x100] =	vst v20;
	v20 =	vmul.f32 v21, v3;
	v21 =	vmul.f32 v19, v16  }
0x95: {  	s22 =	simm.s32 $0xF;
	v10 =	vbroadcast v10, $0x0;
	v11 =	vand.u32 $0xFFFFFFF9, v11;
	[tilespmem:s7+$0x170] =	vst v29;
	v19 =	vld [tilespmem:s7+$0x1A0];
	v23 =	vmul.f32 v18, v4  }
0x96: {  	[tilespmem:s7+$0x110] =	vst v17;
	v24 =	vmul.f32 v24, v16;
	v17 =	vld [tilespmem:s7+$0x1B0];
	v27 =	vmul.f32 v21, v5;
	v21 =	vmov s22  }
0x97: {  	v11 =	vbroadcast v11, $0x0;
	v18 =	vld [tilespmem:s7+$0x1C0];
	[tilespmem:s7+$0x120] =	vst v20;
	v16 =	vmul.f32 v22, v16  }
0x98: {  	v20 =	vld [tilespmem:s7+$0x1D0];
	[tilespmem:s7+$0x130] =	vst v23;
	v23 =	vmul.f32 v24, v6;
	v24 =	vmul.f32 v25, v9  }
0x99: {  	s18 =	simm.s32 $0x10;
	s15 =	simm.s32 $0x5200;
	v26 =	vmul.f32 v26, v9;
	s22 =	simm.s32 $0xE;
	v22 =	vld [tilespmem:s7+$0x1E0];
	[tilespmem:s7+$0x140] =	vst v27;
	v25 =	vmul.f32 v16, v7  }
.LBB2_5:
0x9a: {  	p0 =	slt.u32 s18, $0x78;
	v16 =	vmov s22;
	[tilespmem:s7+$0x150] =	vst v23;
	v23 =	vmul.f32 v24, v1;
	v19 =	vmul.f32 v19, v9;
	v24 =	vld [tilespmem:s7+$0x1F0]  }
0x9b: {  	v16 =	vand.u32 $0xFFFFFFFE, v16;
	v27 =	vld.idx.msk [tilespmem:v21+s17+$0x0], $0xffff;
	[tilespmem:s7+$0x160] =	vst v25;
	v25 =	vmul.f32 v26, v2;
	v17 =	vmul.f32 v17, v9  }
0x9c: {  	v26 =	vld.idx.msk [tilespmem:v10+s17+$0x0], $0xffff;
	v10 =	vbroadcast v16, $0x0;
	[tilespmem:s7+$0x180] =	vst v23;
	v16 =	vmul.f32 v18, v9  }
0x9d: {  	v21 =	vld.idx.msk [tilespmem:v11+s17+$0x0], $0xffff;
	[tilespmem:s7+$0x190] =	vst v25;
	v11 =	vmul.f32 v19, v3;
	v23 =	vmul.f32 v20, v9  }
0x9e: {  	v20 =	vld.idx.msk [tilespmem:v14+s17+$0x0], $0xffff;
	v14 =	vmul.f32 v17, v4;
	v17 =	vmul.f32 v22, v9  }
0x9f: {  	v19 =	vld.idx.msk [tilespmem:v12+s17+$0x0], $0xffff;
	[tilespmem:s7+$0x1A0] =	vst v11;
	v11 =	vmul.f32 v16, v5;
	v16 =	vmul.f32 v24, v9  }
0xa0: {  	v12 =	vmul.f32 v23, v6;
	v18 =	vld.idx.msk [tilespmem:v13+s17+$0x0], $0xffff;
	[tilespmem:s7+$0x1B0] =	vst v14;
	v13 =	vmul.f32 v17, v7  }
0xa1: {  	v9 =	vmov v27;
	v17 =	vld.idx.msk [tilespmem:v15+s17+$0x0], $0xffff;
	[tilespmem:s7+$0x1C0] =	vst v11;
	v11 =	vmul.f32 v16, v8  }
0xa2: {  	s11 =	sadd.s32 $0x1, s18;
	s9 =	sadd.s32 $0x4, s18;
	v14 =	vmov s18;
	s7 =	sadd.s32 $0x400, s7;
	v16 =	vld.idx.msk [tilespmem:v10+s17+$0x0], $0xffff;
	[tilespmem:s15+$0x1D0] =	vst v12  }
0xa3: {  	s22 =	sadd.s32 $0x3, s18;
	v22 =	vmov s9;
	v10 =	vand.u32 $0xFFFFFFF8, v14;
	v12 =	vmov s11;
	s11 =	sadd.s32 $0x2, s18;
	v15 =	vld [tilespmem:s7+$0x170];
	[tilespmem:s15+$0x1E0] =	vst v13  }
0xa4: {  	s9 =	sadd.s32 $0x5, s18;
	v14 =	vmov s22;
	v13 =	vmov s11;
	v23 =	vld [tilespmem:s7+$0xFFFFFE00];
	[tilespmem:s15+$0x1F0] =	vst v11;
	s15 =	smov.u32 s7  }
0xa5: {  	v24 =	vmov s9;
	v10 =	vbroadcast v10, $0x0;
	v11 =	vand.u32 $0xFFFFFFF9, v12;
	v25 =	vld [tilespmem:s7+$0xFFFFFE10]  }
0xa6: {  	v12 =	vand.u32 $0xFFFFFFFA, v13;
	v13 =	vand.u32 $0xFFFFFFFB, v14;
	v11 =	vbroadcast v11, $0x0;
	v27 =	vld [tilespmem:s7+$0xFFFFFE20]  }
0xa7: {  	v14 =	vbroadcast v12, $0x0;
	v12 =	vbroadcast v13, $0x0;
	v13 =	vand.u32 $0xFFFFFFFC, v22;
	v22 =	vld [tilespmem:s7+$0xFFFFFE30]  }
0xa8: {  	v24 =	vand.u32 $0xFFFFFFFD, v24;
	v13 =	vbroadcast v13, $0x0;
	v28 =	vld [tilespmem:s7+$0xFFFFFE40];
	v29 =	vmul.f32 v15, v16  }
0xa9: {  	v15 =	vbroadcast v24, $0x0;
	v23 =	vmul.f32 v23, v26;
	v24 =	vld [tilespmem:s7+$0xFFFFFE50]  }
0xaa: {  	v25 =	vmul.f32 v25, v26;
	v30 =	vld [tilespmem:s7+$0xFFFFFE60];
	v29 =	vmul.f32 v29, v8  }
0xab: {  	v23 =	vmul.f32 v23, v1;
	v27 =	vmul.f32 v27, v26;
	v31 =	vld [tilespmem:s7+$0xFFFFFE70]  }
0xac: {  	v25 =	vmul.f32 v25, v2;
	v22 =	vmul.f32 v22, v26;
	v32 =	vld [tilespmem:s7+$0xFFFFFE80];
	[tilespmem:s7+$0x170] =	vst v29  }
0xad: {  	[tilespmem:s7+$0xFFFFFE00] =	vst v23;
	v23 =	vmul.f32 v27, v3;
	v27 =	vmul.f32 v28, v26;
	v28 =	vld [tilespmem:s7+$0xFFFFFE90]  }
0xae: {  	[tilespmem:s7+$0xFFFFFE10] =	vst v25;
	v22 =	vmul.f32 v22, v4;
	v24 =	vmul.f32 v24, v26;
	v25 =	vld [tilespmem:s7+$0xFFFFFEA0]  }
0xaf: {  	[tilespmem:s7+$0xFFFFFE20] =	vst v23;
	v23 =	vmul.f32 v27, v5;
	v27 =	vmul.f32 v30, v26;
	v29 =	vld [tilespmem:s7+$0xFFFFFEB0]  }
0xb0: {  	[tilespmem:s7+$0xFFFFFE30] =	vst v22;
	v22 =	vmul.f32 v24, v6;
	v24 =	vmul.f32 v31, v26;
	v26 =	vld [tilespmem:s7+$0xFFFFFEC0]  }
0xb1: {  	[tilespmem:s7+$0xFFFFFE40] =	vst v23;
	v23 =	vmul.f32 v27, v7;
	v27 =	vmul.f32 v32, v21;
	v30 =	vld [tilespmem:s7+$0xFFFFFED0]  }
0xb2: {  	[tilespmem:s7+$0xFFFFFE50] =	vst v22;
	v22 =	vmul.f32 v24, v8;
	v24 =	vmul.f32 v28, v21;
	v28 =	vld [tilespmem:s7+$0xFFFFFEE0]  }
0xb3: {  	[tilespmem:s7+$0xFFFFFE60] =	vst v23;
	v23 =	vmul.f32 v27, v1;
	v25 =	vmul.f32 v25, v21;
	v27 =	vld [tilespmem:s7+$0xFFFFFEF0]  }
0xb4: {  	[tilespmem:s7+$0xFFFFFE70] =	vst v22;
	v22 =	vmul.f32 v24, v2;
	v24 =	vmul.f32 v29, v21;
	v29 =	vld [tilespmem:s7+$0xFFFFFF00]  }
0xb5: {  	[tilespmem:s7+$0xFFFFFE80] =	vst v23;
	v23 =	vmul.f32 v25, v3;
	v25 =	vmul.f32 v26, v21;
	v26 =	vld [tilespmem:s7+$0xFFFFFF10]  }
0xb6: {  	[tilespmem:s7+$0xFFFFFE90] =	vst v22;
	v22 =	vmul.f32 v24, v4;
	v24 =	vmul.f32 v30, v21;
	v30 =	vld [tilespmem:s7+$0xFFFFFF20]  }
0xb7: {  	[tilespmem:s7+$0xFFFFFEA0] =	vst v23;
	v23 =	vmul.f32 v25, v5;
	v25 =	vmul.f32 v28, v21;
	v28 =	vld [tilespmem:s7+$0xFFFFFF30]  }
0xb8: {  	[tilespmem:s7+$0xFFFFFEB0] =	vst v22;
	v22 =	vmul.f32 v24, v6;
	v21 =	vmul.f32 v27, v21;
	v24 =	vld [tilespmem:s7+$0xFFFFFF40]  }
0xb9: {  	[tilespmem:s7+$0xFFFFFEC0] =	vst v23;
	v23 =	vmul.f32 v25, v7;
	v25 =	vmul.f32 v29, v20;
	v27 =	vld [tilespmem:s7+$0xFFFFFF50]  }
0xba: {  	[tilespmem:s7+$0xFFFFFED0] =	vst v22;
	v21 =	vmul.f32 v21, v8;
	v22 =	vmul.f32 v26, v20;
	v26 =	vld [tilespmem:s7+$0xFFFFFF60]  }
0xbb: {  	[tilespmem:s7+$0xFFFFFEE0] =	vst v23;
	v23 =	vmul.f32 v25, v1;
	v25 =	vmul.f32 v30, v20;
	v29 =	vld [tilespmem:s7+$0xFFFFFF70]  }
0xbc: {  	[tilespmem:s7+$0xFFFFFEF0] =	vst v21;
	v21 =	vmul.f32 v22, v2;
	v22 =	vmul.f32 v28, v20;
	v28 =	vld [tilespmem:s7+$0xFFFFFF80]  }
0xbd: {  	[tilespmem:s7+$0xFFFFFF00] =	vst v23;
	v23 =	vmul.f32 v25, v3;
	v24 =	vmul.f32 v24, v20;
	v25 =	vld [tilespmem:s7+$0xFFFFFF90]  }
0xbe: {  	[tilespmem:s7+$0xFFFFFF10] =	vst v21;
	v21 =	vmul.f32 v22, v4;
	v22 =	vmul.f32 v27, v20;
	v27 =	vld [tilespmem:s7+$0xFFFFFFA0]  }
0xbf: {  	[tilespmem:s7+$0xFFFFFF20] =	vst v23;
	v23 =	vmul.f32 v24, v5;
	v24 =	vmul.f32 v26, v20;
	v26 =	vld [tilespmem:s7+$0xFFFFFFB0]  }
0xc0: {  	[tilespmem:s7+$0xFFFFFF30] =	vst v21;
	v21 =	vmul.f32 v22, v6;
	v20 =	vmul.f32 v29, v20;
	v22 =	vld [tilespmem:s7+$0xFFFFFFC0]  }
0xc1: {  	[tilespmem:s7+$0xFFFFFF40] =	vst v23;
	v23 =	vmul.f32 v24, v7;
	v24 =	vmul.f32 v28, v19;
	v28 =	vld [tilespmem:s7+$0xFFFFFFD0]  }
0xc2: {  	[tilespmem:s7+$0xFFFFFF50] =	vst v21;
	v20 =	vmul.f32 v20, v8;
	v21 =	vmul.f32 v25, v19;
	v25 =	vld [tilespmem:s7+$0xFFFFFFE0]  }
0xc3: {  	[tilespmem:s7+$0xFFFFFF60] =	vst v23;
	v23 =	vmul.f32 v24, v1;
	v24 =	vmul.f32 v27, v19;
	v27 =	vld [tilespmem:s7+$0xFFFFFFF0]  }
0xc4: {  	[tilespmem:s7+$0xFFFFFF70] =	vst v20;
	v20 =	vmul.f32 v21, v2;
	v21 =	vmul.f32 v26, v19;
	v26 =	vld [tilespmem:s7+$0x0]  }
0xc5: {  	[tilespmem:s7+$0xFFFFFF80] =	vst v23;
	v23 =	vmul.f32 v24, v3;
	v22 =	vmul.f32 v22, v19;
	v24 =	vld [tilespmem:s7+$0x10]  }
0xc6: {  	[tilespmem:s7+$0xFFFFFF90] =	vst v20;
	v20 =	vmul.f32 v21, v4;
	v21 =	vmul.f32 v28, v19;
	v28 =	vld [tilespmem:s7+$0x20]  }
0xc7: {  	[tilespmem:s7+$0xFFFFFFA0] =	vst v23;
	v22 =	vmul.f32 v22, v5;
	v23 =	vmul.f32 v25, v19;
	v25 =	vld [tilespmem:s7+$0x30]  }
0xc8: {  	[tilespmem:s7+$0xFFFFFFB0] =	vst v20;
	v20 =	vmul.f32 v21, v6;
	v19 =	vmul.f32 v27, v19;
	v21 =	vld [tilespmem:s7+$0x40]  }
0xc9: {  	[tilespmem:s7+$0xFFFFFFC0] =	vst v22;
	v22 =	vmul.f32 v23, v7;
	v23 =	vmul.f32 v26, v18;
	v26 =	vld [tilespmem:s7+$0x50]  }
0xca: {  	[tilespmem:s7+$0xFFFFFFD0] =	vst v20;
	v19 =	vmul.f32 v19, v8;
	v20 =	vmul.f32 v24, v18;
	v24 =	vld [tilespmem:s7+$0x60]  }
0xcb: {  	[tilespmem:s7+$0xFFFFFFE0] =	vst v22;
	v22 =	vmul.f32 v23, v1;
	v23 =	vmul.f32 v28, v18;
	v27 =	vld [tilespmem:s7+$0x70]  }
0xcc: {  	[tilespmem:s7+$0xFFFFFFF0] =	vst v19;
	v19 =	vmul.f32 v20, v2;
	v20 =	vmul.f32 v25, v18;
	v25 =	vld [tilespmem:s7+$0x80]  }
0xcd: {  	[tilespmem:s7+$0x0] =	vst v22;
	v22 =	vmul.f32 v23, v3;
	v21 =	vmul.f32 v21, v18;
	v23 =	vld [tilespmem:s7+$0x90]  }
0xce: {  	[tilespmem:s7+$0x10] =	vst v19;
	v19 =	vmul.f32 v20, v4;
	v20 =	vmul.f32 v26, v18;
	v26 =	vld [tilespmem:s7+$0xA0]  }
0xcf: {  	[tilespmem:s7+$0x20] =	vst v22;
	v21 =	vmul.f32 v21, v5;
	v22 =	vmul.f32 v24, v18;
	v24 =	vld [tilespmem:s7+$0xB0]  }
0xd0: {  	[tilespmem:s7+$0x30] =	vst v19;
	v19 =	vmul.f32 v20, v6;
	v18 =	vmul.f32 v27, v18;
	v20 =	vld [tilespmem:s7+$0xC0]  }
0xd1: {  	[tilespmem:s7+$0x40] =	vst v21;
	v21 =	vmul.f32 v22, v7;
	v22 =	vmul.f32 v25, v17;
	v25 =	vld [tilespmem:s7+$0xD0]  }
0xd2: {  	[tilespmem:s7+$0x50] =	vst v19;
	v18 =	vmul.f32 v18, v8;
	v19 =	vmul.f32 v23, v17;
	v23 =	vld [tilespmem:s7+$0xE0]  }
0xd3: {  	[tilespmem:s7+$0x60] =	vst v21;
	v21 =	vmul.f32 v22, v1;
	v22 =	vmul.f32 v26, v17;
	v26 =	vld [tilespmem:s7+$0xF0]  }
0xd4: {  	[tilespmem:s7+$0x70] =	vst v18;
	v18 =	vmul.f32 v19, v2;
	v19 =	vmul.f32 v24, v17;
	v24 =	vld [tilespmem:s7+$0x100]  }
0xd5: {  	[tilespmem:s7+$0x80] =	vst v21;
	v21 =	vmul.f32 v22, v3;
	v20 =	vmul.f32 v20, v17;
	v22 =	vld [tilespmem:s7+$0x110]  }
0xd6: {  	[tilespmem:s7+$0x90] =	vst v18;
	v18 =	vmul.f32 v19, v4;
	v19 =	vmul.f32 v25, v17;
	v25 =	vld [tilespmem:s7+$0x120]  }
0xd7: {  	[tilespmem:s7+$0xA0] =	vst v21;
	v20 =	vmul.f32 v20, v5;
	v21 =	vmul.f32 v23, v17;
	v23 =	vld [tilespmem:s7+$0x130]  }
0xd8: {  	[tilespmem:s7+$0xB0] =	vst v18;
	v18 =	vmul.f32 v19, v6;
	v17 =	vmul.f32 v26, v17;
	v19 =	vld [tilespmem:s7+$0x140]  }
0xd9: {  	[tilespmem:s7+$0xC0] =	vst v20;
	v20 =	vmul.f32 v21, v7;
	v21 =	vmul.f32 v24, v16;
	v24 =	vld [tilespmem:s7+$0x150]  }
0xda: {  	[tilespmem:s7+$0xD0] =	vst v18;
	v17 =	vmul.f32 v17, v8;
	v18 =	vmul.f32 v22, v16;
	v22 =	vld [tilespmem:s7+$0x160]  }
0xdb: {  	[tilespmem:s7+$0xE0] =	vst v20;
	v20 =	vmul.f32 v21, v1;
	v21 =	vmul.f32 v25, v16;
	v25 =	vld [tilespmem:s7+$0x180]  }
0xdc: {  	[tilespmem:s7+$0xF0] =	vst v17;
	v17 =	vmul.f32 v18, v2;
	v18 =	vmul.f32 v23, v16;
	v26 =	vld [tilespmem:s7+$0x190]  }
.Ltmp1:
0xdd: {  	s9 =	sadd.s32 $0x7, s18;
	[tilespmem:s7+$0x100] =	vst v20;
	v20 =	vmul.f32 v21, v3;
	v23 =	vmul.f32 v19, v16;
	v19 =	vld [tilespmem:s7+$0x1A0];
	(pc) =	sbr.rel @p0 .LBB2_5-.Ltmp1, $4  }
0xde: {  	v21 =	vmov s9;
	[tilespmem:s7+$0x110] =	vst v17;
	v27 =	vmul.f32 v18, v4;
	v24 =	vmul.f32 v24, v16;
	v17 =	vld [tilespmem:s7+$0x1B0]  }
0xdf: {  	[tilespmem:s7+$0x120] =	vst v20;
	v28 =	vmul.f32 v23, v5;
	v16 =	vmul.f32 v22, v16;
	v18 =	vld [tilespmem:s7+$0x1C0]  }
0xe0: {  	[tilespmem:s7+$0x130] =	vst v27;
	v23 =	vmul.f32 v24, v6;
	v24 =	vmul.f32 v25, v9;
	v20 =	vld [tilespmem:s7+$0x1D0]  }
0xe1: {  	s22 =	sadd.s32 $0x6, s18;
	s18 =	sadd.s32 $0x8, s18;
	[tilespmem:s7+$0x140] =	vst v28;
	v25 =	vmul.f32 v16, v7;
	v26 =	vmul.f32 v26, v9;
	v22 =	vld [tilespmem:s7+$0x1E0]  }
0xe2: {  	_ =	sdelay $0x2  }
0xe3: {  	v27 =	vld [tilespmem:s7+$0x1F0]  }
0xe4: {  	v50 =	vld.idx.msk [tilespmem:v11+s17+$0x0], $0xffff  }
0xe5: {  	v29 =	vld.idx.msk [tilespmem:v14+s17+$0x0], $0xffff  }
0xe6: {  	v14 =	vld.idx.msk [tilespmem:v12+s17+$0x0], $0xffff  }
0xe7: {  	v12 =	vld.idx.msk [tilespmem:v13+s17+$0x0], $0xffff  }
0xe8: {  	v16 =	vmov s22;
	v11 =	vld.idx.msk [tilespmem:v15+s17+$0x0], $0xffff  }
0xe9: {  	v13 =	vmul.f32 v24, v1;
	v28 =	vand.u32 $0xFFFFFFFE, v16;
	v16 =	vld.idx.msk [tilespmem:v21+s17+$0x0], $0xffff  }
0xea: {  	v15 =	vmul.f32 v19, v9;
	s18 =	sadd.s32 $0x400, s7;
	v21 =	vld.idx.msk [tilespmem:v10+s17+$0x0], $0xffff;
	v19 =	vmul.f32 v26, v2  }
0xeb: {  	[tilespmem:s7+$0x150] =	vst v23;
	v17 =	vmul.f32 v17, v9;
	v23 =	vld [tilespmem:s18+$0x170];
	v10 =	vbroadcast v28, $0x0  }
0xec: {  	[tilespmem:s7+$0x180] =	vst v13;
	v13 =	vmul.f32 v18, v9;
	v15 =	vmul.f32 v15, v3;
	v18 =	vld [tilespmem:s18+$0xFFFFFE00]  }
0xed: {  	[tilespmem:s7+$0x190] =	vst v19;
	v19 =	vmul.f32 v20, v9;
	v17 =	vmul.f32 v17, v4;
	v20 =	vld [tilespmem:s18+$0xFFFFFE10]  }
0xee: {  	v22 =	vmul.f32 v22, v9;
	[tilespmem:s7+$0x1A0] =	vst v15;
	v13 =	vmul.f32 v13, v5;
	v15 =	vld [tilespmem:s18+$0xFFFFFE20]  }
0xef: {  	v9 =	vmul.f32 v27, v9;
	[tilespmem:s7+$0x1B0] =	vst v17;
	v17 =	vmul.f32 v19, v6;
	v19 =	vld [tilespmem:s18+$0xFFFFFE30]  }
0xf0: {  	v22 =	vmul.f32 v22, v7;
	[tilespmem:s7+$0x1C0] =	vst v13;
	v13 =	vld [tilespmem:s18+$0xFFFFFE40]  }
0xf1: {  	v9 =	vmul.f32 v9, v8;
	[tilespmem:s15+$0x1D0] =	vst v17;
	v17 =	vmul.f32 v18, v21;
	v18 =	vld [tilespmem:s18+$0xFFFFFE50]  }
0xf2: {  	v10 =	vld.idx.msk [tilespmem:v10+s17+$0x0], $0xffff;
	[tilespmem:s15+$0x1E0] =	vst v22;
	v20 =	vmul.f32 v20, v21  }
0xf3: {  	v22 =	vld [tilespmem:s18+$0xFFFFFE60];
	[tilespmem:s15+$0x1F0] =	vst v9;
	v9 =	vmul.f32 v17, v1;
	v15 =	vmul.f32 v15, v21  }
0xf4: {  	[tilespmem:s7+$0x160] =	vst v25;
	v17 =	vld [tilespmem:s18+$0xFFFFFE70];
	v20 =	vmul.f32 v20, v2;
	v19 =	vmul.f32 v19, v21  }
0xf5: {  	v24 =	vld [tilespmem:s18+$0xFFFFFE80];
	[tilespmem:s18+$0xFFFFFE00] =	vst v9;
	v9 =	vmul.f32 v15, v3;
	v13 =	vmul.f32 v13, v21  }
0xf6: {  	v15 =	vld [tilespmem:s18+$0xFFFFFE90];
	[tilespmem:s18+$0xFFFFFE10] =	vst v20;
	v19 =	vmul.f32 v19, v4;
	v18 =	vmul.f32 v18, v21  }
0xf7: {  	v20 =	vld [tilespmem:s18+$0xFFFFFEA0];
	v23 =	vmul.f32 v23, v10;
	[tilespmem:s18+$0xFFFFFE20] =	vst v9;
	v9 =	vmul.f32 v13, v5  }
0xf8: {  	v13 =	vmul.f32 v22, v21;
	v22 =	vld [tilespmem:s18+$0xFFFFFEB0];
	[tilespmem:s18+$0xFFFFFE30] =	vst v19;
	v18 =	vmul.f32 v18, v6  }
0xf9: {  	v17 =	vmul.f32 v17, v21;
	v19 =	vld [tilespmem:s18+$0xFFFFFEC0];
	v23 =	vmul.f32 v23, v8;
	[tilespmem:s18+$0xFFFFFE40] =	vst v9  }
0xfa: {  	v21 =	vld [tilespmem:s18+$0xFFFFFED0];
	v9 =	vmul.f32 v13, v7;
	v13 =	vmul.f32 v24, v50;
	[tilespmem:s18+$0xFFFFFE50] =	vst v18  }
0xfb: {  	v17 =	vmul.f32 v17, v8;
	v15 =	vmul.f32 v15, v50;
	v18 =	vld [tilespmem:s18+$0xFFFFFEE0];
	[tilespmem:s18+$0x170] =	vst v23  }
0xfc: {  	[tilespmem:s18+$0xFFFFFE60] =	vst v9;
	v9 =	vmul.f32 v13, v1;
	v13 =	vmul.f32 v20, v50;
	v20 =	vld [tilespmem:s18+$0xFFFFFEF0]  }
0xfd: {  	[tilespmem:s18+$0xFFFFFE70] =	vst v17;
	v15 =	vmul.f32 v15, v2;
	v17 =	vmul.f32 v22, v50;
	v22 =	vld [tilespmem:s18+$0xFFFFFF00]  }
0xfe: {  	[tilespmem:s18+$0xFFFFFE80] =	vst v9;
	v9 =	vmul.f32 v13, v3;
	v13 =	vmul.f32 v19, v50;
	v19 =	vld [tilespmem:s18+$0xFFFFFF10]  }
0xff: {  	[tilespmem:s18+$0xFFFFFE90] =	vst v15;
	v15 =	vmul.f32 v17, v4;
	v17 =	vmul.f32 v21, v50;
	v21 =	vld [tilespmem:s18+$0xFFFFFF20]  }
0x100: {  	[tilespmem:s18+$0xFFFFFEA0] =	vst v9;
	v9 =	vmul.f32 v13, v5;
	v13 =	vmul.f32 v18, v50;
	v18 =	vld [tilespmem:s18+$0xFFFFFF30]  }
0x101: {  	[tilespmem:s18+$0xFFFFFEB0] =	vst v15;
	v15 =	vmul.f32 v17, v6;
	v17 =	vmul.f32 v20, v50;
	v20 =	vld [tilespmem:s18+$0xFFFFFF40]  }
0x102: {  	[tilespmem:s18+$0xFFFFFEC0] =	vst v9;
	v9 =	vmul.f32 v13, v7;
	v13 =	vmul.f32 v22, v29;
	v22 =	vld [tilespmem:s18+$0xFFFFFF50]  }
0x103: {  	[tilespmem:s18+$0xFFFFFED0] =	vst v15;
	v15 =	vmul.f32 v17, v8;
	v17 =	vmul.f32 v19, v29;
	v19 =	vld [tilespmem:s18+$0xFFFFFF60]  }
0x104: {  	[tilespmem:s18+$0xFFFFFEE0] =	vst v9;
	v9 =	vmul.f32 v13, v1;
	v13 =	vmul.f32 v21, v29;
	v21 =	vld [tilespmem:s18+$0xFFFFFF70]  }
0x105: {  	[tilespmem:s18+$0xFFFFFEF0] =	vst v15;
	v15 =	vmul.f32 v17, v2;
	v17 =	vmul.f32 v18, v29;
	v18 =	vld [tilespmem:s18+$0xFFFFFF80]  }
0x106: {  	[tilespmem:s18+$0xFFFFFF00] =	vst v9;
	v9 =	vmul.f32 v13, v3;
	v13 =	vmul.f32 v20, v29;
	v20 =	vld [tilespmem:s18+$0xFFFFFF90]  }
0x107: {  	[tilespmem:s18+$0xFFFFFF10] =	vst v15;
	v15 =	vmul.f32 v17, v4;
	v17 =	vmul.f32 v22, v29;
	v22 =	vld [tilespmem:s18+$0xFFFFFFA0]  }
0x108: {  	[tilespmem:s18+$0xFFFFFF20] =	vst v9;
	v9 =	vmul.f32 v13, v5;
	v13 =	vmul.f32 v19, v29;
	v19 =	vld [tilespmem:s18+$0xFFFFFFB0]  }
0x109: {  	[tilespmem:s18+$0xFFFFFF30] =	vst v15;
	v15 =	vmul.f32 v17, v6;
	v17 =	vmul.f32 v21, v29;
	v21 =	vld [tilespmem:s18+$0xFFFFFFC0]  }
0x10a: {  	[tilespmem:s18+$0xFFFFFF40] =	vst v9;
	v9 =	vmul.f32 v13, v7;
	v13 =	vmul.f32 v18, v14;
	v18 =	vld [tilespmem:s18+$0xFFFFFFD0]  }
0x10b: {  	[tilespmem:s18+$0xFFFFFF50] =	vst v15;
	v15 =	vmul.f32 v17, v8;
	v17 =	vmul.f32 v20, v14;
	v20 =	vld [tilespmem:s18+$0xFFFFFFE0]  }
0x10c: {  	[tilespmem:s18+$0xFFFFFF60] =	vst v9;
	v9 =	vmul.f32 v13, v1;
	v13 =	vmul.f32 v22, v14;
	v22 =	vld [tilespmem:s18+$0xFFFFFFF0]  }
0x10d: {  	[tilespmem:s18+$0xFFFFFF70] =	vst v15;
	v15 =	vmul.f32 v17, v2;
	v17 =	vmul.f32 v19, v14;
	v19 =	vld [tilespmem:s18+$0x0]  }
0x10e: {  	[tilespmem:s18+$0xFFFFFF80] =	vst v9;
	v9 =	vmul.f32 v13, v3;
	v13 =	vmul.f32 v21, v14;
	v21 =	vld [tilespmem:s18+$0x10]  }
0x10f: {  	[tilespmem:s18+$0xFFFFFF90] =	vst v15;
	v15 =	vmul.f32 v17, v4;
	v17 =	vmul.f32 v18, v14;
	v18 =	vld [tilespmem:s18+$0x20]  }
0x110: {  	[tilespmem:s18+$0xFFFFFFA0] =	vst v9;
	v9 =	vmul.f32 v13, v5;
	v13 =	vmul.f32 v20, v14;
	v20 =	vld [tilespmem:s18+$0x30]  }
0x111: {  	[tilespmem:s18+$0xFFFFFFB0] =	vst v15;
	v15 =	vmul.f32 v17, v6;
	v14 =	vmul.f32 v22, v14;
	v17 =	vld [tilespmem:s18+$0x40]  }
0x112: {  	[tilespmem:s18+$0xFFFFFFC0] =	vst v9;
	v9 =	vmul.f32 v13, v7;
	v13 =	vmul.f32 v19, v12;
	v19 =	vld [tilespmem:s18+$0x50]  }
0x113: {  	[tilespmem:s18+$0xFFFFFFD0] =	vst v15;
	v14 =	vmul.f32 v14, v8;
	v15 =	vmul.f32 v21, v12;
	v21 =	vld [tilespmem:s18+$0x60]  }
0x114: {  	[tilespmem:s18+$0xFFFFFFE0] =	vst v9;
	v9 =	vmul.f32 v13, v1;
	v13 =	vmul.f32 v18, v12;
	v18 =	vld [tilespmem:s18+$0x70]  }
0x115: {  	[tilespmem:s18+$0xFFFFFFF0] =	vst v14;
	v14 =	vmul.f32 v15, v2;
	v15 =	vmul.f32 v20, v12;
	v20 =	vld [tilespmem:s18+$0x80]  }
0x116: {  	[tilespmem:s18+$0x0] =	vst v9;
	v9 =	vmul.f32 v13, v3;
	v13 =	vmul.f32 v17, v12;
	v17 =	vld [tilespmem:s18+$0x90]  }
0x117: {  	[tilespmem:s18+$0x10] =	vst v14;
	v14 =	vmul.f32 v15, v4;
	v15 =	vmul.f32 v19, v12;
	v19 =	vld [tilespmem:s18+$0xA0]  }
0x118: {  	[tilespmem:s18+$0x20] =	vst v9;
	v9 =	vmul.f32 v13, v5;
	v13 =	vmul.f32 v21, v12;
	v21 =	vld [tilespmem:s18+$0xB0]  }
0x119: {  	[tilespmem:s18+$0x30] =	vst v14;
	v14 =	vmul.f32 v15, v6;
	v12 =	vmul.f32 v18, v12;
	v15 =	vld [tilespmem:s18+$0xC0]  }
0x11a: {  	v18 =	vld [tilespmem:s18+$0xD0];
	[tilespmem:s18+$0x40] =	vst v9;
	v9 =	vmul.f32 v13, v7;
	v13 =	vmul.f32 v20, v11  }
0x11b: {  	[tilespmem:s18+$0x50] =	vst v14;
	v12 =	vmul.f32 v12, v8;
	v14 =	vmul.f32 v17, v11;
	v17 =	vld [tilespmem:s18+$0xE0]  }
0x11c: {  	[tilespmem:s18+$0x60] =	vst v9;
	v9 =	vmul.f32 v13, v1;
	v13 =	vmul.f32 v19, v11;
	v19 =	vld [tilespmem:s18+$0xF0]  }
0x11d: {  	v20 =	vld [tilespmem:s18+$0x100];
	[tilespmem:s18+$0x70] =	vst v12;
	v12 =	vmul.f32 v14, v2;
	v14 =	vmul.f32 v21, v11  }
0x11e: {  	[tilespmem:s18+$0x80] =	vst v9;
	v9 =	vmul.f32 v13, v3;
	v13 =	vmul.f32 v15, v11;
	v15 =	vld [tilespmem:s18+$0x110]  }
0x11f: {  	[tilespmem:s18+$0x90] =	vst v12;
	v12 =	vmul.f32 v14, v4;
	v14 =	vmul.f32 v18, v11;
	v18 =	vld [tilespmem:s18+$0x120]  }
0x120: {  	[tilespmem:s18+$0xA0] =	vst v9;
	v9 =	vmul.f32 v13, v5;
	v13 =	vmul.f32 v17, v11;
	v17 =	vld [tilespmem:s18+$0x130]  }
0x121: {  	[tilespmem:s18+$0xB0] =	vst v12;
	v12 =	vmul.f32 v14, v6;
	v11 =	vmul.f32 v19, v11;
	v14 =	vld [tilespmem:s18+$0x140]  }
0x122: {  	v19 =	vld [tilespmem:s18+$0x150];
	[tilespmem:s18+$0xC0] =	vst v9;
	v9 =	vmul.f32 v13, v7;
	v13 =	vmul.f32 v20, v10  }
0x123: {  	[tilespmem:s18+$0xD0] =	vst v12;
	v11 =	vmul.f32 v11, v8;
	v12 =	vmul.f32 v15, v10;
	v15 =	vld [tilespmem:s18+$0x160]  }
0x124: {  	[tilespmem:s18+$0xE0] =	vst v9;
	v9 =	vmul.f32 v13, v1;
	v13 =	vmul.f32 v18, v10;
	v18 =	vld [tilespmem:s18+$0x180]  }
0x125: {  	[tilespmem:s18+$0xF0] =	vst v11;
	v11 =	vmul.f32 v12, v2;
	v12 =	vmul.f32 v17, v10;
	v17 =	vld [tilespmem:s18+$0x190]  }
0x126: {  	[tilespmem:s18+$0x100] =	vst v9;
	v9 =	vmul.f32 v13, v3;
	v13 =	vmul.f32 v14, v10;
	v14 =	vld [tilespmem:s18+$0x1A0]  }
0x127: {  	[tilespmem:s18+$0x110] =	vst v11;
	v11 =	vmul.f32 v12, v4;
	v12 =	vmul.f32 v19, v10;
	v19 =	vld [tilespmem:s18+$0x1B0]  }
0x128: {  	[tilespmem:s18+$0x120] =	vst v9;
	v9 =	vmul.f32 v13, v5;
	v10 =	vmul.f32 v15, v10;
	v13 =	vld [tilespmem:s18+$0x1C0]  }
0x129: {  	v15 =	vld [tilespmem:s18+$0x1D0];
	[tilespmem:s18+$0x130] =	vst v11;
	v11 =	vmul.f32 v12, v6;
	v12 =	vmul.f32 v18, v16  }
0x12a: {  	[tilespmem:s18+$0x140] =	vst v9;
	v9 =	vmul.f32 v10, v7;
	v10 =	vmul.f32 v17, v16;
	v17 =	vld [tilespmem:s18+$0x1E0]  }
0x12b: {  	[tilespmem:s18+$0x150] =	vst v11;
	v11 =	vmul.f32 v12, v1;
	v12 =	vmul.f32 v14, v16;
	v14 =	vld [tilespmem:s18+$0x1F0]  }
0x12c: {  	[tilespmem:s18+$0x160] =	vst v9;
	v9 =	vmul.f32 v10, v2;
	v10 =	vmul.f32 v19, v16  }
0x12d: {  	[tilespmem:s18+$0x180] =	vst v11;
	v11 =	vmul.f32 v13, v16;
	v12 =	vmul.f32 v12, v3  }
0x12e: {  	[tilespmem:s18+$0x190] =	vst v9;
	v9 =	vmul.f32 v15, v16;
	v10 =	vmul.f32 v10, v4  }
0x12f: {  	v13 =	vmul.f32 v17, v16;
	[tilespmem:s18+$0x1A0] =	vst v12;
	v11 =	vmul.f32 v11, v5  }
0x130: {  	v12 =	vmul.f32 v14, v16;
	[tilespmem:s18+$0x1B0] =	vst v10;
	v9 =	vmul.f32 v9, v6  }
0x131: {  	s22 =	sshll.u32 s6, $0x10;
	v10 =	vmul.f32 v13, v7;
	[tilespmem:s18+$0x1C0] =	vst v11  }
0x132: {  	s7 =	sadd.s32 s8, s22;
	v11 =	vmul.f32 v12, v8;
	[tilespmem:s18+$0x1D0] =	vst v9  }
0x133: {  	s7 =	sshrl.u32 s7, $0x3;
	[tilespmem:s18+$0x1E0] =	vst v10  }
0x134: {  	s9 =	simm.s32 $0x5000;
	p0 =	seq.s32 s6, $0x13;
	s7 =	sadd.s32 s3, s7;
	[tilespmem:s18+$0x1F0] =	vst v11  }
0x135: {  	[hbm4b:s7+s4] =	stream.linear.scatter [tilespmem:s9], [sflag:$0x9], $0x4000, $0x38;
	[tilespmem:$0x15280] =	vst v63  }
0x136: {  	s11 =	simm.s32 @!p0 $0x80;
	_ =	swait.ge [sflag:s30], $0x4000  }
0x137: {  	s15 =	simm.s32 @!p0 $0x5000;
	s7 =	sshll.u32 @!p0 s6, $0x9;
	[sflag:s30] =	ssyncset.done $0x0  }
0x138: {  	s18 =	simm.s32 $0x3;
	s9 =	sadd.s32 @!p0 $0x200, s7;
	[sflag:s30] =	ssyncadd.s32 $0xFFFFC000  }
0x139: {  	[tilespmem:s15], [sflag:$0x1] =	stream.indirect.gather @!p0 [hbm4b:s1+s11], $0x80, s9, s11, $0xb8;
	[tilespmem:$0x15280] =	vst v63  }
0x13a: {  	v13 =	vmov s18;
	s7 =	sadd.s32 @!p0 $0x2A00, s7;
	s9 =	simm.s32 @!p0 $0x15000  }
0x13b: {  	v13 =	vand.u32 $0xFFFFFFFB, v13;
	[tilespmem:s9], [sflag:$0x5] =	stream.indirect.gather @!p0 [hbm4b:s5+s11], $0x1, s7, s11, $0xb8;
	[tilespmem:$0x15280] =	vst v63  }
0x13c: {  	v13 =	vbroadcast v13, $0x0;
	_ =	swait.ge [sflag:s31], $0x4000  }
0x13d: {  	s9 =	simm.s32 $0x0;
	[sflag:s31] =	ssyncset.done $0x0  }
0x13e: {  	s10 =	simm.s32 $0x1;
	v9 =	vmov s9;
	[sflag:s31] =	ssyncadd.s32 $0xFFFFC000  }
0x13f: {  	v10 =	vmov s10;
	s15 =	simm.s32 $0x7;
	v9 =	vand.u32 $0xFFFFFFF8, v9;
	_ =	swait.ge [sflag:s2], $0x80  }
0x140: {  	s11 =	simm.s32 $0x2;
	v12 =	vbroadcast v9, $0x0;
	v9 =	vand.u32 $0xFFFFFFF9, v10;
	v10 =	vmov s15;
	[sflag:s2] =	ssyncset.done $0x0  }
0x141: {  	v11 =	vmov s11;
	[sflag:s2] =	ssyncadd.s32 $0xFFFFFF80  }
0x142: {  	s10 =	simm.s32 $0x6;
	s7 =	simm.s32 $0x9200;
	s9 =	simm.s32 $0x5;
	v14 =	vbroadcast v9, $0x0;
	v9 =	vand.u32 $0xFFFFFFFA, v11;
	v19 =	vld.idx.msk [tilespmem:v13+s20+$0x0], $0xffff  }
0x143: {  	v16 =	vmov s10;
	v15 =	vbroadcast v9, $0x0;
	v9 =	vmov s9;
	v24 =	vld [tilespmem:s7+$0xFFFFFE00]  }
0x144: {  	v16 =	vand.u32 $0xFFFFFFFE, v16;
	v9 =	vand.u32 $0xFFFFFFFD, v9;
	v26 =	vld [tilespmem:s7+$0xFFFFFE10]  }
0x145: {  	v17 =	vbroadcast v9, $0x0;
	v9 =	vld.idx.msk [tilespmem:v10+s20+$0x0], $0xffff;
	v10 =	vbroadcast v16, $0x0  }
0x146: {  	v27 =	vld [tilespmem:s7+$0xFFFFFE20]  }
0x147: {  	v51 =	vld [tilespmem:s7+$0xFFFFFE40]  }
0x148: {  	v20 =	vld.idx.msk [tilespmem:v12+s20+$0x0], $0xffff  }
0x149: {  	s22 =	simm.s32 $0x4;
	v22 =	vld.idx.msk [tilespmem:v15+s20+$0x0], $0xffff  }
0x14a: {  	s10 =	simm.s32 $0xC;
	s18 =	simm.s32 $0xA;
	v11 =	vmov s22;
	s22 =	simm.s32 $0xB;
	v15 =	vld [tilespmem:s7+$0x170]  }
0x14b: {  	v23 =	vmov s10;
	v13 =	vmov s22;
	v12 =	vmov s18;
	v16 =	vld.idx.msk [tilespmem:v10+s20+$0x0], $0xffff  }
0x14c: {  	v11 =	vand.u32 $0xFFFFFFFC, v11;
	v13 =	vand.u32 $0xFFFFFFFB, v13;
	v21 =	vld.idx.msk [tilespmem:v14+s20+$0x0], $0xffff;
	v12 =	vand.u32 $0xFFFFFFFA, v12  }
0x14d: {  	s18 =	simm.s32 $0xD;
	v14 =	vbroadcast v12, $0x0;
	v12 =	vbroadcast v13, $0x0;
	v13 =	vand.u32 $0xFFFFFFFC, v23;
	v23 =	vld [tilespmem:s7+$0xFFFFFE30]  }
0x14e: {  	v11 =	vbroadcast v11, $0x0;
	v30 =	vld [tilespmem:s7+$0xFFFFFE60];
	v25 =	vmov s18  }
0x14f: {  	v31 =	vld [tilespmem:s7+$0xFFFFFE70];
	v25 =	vand.u32 $0xFFFFFFFD, v25;
	v24 =	vmul.f32 v24, v20;
	v26 =	vmul.f32 v26, v20  }
0x150: {  	v52 =	vmul.f32 v15, v16;
	v15 =	vbroadcast v25, $0x0;
	v25 =	vld [tilespmem:s7+$0xFFFFFE50]  }
0x151: {  	v32 =	vld [tilespmem:s7+$0xFFFFFE80];
	v27 =	vmul.f32 v27, v20;
	v24 =	vmul.f32 v24, v1  }
0x152: {  	v53 =	vld [tilespmem:s7+$0xFFFFFE90];
	v26 =	vmul.f32 v26, v2;
	v23 =	vmul.f32 v23, v20  }
0x153: {  	v54 =	vld [tilespmem:s7+$0xFFFFFEB0];
	[tilespmem:s7+$0xFFFFFE00] =	vst v24;
	v24 =	vmul.f32 v27, v3;
	v27 =	vmul.f32 v51, v20  }
0x154: {  	v55 =	vld [tilespmem:s7+$0xFFFFFED0];
	v13 =	vbroadcast v13, $0x0;
	[tilespmem:s7+$0xFFFFFE10] =	vst v26;
	v23 =	vmul.f32 v23, v4  }
0x155: {  	v26 =	vld [tilespmem:s7+$0xFFFFFEA0];
	[tilespmem:s7+$0xFFFFFE20] =	vst v24;
	v24 =	vmul.f32 v27, v5;
	v25 =	vmul.f32 v25, v20  }
0x156: {  	v56 =	vld [tilespmem:s7+$0xFFFFFEE0];
	v27 =	vmul.f32 v30, v20;
	v29 =	vmul.f32 v52, v8  }
0x157: {  	[tilespmem:s7+$0xFFFFFE30] =	vst v23;
	v20 =	vmul.f32 v31, v20;
	v23 =	vmul.f32 v25, v6;
	v25 =	vld [tilespmem:s7+$0xFFFFFEC0]  }
0x158: {  	v57 =	vld [tilespmem:s7+$0xFFFFFF00];
	[tilespmem:s7+$0xFFFFFE40] =	vst v24;
	v24 =	vmul.f32 v27, v7;
	v27 =	vmul.f32 v32, v21  }
0x159: {  	v58 =	vld [tilespmem:s7+$0xFFFFFF20];
	v20 =	vmul.f32 v20, v8;
	[tilespmem:s7+$0xFFFFFE50] =	vst v23;
	v23 =	vmul.f32 v53, v21  }
0x15a: {  	v26 =	vmul.f32 v26, v21;
	[tilespmem:s7+$0xFFFFFE60] =	vst v24;
	v24 =	vmul.f32 v27, v1;
	v27 =	vld [tilespmem:s7+$0xFFFFFEF0]  }
0x15b: {  	v59 =	vld [tilespmem:s7+$0xFFFFFF30];
	[tilespmem:s7+$0xFFFFFE70] =	vst v20;
	v20 =	vmul.f32 v23, v2;
	v23 =	vmul.f32 v54, v21  }
0x15c: {  	[tilespmem:s7+$0xFFFFFE80] =	vst v24;
	v24 =	vmul.f32 v26, v3;
	v26 =	vld [tilespmem:s7+$0xFFFFFF10];
	v25 =	vmul.f32 v25, v21  }
0x15d: {  	v60 =	vld [tilespmem:s7+$0xFFFFFF70];
	[tilespmem:s7+$0xFFFFFE90] =	vst v20;
	v20 =	vmul.f32 v23, v4;
	v23 =	vmul.f32 v55, v21  }
0x15e: {  	v61 =	vld [tilespmem:s7+$0xFFFFFF80];
	[tilespmem:s7+$0xFFFFFEA0] =	vst v24;
	v24 =	vmul.f32 v25, v5;
	v25 =	vmul.f32 v56, v21  }
0x15f: {  	v21 =	vmul.f32 v27, v21;
	[tilespmem:s7+$0xFFFFFEB0] =	vst v20;
	v20 =	vmul.f32 v23, v6;
	v23 =	vld [tilespmem:s7+$0xFFFFFF40]  }
0x160: {  	v27 =	vld [tilespmem:s7+$0xFFFFFF50];
	[tilespmem:s7+$0xFFFFFEC0] =	vst v24;
	v24 =	vmul.f32 v25, v7;
	v25 =	vmul.f32 v57, v22  }
0x161: {  	[tilespmem:s7+$0xFFFFFED0] =	vst v20;
	v20 =	vmul.f32 v21, v8;
	v21 =	vmul.f32 v26, v22;
	v26 =	vld [tilespmem:s7+$0xFFFFFF60]  }
0x162: {  	v62 =	vld [tilespmem:s7+$0xFFFFFFD0];
	[tilespmem:s7+$0xFFFFFEE0] =	vst v24;
	v24 =	vmul.f32 v25, v1;
	v25 =	vmul.f32 v58, v22  }
0x163: {  	v63 =	vld [tilespmem:s7+$0x20];
	[tilespmem:s7+$0xFFFFFEF0] =	vst v20;
	v20 =	vmul.f32 v21, v2;
	v21 =	vmul.f32 v59, v22  }
0x164: {  	[tilespmem:s7+$0xFFFFFF00] =	vst v24;
	v24 =	vmul.f32 v25, v3;
	v23 =	vmul.f32 v23, v22;
	v25 =	vld [tilespmem:s7+$0xFFFFFF90]  }
0x165: {  	[tilespmem:s7+$0xFFFFFF10] =	vst v20;
	v20 =	vmul.f32 v21, v4;
	v21 =	vmul.f32 v27, v22;
	v27 =	vld [tilespmem:s7+$0xFFFFFFA0]  }
0x166: {  	[tilespmem:s7+$0xFFFFFF20] =	vst v24;
	v23 =	vmul.f32 v23, v5;
	v24 =	vmul.f32 v26, v22;
	v26 =	vld [tilespmem:s7+$0xFFFFFFB0]  }
0x167: {  	[tilespmem:s7+$0xFFFFFF30] =	vst v20;
	v20 =	vmul.f32 v21, v6;
	v21 =	vmul.f32 v60, v22;
	v22 =	vld [tilespmem:s7+$0xFFFFFFC0]  }
0x168: {  	v18 =	vld.idx.msk [tilespmem:v11+s20+$0x0], $0xffff;
	[tilespmem:s7+$0xFFFFFF40] =	vst v23;
	v23 =	vmul.f32 v24, v7;
	v24 =	vmul.f32 v61, v19  }
0x169: {  	[tilespmem:s7+$0xFFFFFF50] =	vst v20;
	v20 =	vmul.f32 v21, v8;
	v21 =	vmul.f32 v25, v19;
	v25 =	vld [tilespmem:s7+$0xFFFFFFE0]  }
0x16a: {  	[tilespmem:s7+$0xFFFFFF60] =	vst v23;
	v23 =	vmul.f32 v24, v1;
	v24 =	vmul.f32 v27, v19;
	v27 =	vld [tilespmem:s7+$0xFFFFFFF0]  }
0x16b: {  	[tilespmem:s7+$0xFFFFFF70] =	vst v20;
	v20 =	vmul.f32 v21, v2;
	v21 =	vmul.f32 v26, v19;
	v26 =	vld [tilespmem:s7+$0x0]  }
0x16c: {  	[tilespmem:s7+$0xFFFFFF80] =	vst v23;
	v23 =	vmul.f32 v24, v3;
	v22 =	vmul.f32 v22, v19;
	v24 =	vld [tilespmem:s7+$0x10]  }
0x16d: {  	v17 =	vld.idx.msk [tilespmem:v17+s20+$0x0], $0xffff;
	[tilespmem:s7+$0xFFFFFF90] =	vst v20;
	v20 =	vmul.f32 v21, v4;
	v21 =	vmul.f32 v62, v19  }
0x16e: {  	[tilespmem:s7+$0xFFFFFFA0] =	vst v23;
	v22 =	vmul.f32 v22, v5;
	v23 =	vmul.f32 v25, v19;
	v25 =	vld [tilespmem:s7+$0x30]  }
0x16f: {  	[tilespmem:s7+$0xFFFFFFB0] =	vst v20;
	v20 =	vmul.f32 v21, v6;
	v19 =	vmul.f32 v27, v19;
	v21 =	vld [tilespmem:s7+$0x40]  }
0x170: {  	[tilespmem:s7+$0xFFFFFFC0] =	vst v22;
	v22 =	vmul.f32 v23, v7;
	v23 =	vmul.f32 v26, v18;
	v26 =	vld [tilespmem:s7+$0x50]  }
0x171: {  	[tilespmem:s7+$0xFFFFFFD0] =	vst v20;
	v19 =	vmul.f32 v19, v8;
	v20 =	vmul.f32 v24, v18;
	v24 =	vld [tilespmem:s7+$0x60]  }
0x172: {  	v27 =	vld [tilespmem:s7+$0x70];
	[tilespmem:s7+$0xFFFFFFE0] =	vst v22;
	v22 =	vmul.f32 v23, v1;
	v23 =	vmul.f32 v63, v18  }
0x173: {  	[tilespmem:s7+$0xFFFFFFF0] =	vst v19;
	v19 =	vmul.f32 v20, v2;
	v20 =	vmul.f32 v25, v18;
	v25 =	vld [tilespmem:s7+$0x80]  }
0x174: {  	[tilespmem:s7+$0x0] =	vst v22;
	v22 =	vmul.f32 v23, v3;
	v21 =	vmul.f32 v21, v18;
	v23 =	vld [tilespmem:s7+$0x90]  }
0x175: {  	[tilespmem:s7+$0x10] =	vst v19;
	v19 =	vmul.f32 v20, v4;
	v20 =	vmul.f32 v26, v18;
	v26 =	vld [tilespmem:s7+$0xA0]  }
0x176: {  	[tilespmem:s7+$0x20] =	vst v22;
	v21 =	vmul.f32 v21, v5;
	v22 =	vmul.f32 v24, v18;
	v24 =	vld [tilespmem:s7+$0xB0]  }
0x177: {  	v18 =	vmul.f32 v27, v18;
	[tilespmem:s7+$0x30] =	vst v19;
	v19 =	vmul.f32 v20, v6;
	v20 =	vld [tilespmem:s7+$0xC0]  }
0x178: {  	[tilespmem:s7+$0x40] =	vst v21;
	v21 =	vmul.f32 v22, v7;
	v22 =	vmul.f32 v25, v17;
	v25 =	vld [tilespmem:s7+$0xD0]  }
0x179: {  	v18 =	vmul.f32 v18, v8;
	[tilespmem:s7+$0x50] =	vst v19;
	v19 =	vmul.f32 v23, v17;
	v23 =	vld [tilespmem:s7+$0xE0]  }
0x17a: {  	[tilespmem:s7+$0x60] =	vst v21;
	v21 =	vmul.f32 v22, v1;
	v22 =	vmul.f32 v26, v17;
	v26 =	vld [tilespmem:s7+$0xF0]  }
0x17b: {  	[tilespmem:s7+$0x70] =	vst v18;
	v18 =	vmul.f32 v19, v2;
	v19 =	vmul.f32 v24, v17;
	v24 =	vld [tilespmem:s7+$0x100]  }
0x17c: {  	[tilespmem:s7+$0x80] =	vst v21;
	v21 =	vmul.f32 v22, v3;
	v20 =	vmul.f32 v20, v17;
	v22 =	vld [tilespmem:s7+$0x110]  }
0x17d: {  	[tilespmem:s7+$0x90] =	vst v18;
	v18 =	vmul.f32 v19, v4;
	v19 =	vmul.f32 v25, v17;
	v25 =	vld [tilespmem:s7+$0x120]  }
0x17e: {  	[tilespmem:s7+$0xA0] =	vst v21;
	v20 =	vmul.f32 v20, v5;
	v21 =	vmul.f32 v23, v17;
	v23 =	vld [tilespmem:s7+$0x130]  }
0x17f: {  	[tilespmem:s7+$0xB0] =	vst v18;
	v18 =	vmul.f32 v19, v6;
	v17 =	vmul.f32 v26, v17;
	v19 =	vld [tilespmem:s7+$0x140]  }
0x180: {  	[tilespmem:s7+$0xC0] =	vst v20;
	v20 =	vmul.f32 v21, v7;
	v21 =	vmul.f32 v24, v16  }
0x181: {  	s11 =	simm.s32 $0x8;
	v24 =	vld [tilespmem:s7+$0x150];
	[tilespmem:s7+$0xD0] =	vst v18;
	v17 =	vmul.f32 v17, v8;
	v18 =	vmul.f32 v22, v16  }
0x182: {  	v11 =	vmov s11;
	v22 =	vld [tilespmem:s7+$0x160];
	[tilespmem:s7+$0xE0] =	vst v20;
	v20 =	vmul.f32 v21, v1;
	v21 =	vmul.f32 v25, v16  }
0x183: {  	s15 =	simm.s32 $0x9;
	v10 =	vand.u32 $0xFFFFFFF8, v11;
	v25 =	vld [tilespmem:s7+$0x180];
	[tilespmem:s7+$0xF0] =	vst v17;
	v17 =	vmul.f32 v18, v2;
	v18 =	vmul.f32 v23, v16  }
0x184: {  	v11 =	vmov s15;
	v26 =	vld [tilespmem:s7+$0x190];
	[tilespmem:s7+$0x100] =	vst v20;
	v20 =	vmul.f32 v21, v3;
	v21 =	vmul.f32 v19, v16  }
0x185: {  	s22 =	simm.s32 $0xF;
	v10 =	vbroadcast v10, $0x0;
	v11 =	vand.u32 $0xFFFFFFF9, v11;
	[tilespmem:s7+$0x170] =	vst v29;
	v19 =	vld [tilespmem:s7+$0x1A0];
	v23 =	vmul.f32 v18, v4  }
0x186: {  	[tilespmem:s7+$0x110] =	vst v17;
	v24 =	vmul.f32 v24, v16;
	v17 =	vld [tilespmem:s7+$0x1B0];
	v27 =	vmul.f32 v21, v5;
	v21 =	vmov s22  }
0x187: {  	v11 =	vbroadcast v11, $0x0;
	v18 =	vld [tilespmem:s7+$0x1C0];
	[tilespmem:s7+$0x120] =	vst v20;
	v16 =	vmul.f32 v22, v16  }
0x188: {  	v20 =	vld [tilespmem:s7+$0x1D0];
	[tilespmem:s7+$0x130] =	vst v23;
	v23 =	vmul.f32 v24, v6;
	v24 =	vmul.f32 v25, v9  }
0x189: {  	s18 =	simm.s32 $0x10;
	s15 =	simm.s32 $0x9200;
	v26 =	vmul.f32 v26, v9;
	s22 =	simm.s32 $0xE;
	v22 =	vld [tilespmem:s7+$0x1E0];
	[tilespmem:s7+$0x140] =	vst v27;
	v25 =	vmul.f32 v16, v7  }
.LBB2_7:
0x18a: {  	p1 =	slt.u32 s18, $0x78;
	v16 =	vmov s22;
	[tilespmem:s7+$0x150] =	vst v23;
	v23 =	vmul.f32 v24, v1;
	v19 =	vmul.f32 v19, v9;
	v24 =	vld [tilespmem:s7+$0x1F0]  }
0x18b: {  	v16 =	vand.u32 $0xFFFFFFFE, v16;
	v27 =	vld.idx.msk [tilespmem:v21+s20+$0x0], $0xffff;
	[tilespmem:s7+$0x160] =	vst v25;
	v25 =	vmul.f32 v26, v2;
	v17 =	vmul.f32 v17, v9  }
0x18c: {  	v26 =	vld.idx.msk [tilespmem:v10+s20+$0x0], $0xffff;
	v10 =	vbroadcast v16, $0x0;
	[tilespmem:s7+$0x180] =	vst v23;
	v16 =	vmul.f32 v18, v9  }
0x18d: {  	v21 =	vld.idx.msk [tilespmem:v11+s20+$0x0], $0xffff;
	[tilespmem:s7+$0x190] =	vst v25;
	v11 =	vmul.f32 v19, v3;
	v23 =	vmul.f32 v20, v9  }
0x18e: {  	v20 =	vld.idx.msk [tilespmem:v14+s20+$0x0], $0xffff;
	v14 =	vmul.f32 v17, v4;
	v17 =	vmul.f32 v22, v9  }
0x18f: {  	v19 =	vld.idx.msk [tilespmem:v12+s20+$0x0], $0xffff;
	[tilespmem:s7+$0x1A0] =	vst v11;
	v11 =	vmul.f32 v16, v5;
	v16 =	vmul.f32 v24, v9  }
0x190: {  	v12 =	vmul.f32 v23, v6;
	v18 =	vld.idx.msk [tilespmem:v13+s20+$0x0], $0xffff;
	[tilespmem:s7+$0x1B0] =	vst v14;
	v13 =	vmul.f32 v17, v7  }
0x191: {  	v9 =	vmov v27;
	v17 =	vld.idx.msk [tilespmem:v15+s20+$0x0], $0xffff;
	[tilespmem:s7+$0x1C0] =	vst v11;
	v11 =	vmul.f32 v16, v8  }
0x192: {  	s9 =	sadd.s32 $0x1, s18;
	s22 =	sadd.s32 $0x4, s18;
	v14 =	vmov s18;
	s7 =	sadd.s32 $0x400, s7;
	v16 =	vld.idx.msk [tilespmem:v10+s20+$0x0], $0xffff;
	[tilespmem:s15+$0x1D0] =	vst v12  }
0x193: {  	s11 =	sadd.s32 $0x3, s18;
	v22 =	vmov s22;
	v10 =	vand.u32 $0xFFFFFFF8, v14;
	v12 =	vmov s9;
	s9 =	sadd.s32 $0x2, s18;
	v15 =	vld [tilespmem:s7+$0x170];
	[tilespmem:s15+$0x1E0] =	vst v13  }
0x194: {  	v14 =	vmov s11;
	v13 =	vmov s9;
	s9 =	sadd.s32 $0x5, s18;
	v23 =	vld [tilespmem:s7+$0xFFFFFE00];
	[tilespmem:s15+$0x1F0] =	vst v11;
	s15 =	smov.u32 s7  }
0x195: {  	v10 =	vbroadcast v10, $0x0;
	v11 =	vand.u32 $0xFFFFFFF9, v12;
	v24 =	vmov s9;
	v25 =	vld [tilespmem:s7+$0xFFFFFE10]  }
0x196: {  	v12 =	vand.u32 $0xFFFFFFFA, v13;
	v13 =	vand.u32 $0xFFFFFFFB, v14;
	v11 =	vbroadcast v11, $0x0;
	v27 =	vld [tilespmem:s7+$0xFFFFFE20]  }
0x197: {  	v14 =	vbroadcast v12, $0x0;
	v12 =	vbroadcast v13, $0x0;
	v13 =	vand.u32 $0xFFFFFFFC, v22;
	v22 =	vld [tilespmem:s7+$0xFFFFFE30]  }
0x198: {  	v24 =	vand.u32 $0xFFFFFFFD, v24;
	v13 =	vbroadcast v13, $0x0;
	v28 =	vld [tilespmem:s7+$0xFFFFFE40];
	v29 =	vmul.f32 v15, v16  }
0x199: {  	v15 =	vbroadcast v24, $0x0;
	v23 =	vmul.f32 v23, v26;
	v24 =	vld [tilespmem:s7+$0xFFFFFE50]  }
0x19a: {  	v25 =	vmul.f32 v25, v26;
	v30 =	vld [tilespmem:s7+$0xFFFFFE60];
	v29 =	vmul.f32 v29, v8  }
0x19b: {  	v23 =	vmul.f32 v23, v1;
	v27 =	vmul.f32 v27, v26;
	v31 =	vld [tilespmem:s7+$0xFFFFFE70]  }
0x19c: {  	v25 =	vmul.f32 v25, v2;
	v22 =	vmul.f32 v22, v26;
	v32 =	vld [tilespmem:s7+$0xFFFFFE80];
	[tilespmem:s7+$0x170] =	vst v29  }
0x19d: {  	[tilespmem:s7+$0xFFFFFE00] =	vst v23;
	v23 =	vmul.f32 v27, v3;
	v27 =	vmul.f32 v28, v26;
	v28 =	vld [tilespmem:s7+$0xFFFFFE90]  }
0x19e: {  	[tilespmem:s7+$0xFFFFFE10] =	vst v25;
	v22 =	vmul.f32 v22, v4;
	v24 =	vmul.f32 v24, v26;
	v25 =	vld [tilespmem:s7+$0xFFFFFEA0]  }
0x19f: {  	[tilespmem:s7+$0xFFFFFE20] =	vst v23;
	v23 =	vmul.f32 v27, v5;
	v27 =	vmul.f32 v30, v26;
	v29 =	vld [tilespmem:s7+$0xFFFFFEB0]  }
0x1a0: {  	[tilespmem:s7+$0xFFFFFE30] =	vst v22;
	v22 =	vmul.f32 v24, v6;
	v24 =	vmul.f32 v31, v26;
	v26 =	vld [tilespmem:s7+$0xFFFFFEC0]  }
0x1a1: {  	[tilespmem:s7+$0xFFFFFE40] =	vst v23;
	v23 =	vmul.f32 v27, v7;
	v27 =	vmul.f32 v32, v21;
	v30 =	vld [tilespmem:s7+$0xFFFFFED0]  }
0x1a2: {  	[tilespmem:s7+$0xFFFFFE50] =	vst v22;
	v22 =	vmul.f32 v24, v8;
	v24 =	vmul.f32 v28, v21;
	v28 =	vld [tilespmem:s7+$0xFFFFFEE0]  }
0x1a3: {  	[tilespmem:s7+$0xFFFFFE60] =	vst v23;
	v23 =	vmul.f32 v27, v1;
	v25 =	vmul.f32 v25, v21;
	v27 =	vld [tilespmem:s7+$0xFFFFFEF0]  }
0x1a4: {  	[tilespmem:s7+$0xFFFFFE70] =	vst v22;
	v22 =	vmul.f32 v24, v2;
	v24 =	vmul.f32 v29, v21;
	v29 =	vld [tilespmem:s7+$0xFFFFFF00]  }
0x1a5: {  	[tilespmem:s7+$0xFFFFFE80] =	vst v23;
	v23 =	vmul.f32 v25, v3;
	v25 =	vmul.f32 v26, v21;
	v26 =	vld [tilespmem:s7+$0xFFFFFF10]  }
0x1a6: {  	[tilespmem:s7+$0xFFFFFE90] =	vst v22;
	v22 =	vmul.f32 v24, v4;
	v24 =	vmul.f32 v30, v21;
	v30 =	vld [tilespmem:s7+$0xFFFFFF20]  }
0x1a7: {  	[tilespmem:s7+$0xFFFFFEA0] =	vst v23;
	v23 =	vmul.f32 v25, v5;
	v25 =	vmul.f32 v28, v21;
	v28 =	vld [tilespmem:s7+$0xFFFFFF30]  }
0x1a8: {  	[tilespmem:s7+$0xFFFFFEB0] =	vst v22;
	v22 =	vmul.f32 v24, v6;
	v21 =	vmul.f32 v27, v21;
	v24 =	vld [tilespmem:s7+$0xFFFFFF40]  }
0x1a9: {  	[tilespmem:s7+$0xFFFFFEC0] =	vst v23;
	v23 =	vmul.f32 v25, v7;
	v25 =	vmul.f32 v29, v20;
	v27 =	vld [tilespmem:s7+$0xFFFFFF50]  }
0x1aa: {  	[tilespmem:s7+$0xFFFFFED0] =	vst v22;
	v21 =	vmul.f32 v21, v8;
	v22 =	vmul.f32 v26, v20;
	v26 =	vld [tilespmem:s7+$0xFFFFFF60]  }
0x1ab: {  	[tilespmem:s7+$0xFFFFFEE0] =	vst v23;
	v23 =	vmul.f32 v25, v1;
	v25 =	vmul.f32 v30, v20;
	v29 =	vld [tilespmem:s7+$0xFFFFFF70]  }
0x1ac: {  	[tilespmem:s7+$0xFFFFFEF0] =	vst v21;
	v21 =	vmul.f32 v22, v2;
	v22 =	vmul.f32 v28, v20;
	v28 =	vld [tilespmem:s7+$0xFFFFFF80]  }
0x1ad: {  	[tilespmem:s7+$0xFFFFFF00] =	vst v23;
	v23 =	vmul.f32 v25, v3;
	v24 =	vmul.f32 v24, v20;
	v25 =	vld [tilespmem:s7+$0xFFFFFF90]  }
0x1ae: {  	[tilespmem:s7+$0xFFFFFF10] =	vst v21;
	v21 =	vmul.f32 v22, v4;
	v22 =	vmul.f32 v27, v20;
	v27 =	vld [tilespmem:s7+$0xFFFFFFA0]  }
0x1af: {  	[tilespmem:s7+$0xFFFFFF20] =	vst v23;
	v23 =	vmul.f32 v24, v5;
	v24 =	vmul.f32 v26, v20;
	v26 =	vld [tilespmem:s7+$0xFFFFFFB0]  }
0x1b0: {  	[tilespmem:s7+$0xFFFFFF30] =	vst v21;
	v21 =	vmul.f32 v22, v6;
	v20 =	vmul.f32 v29, v20;
	v22 =	vld [tilespmem:s7+$0xFFFFFFC0]  }
0x1b1: {  	[tilespmem:s7+$0xFFFFFF40] =	vst v23;
	v23 =	vmul.f32 v24, v7;
	v24 =	vmul.f32 v28, v19;
	v28 =	vld [tilespmem:s7+$0xFFFFFFD0]  }
0x1b2: {  	[tilespmem:s7+$0xFFFFFF50] =	vst v21;
	v20 =	vmul.f32 v20, v8;
	v21 =	vmul.f32 v25, v19;
	v25 =	vld [tilespmem:s7+$0xFFFFFFE0]  }
0x1b3: {  	[tilespmem:s7+$0xFFFFFF60] =	vst v23;
	v23 =	vmul.f32 v24, v1;
	v24 =	vmul.f32 v27, v19;
	v27 =	vld [tilespmem:s7+$0xFFFFFFF0]  }
0x1b4: {  	[tilespmem:s7+$0xFFFFFF70] =	vst v20;
	v20 =	vmul.f32 v21, v2;
	v21 =	vmul.f32 v26, v19;
	v26 =	vld [tilespmem:s7+$0x0]  }
0x1b5: {  	[tilespmem:s7+$0xFFFFFF80] =	vst v23;
	v23 =	vmul.f32 v24, v3;
	v22 =	vmul.f32 v22, v19;
	v24 =	vld [tilespmem:s7+$0x10]  }
0x1b6: {  	[tilespmem:s7+$0xFFFFFF90] =	vst v20;
	v20 =	vmul.f32 v21, v4;
	v21 =	vmul.f32 v28, v19;
	v28 =	vld [tilespmem:s7+$0x20]  }
0x1b7: {  	[tilespmem:s7+$0xFFFFFFA0] =	vst v23;
	v22 =	vmul.f32 v22, v5;
	v23 =	vmul.f32 v25, v19;
	v25 =	vld [tilespmem:s7+$0x30]  }
0x1b8: {  	[tilespmem:s7+$0xFFFFFFB0] =	vst v20;
	v20 =	vmul.f32 v21, v6;
	v19 =	vmul.f32 v27, v19;
	v21 =	vld [tilespmem:s7+$0x40]  }
0x1b9: {  	[tilespmem:s7+$0xFFFFFFC0] =	vst v22;
	v22 =	vmul.f32 v23, v7;
	v23 =	vmul.f32 v26, v18;
	v26 =	vld [tilespmem:s7+$0x50]  }
0x1ba: {  	[tilespmem:s7+$0xFFFFFFD0] =	vst v20;
	v19 =	vmul.f32 v19, v8;
	v20 =	vmul.f32 v24, v18;
	v24 =	vld [tilespmem:s7+$0x60]  }
0x1bb: {  	[tilespmem:s7+$0xFFFFFFE0] =	vst v22;
	v22 =	vmul.f32 v23, v1;
	v23 =	vmul.f32 v28, v18;
	v27 =	vld [tilespmem:s7+$0x70]  }
0x1bc: {  	[tilespmem:s7+$0xFFFFFFF0] =	vst v19;
	v19 =	vmul.f32 v20, v2;
	v20 =	vmul.f32 v25, v18;
	v25 =	vld [tilespmem:s7+$0x80]  }
0x1bd: {  	[tilespmem:s7+$0x0] =	vst v22;
	v22 =	vmul.f32 v23, v3;
	v21 =	vmul.f32 v21, v18;
	v23 =	vld [tilespmem:s7+$0x90]  }
0x1be: {  	[tilespmem:s7+$0x10] =	vst v19;
	v19 =	vmul.f32 v20, v4;
	v20 =	vmul.f32 v26, v18;
	v26 =	vld [tilespmem:s7+$0xA0]  }
0x1bf: {  	[tilespmem:s7+$0x20] =	vst v22;
	v21 =	vmul.f32 v21, v5;
	v22 =	vmul.f32 v24, v18;
	v24 =	vld [tilespmem:s7+$0xB0]  }
0x1c0: {  	[tilespmem:s7+$0x30] =	vst v19;
	v19 =	vmul.f32 v20, v6;
	v18 =	vmul.f32 v27, v18;
	v20 =	vld [tilespmem:s7+$0xC0]  }
0x1c1: {  	[tilespmem:s7+$0x40] =	vst v21;
	v21 =	vmul.f32 v22, v7;
	v22 =	vmul.f32 v25, v17;
	v25 =	vld [tilespmem:s7+$0xD0]  }
0x1c2: {  	[tilespmem:s7+$0x50] =	vst v19;
	v18 =	vmul.f32 v18, v8;
	v19 =	vmul.f32 v23, v17;
	v23 =	vld [tilespmem:s7+$0xE0]  }
0x1c3: {  	[tilespmem:s7+$0x60] =	vst v21;
	v21 =	vmul.f32 v22, v1;
	v22 =	vmul.f32 v26, v17;
	v26 =	vld [tilespmem:s7+$0xF0]  }
0x1c4: {  	[tilespmem:s7+$0x70] =	vst v18;
	v18 =	vmul.f32 v19, v2;
	v19 =	vmul.f32 v24, v17;
	v24 =	vld [tilespmem:s7+$0x100]  }
0x1c5: {  	[tilespmem:s7+$0x80] =	vst v21;
	v21 =	vmul.f32 v22, v3;
	v20 =	vmul.f32 v20, v17;
	v22 =	vld [tilespmem:s7+$0x110]  }
0x1c6: {  	[tilespmem:s7+$0x90] =	vst v18;
	v18 =	vmul.f32 v19, v4;
	v19 =	vmul.f32 v25, v17;
	v25 =	vld [tilespmem:s7+$0x120]  }
0x1c7: {  	[tilespmem:s7+$0xA0] =	vst v21;
	v20 =	vmul.f32 v20, v5;
	v21 =	vmul.f32 v23, v17;
	v23 =	vld [tilespmem:s7+$0x130]  }
0x1c8: {  	[tilespmem:s7+$0xB0] =	vst v18;
	v18 =	vmul.f32 v19, v6;
	v17 =	vmul.f32 v26, v17;
	v19 =	vld [tilespmem:s7+$0x140]  }
0x1c9: {  	[tilespmem:s7+$0xC0] =	vst v20;
	v20 =	vmul.f32 v21, v7;
	v21 =	vmul.f32 v24, v16;
	v24 =	vld [tilespmem:s7+$0x150]  }
0x1ca: {  	[tilespmem:s7+$0xD0] =	vst v18;
	v17 =	vmul.f32 v17, v8;
	v18 =	vmul.f32 v22, v16;
	v22 =	vld [tilespmem:s7+$0x160]  }
0x1cb: {  	[tilespmem:s7+$0xE0] =	vst v20;
	v20 =	vmul.f32 v21, v1;
	v21 =	vmul.f32 v25, v16;
	v25 =	vld [tilespmem:s7+$0x180]  }
0x1cc: {  	[tilespmem:s7+$0xF0] =	vst v17;
	v17 =	vmul.f32 v18, v2;
	v18 =	vmul.f32 v23, v16;
	v26 =	vld [tilespmem:s7+$0x190]  }
.Ltmp2:
0x1cd: {  	s9 =	sadd.s32 $0x7, s18;
	[tilespmem:s7+$0x100] =	vst v20;
	v20 =	vmul.f32 v21, v3;
	v23 =	vmul.f32 v19, v16;
	v19 =	vld [tilespmem:s7+$0x1A0];
	(pc) =	sbr.rel @p1 .LBB2_7-.Ltmp2, $4  }
0x1ce: {  	v21 =	vmov s9;
	[tilespmem:s7+$0x110] =	vst v17;
	v27 =	vmul.f32 v18, v4;
	v24 =	vmul.f32 v24, v16;
	v17 =	vld [tilespmem:s7+$0x1B0]  }
0x1cf: {  	[tilespmem:s7+$0x120] =	vst v20;
	v28 =	vmul.f32 v23, v5;
	v16 =	vmul.f32 v22, v16;
	v18 =	vld [tilespmem:s7+$0x1C0]  }
0x1d0: {  	[tilespmem:s7+$0x130] =	vst v27;
	v23 =	vmul.f32 v24, v6;
	v24 =	vmul.f32 v25, v9;
	v20 =	vld [tilespmem:s7+$0x1D0]  }
0x1d1: {  	s22 =	sadd.s32 $0x6, s18;
	s18 =	sadd.s32 $0x8, s18;
	[tilespmem:s7+$0x140] =	vst v28;
	v25 =	vmul.f32 v16, v7;
	v26 =	vmul.f32 v26, v9;
	v22 =	vld [tilespmem:s7+$0x1E0]  }
0x1d2: {  	_ =	sdelay $0x2  }
0x1d3: {  	v27 =	vld [tilespmem:s7+$0x1F0]  }
0x1d4: {  	v50 =	vld.idx.msk [tilespmem:v11+s20+$0x0], $0xffff  }
0x1d5: {  	v29 =	vld.idx.msk [tilespmem:v14+s20+$0x0], $0xffff  }
0x1d6: {  	v14 =	vld.idx.msk [tilespmem:v12+s20+$0x0], $0xffff  }
0x1d7: {  	v12 =	vld.idx.msk [tilespmem:v13+s20+$0x0], $0xffff  }
0x1d8: {  	v16 =	vmov s22;
	v11 =	vld.idx.msk [tilespmem:v15+s20+$0x0], $0xffff  }
0x1d9: {  	v13 =	vmul.f32 v24, v1;
	v28 =	vand.u32 $0xFFFFFFFE, v16;
	v16 =	vld.idx.msk [tilespmem:v21+s20+$0x0], $0xffff  }
0x1da: {  	v15 =	vmul.f32 v19, v9;
	s18 =	sadd.s32 $0x400, s7;
	v21 =	vld.idx.msk [tilespmem:v10+s20+$0x0], $0xffff;
	v19 =	vmul.f32 v26, v2  }
0x1db: {  	[tilespmem:s7+$0x150] =	vst v23;
	v17 =	vmul.f32 v17, v9;
	v23 =	vld [tilespmem:s18+$0x170];
	v10 =	vbroadcast v28, $0x0  }
0x1dc: {  	[tilespmem:s7+$0x180] =	vst v13;
	v13 =	vmul.f32 v18, v9;
	v15 =	vmul.f32 v15, v3;
	v18 =	vld [tilespmem:s18+$0xFFFFFE00]  }
0x1dd: {  	[tilespmem:s7+$0x190] =	vst v19;
	v19 =	vmul.f32 v20, v9;
	v17 =	vmul.f32 v17, v4;
	v20 =	vld [tilespmem:s18+$0xFFFFFE10]  }
0x1de: {  	v22 =	vmul.f32 v22, v9;
	[tilespmem:s7+$0x1A0] =	vst v15;
	v13 =	vmul.f32 v13, v5;
	v15 =	vld [tilespmem:s18+$0xFFFFFE20]  }
0x1df: {  	v9 =	vmul.f32 v27, v9;
	[tilespmem:s7+$0x1B0] =	vst v17;
	v17 =	vmul.f32 v19, v6;
	v19 =	vld [tilespmem:s18+$0xFFFFFE30]  }
0x1e0: {  	v22 =	vmul.f32 v22, v7;
	[tilespmem:s7+$0x1C0] =	vst v13;
	v13 =	vld [tilespmem:s18+$0xFFFFFE40]  }
0x1e1: {  	v9 =	vmul.f32 v9, v8;
	[tilespmem:s15+$0x1D0] =	vst v17;
	v17 =	vmul.f32 v18, v21;
	v18 =	vld [tilespmem:s18+$0xFFFFFE50]  }
0x1e2: {  	v10 =	vld.idx.msk [tilespmem:v10+s20+$0x0], $0xffff;
	[tilespmem:s15+$0x1E0] =	vst v22;
	v20 =	vmul.f32 v20, v21  }
0x1e3: {  	v22 =	vld [tilespmem:s18+$0xFFFFFE60];
	[tilespmem:s15+$0x1F0] =	vst v9;
	v9 =	vmul.f32 v17, v1;
	v15 =	vmul.f32 v15, v21  }
0x1e4: {  	[tilespmem:s7+$0x160] =	vst v25;
	v17 =	vld [tilespmem:s18+$0xFFFFFE70];
	v20 =	vmul.f32 v20, v2;
	v19 =	vmul.f32 v19, v21  }
0x1e5: {  	v24 =	vld [tilespmem:s18+$0xFFFFFE80];
	[tilespmem:s18+$0xFFFFFE00] =	vst v9;
	v9 =	vmul.f32 v15, v3;
	v13 =	vmul.f32 v13, v21  }
0x1e6: {  	v15 =	vld [tilespmem:s18+$0xFFFFFE90];
	[tilespmem:s18+$0xFFFFFE10] =	vst v20;
	v19 =	vmul.f32 v19, v4;
	v18 =	vmul.f32 v18, v21  }
0x1e7: {  	v20 =	vld [tilespmem:s18+$0xFFFFFEA0];
	v23 =	vmul.f32 v23, v10;
	[tilespmem:s18+$0xFFFFFE20] =	vst v9;
	v9 =	vmul.f32 v13, v5  }
0x1e8: {  	v13 =	vmul.f32 v22, v21;
	v22 =	vld [tilespmem:s18+$0xFFFFFEB0];
	[tilespmem:s18+$0xFFFFFE30] =	vst v19;
	v18 =	vmul.f32 v18, v6  }
0x1e9: {  	v17 =	vmul.f32 v17, v21;
	v19 =	vld [tilespmem:s18+$0xFFFFFEC0];
	v23 =	vmul.f32 v23, v8;
	[tilespmem:s18+$0xFFFFFE40] =	vst v9  }
0x1ea: {  	v21 =	vld [tilespmem:s18+$0xFFFFFED0];
	v9 =	vmul.f32 v13, v7;
	v13 =	vmul.f32 v24, v50;
	[tilespmem:s18+$0xFFFFFE50] =	vst v18  }
0x1eb: {  	v17 =	vmul.f32 v17, v8;
	v15 =	vmul.f32 v15, v50;
	v18 =	vld [tilespmem:s18+$0xFFFFFEE0];
	[tilespmem:s18+$0x170] =	vst v23  }
0x1ec: {  	[tilespmem:s18+$0xFFFFFE60] =	vst v9;
	v9 =	vmul.f32 v13, v1;
	v13 =	vmul.f32 v20, v50;
	v20 =	vld [tilespmem:s18+$0xFFFFFEF0]  }
0x1ed: {  	[tilespmem:s18+$0xFFFFFE70] =	vst v17;
	v15 =	vmul.f32 v15, v2;
	v17 =	vmul.f32 v22, v50;
	v22 =	vld [tilespmem:s18+$0xFFFFFF00]  }
0x1ee: {  	[tilespmem:s18+$0xFFFFFE80] =	vst v9;
	v9 =	vmul.f32 v13, v3;
	v13 =	vmul.f32 v19, v50;
	v19 =	vld [tilespmem:s18+$0xFFFFFF10]  }
0x1ef: {  	[tilespmem:s18+$0xFFFFFE90] =	vst v15;
	v15 =	vmul.f32 v17, v4;
	v17 =	vmul.f32 v21, v50;
	v21 =	vld [tilespmem:s18+$0xFFFFFF20]  }
0x1f0: {  	[tilespmem:s18+$0xFFFFFEA0] =	vst v9;
	v9 =	vmul.f32 v13, v5;
	v13 =	vmul.f32 v18, v50;
	v18 =	vld [tilespmem:s18+$0xFFFFFF30]  }
0x1f1: {  	[tilespmem:s18+$0xFFFFFEB0] =	vst v15;
	v15 =	vmul.f32 v17, v6;
	v17 =	vmul.f32 v20, v50;
	v20 =	vld [tilespmem:s18+$0xFFFFFF40]  }
0x1f2: {  	[tilespmem:s18+$0xFFFFFEC0] =	vst v9;
	v9 =	vmul.f32 v13, v7;
	v13 =	vmul.f32 v22, v29;
	v22 =	vld [tilespmem:s18+$0xFFFFFF50]  }
0x1f3: {  	[tilespmem:s18+$0xFFFFFED0] =	vst v15;
	v15 =	vmul.f32 v17, v8;
	v17 =	vmul.f32 v19, v29;
	v19 =	vld [tilespmem:s18+$0xFFFFFF60]  }
0x1f4: {  	[tilespmem:s18+$0xFFFFFEE0] =	vst v9;
	v9 =	vmul.f32 v13, v1;
	v13 =	vmul.f32 v21, v29;
	v21 =	vld [tilespmem:s18+$0xFFFFFF70]  }
0x1f5: {  	[tilespmem:s18+$0xFFFFFEF0] =	vst v15;
	v15 =	vmul.f32 v17, v2;
	v17 =	vmul.f32 v18, v29;
	v18 =	vld [tilespmem:s18+$0xFFFFFF80]  }
0x1f6: {  	[tilespmem:s18+$0xFFFFFF00] =	vst v9;
	v9 =	vmul.f32 v13, v3;
	v13 =	vmul.f32 v20, v29;
	v20 =	vld [tilespmem:s18+$0xFFFFFF90]  }
0x1f7: {  	[tilespmem:s18+$0xFFFFFF10] =	vst v15;
	v15 =	vmul.f32 v17, v4;
	v17 =	vmul.f32 v22, v29;
	v22 =	vld [tilespmem:s18+$0xFFFFFFA0]  }
0x1f8: {  	[tilespmem:s18+$0xFFFFFF20] =	vst v9;
	v9 =	vmul.f32 v13, v5;
	v13 =	vmul.f32 v19, v29;
	v19 =	vld [tilespmem:s18+$0xFFFFFFB0]  }
0x1f9: {  	[tilespmem:s18+$0xFFFFFF30] =	vst v15;
	v15 =	vmul.f32 v17, v6;
	v17 =	vmul.f32 v21, v29;
	v21 =	vld [tilespmem:s18+$0xFFFFFFC0]  }
0x1fa: {  	[tilespmem:s18+$0xFFFFFF40] =	vst v9;
	v9 =	vmul.f32 v13, v7;
	v13 =	vmul.f32 v18, v14;
	v18 =	vld [tilespmem:s18+$0xFFFFFFD0]  }
0x1fb: {  	[tilespmem:s18+$0xFFFFFF50] =	vst v15;
	v15 =	vmul.f32 v17, v8;
	v17 =	vmul.f32 v20, v14;
	v20 =	vld [tilespmem:s18+$0xFFFFFFE0]  }
0x1fc: {  	[tilespmem:s18+$0xFFFFFF60] =	vst v9;
	v9 =	vmul.f32 v13, v1;
	v13 =	vmul.f32 v22, v14;
	v22 =	vld [tilespmem:s18+$0xFFFFFFF0]  }
0x1fd: {  	[tilespmem:s18+$0xFFFFFF70] =	vst v15;
	v15 =	vmul.f32 v17, v2;
	v17 =	vmul.f32 v19, v14;
	v19 =	vld [tilespmem:s18+$0x0]  }
0x1fe: {  	[tilespmem:s18+$0xFFFFFF80] =	vst v9;
	v9 =	vmul.f32 v13, v3;
	v13 =	vmul.f32 v21, v14;
	v21 =	vld [tilespmem:s18+$0x10]  }
0x1ff: {  	[tilespmem:s18+$0xFFFFFF90] =	vst v15;
	v15 =	vmul.f32 v17, v4;
	v17 =	vmul.f32 v18, v14;
	v18 =	vld [tilespmem:s18+$0x20]  }
0x200: {  	[tilespmem:s18+$0xFFFFFFA0] =	vst v9;
	v9 =	vmul.f32 v13, v5;
	v13 =	vmul.f32 v20, v14;
	v20 =	vld [tilespmem:s18+$0x30]  }
0x201: {  	[tilespmem:s18+$0xFFFFFFB0] =	vst v15;
	v15 =	vmul.f32 v17, v6;
	v14 =	vmul.f32 v22, v14;
	v17 =	vld [tilespmem:s18+$0x40]  }
0x202: {  	[tilespmem:s18+$0xFFFFFFC0] =	vst v9;
	v9 =	vmul.f32 v13, v7;
	v13 =	vmul.f32 v19, v12;
	v19 =	vld [tilespmem:s18+$0x50]  }
0x203: {  	[tilespmem:s18+$0xFFFFFFD0] =	vst v15;
	v14 =	vmul.f32 v14, v8;
	v15 =	vmul.f32 v21, v12;
	v21 =	vld [tilespmem:s18+$0x60]  }
0x204: {  	[tilespmem:s18+$0xFFFFFFE0] =	vst v9;
	v9 =	vmul.f32 v13, v1;
	v13 =	vmul.f32 v18, v12;
	v18 =	vld [tilespmem:s18+$0x70]  }
0x205: {  	[tilespmem:s18+$0xFFFFFFF0] =	vst v14;
	v14 =	vmul.f32 v15, v2;
	v15 =	vmul.f32 v20, v12;
	v20 =	vld [tilespmem:s18+$0x80]  }
0x206: {  	[tilespmem:s18+$0x0] =	vst v9;
	v9 =	vmul.f32 v13, v3;
	v13 =	vmul.f32 v17, v12;
	v17 =	vld [tilespmem:s18+$0x90]  }
0x207: {  	[tilespmem:s18+$0x10] =	vst v14;
	v14 =	vmul.f32 v15, v4;
	v15 =	vmul.f32 v19, v12;
	v19 =	vld [tilespmem:s18+$0xA0]  }
0x208: {  	[tilespmem:s18+$0x20] =	vst v9;
	v9 =	vmul.f32 v13, v5;
	v13 =	vmul.f32 v21, v12;
	v21 =	vld [tilespmem:s18+$0xB0]  }
0x209: {  	[tilespmem:s18+$0x30] =	vst v14;
	v14 =	vmul.f32 v15, v6;
	v12 =	vmul.f32 v18, v12;
	v15 =	vld [tilespmem:s18+$0xC0]  }
0x20a: {  	v18 =	vld [tilespmem:s18+$0xD0];
	[tilespmem:s18+$0x40] =	vst v9;
	v9 =	vmul.f32 v13, v7;
	v13 =	vmul.f32 v20, v11  }
0x20b: {  	[tilespmem:s18+$0x50] =	vst v14;
	v12 =	vmul.f32 v12, v8;
	v14 =	vmul.f32 v17, v11;
	v17 =	vld [tilespmem:s18+$0xE0]  }
0x20c: {  	[tilespmem:s18+$0x60] =	vst v9;
	v9 =	vmul.f32 v13, v1;
	v13 =	vmul.f32 v19, v11;
	v19 =	vld [tilespmem:s18+$0xF0]  }
0x20d: {  	v20 =	vld [tilespmem:s18+$0x100];
	[tilespmem:s18+$0x70] =	vst v12;
	v12 =	vmul.f32 v14, v2;
	v14 =	vmul.f32 v21, v11  }
0x20e: {  	[tilespmem:s18+$0x80] =	vst v9;
	v9 =	vmul.f32 v13, v3;
	v13 =	vmul.f32 v15, v11;
	v15 =	vld [tilespmem:s18+$0x110]  }
0x20f: {  	[tilespmem:s18+$0x90] =	vst v12;
	v12 =	vmul.f32 v14, v4;
	v14 =	vmul.f32 v18, v11;
	v18 =	vld [tilespmem:s18+$0x120]  }
0x210: {  	[tilespmem:s18+$0xA0] =	vst v9;
	v9 =	vmul.f32 v13, v5;
	v13 =	vmul.f32 v17, v11;
	v17 =	vld [tilespmem:s18+$0x130]  }
0x211: {  	[tilespmem:s18+$0xB0] =	vst v12;
	v12 =	vmul.f32 v14, v6;
	v11 =	vmul.f32 v19, v11;
	v14 =	vld [tilespmem:s18+$0x140]  }
0x212: {  	v19 =	vld [tilespmem:s18+$0x150];
	[tilespmem:s18+$0xC0] =	vst v9;
	v9 =	vmul.f32 v13, v7;
	v13 =	vmul.f32 v20, v10  }
0x213: {  	[tilespmem:s18+$0xD0] =	vst v12;
	v11 =	vmul.f32 v11, v8;
	v12 =	vmul.f32 v15, v10;
	v15 =	vld [tilespmem:s18+$0x160]  }
0x214: {  	[tilespmem:s18+$0xE0] =	vst v9;
	v9 =	vmul.f32 v13, v1;
	v13 =	vmul.f32 v18, v10;
	v18 =	vld [tilespmem:s18+$0x180]  }
0x215: {  	[tilespmem:s18+$0xF0] =	vst v11;
	v11 =	vmul.f32 v12, v2;
	v12 =	vmul.f32 v17, v10;
	v17 =	vld [tilespmem:s18+$0x190]  }
0x216: {  	[tilespmem:s18+$0x100] =	vst v9;
	v9 =	vmul.f32 v13, v3;
	v13 =	vmul.f32 v14, v10;
	v14 =	vld [tilespmem:s18+$0x1A0]  }
0x217: {  	[tilespmem:s18+$0x110] =	vst v11;
	v11 =	vmul.f32 v12, v4;
	v12 =	vmul.f32 v19, v10;
	v19 =	vld [tilespmem:s18+$0x1B0]  }
0x218: {  	[tilespmem:s18+$0x120] =	vst v9;
	v9 =	vmul.f32 v13, v5;
	v10 =	vmul.f32 v15, v10;
	v13 =	vld [tilespmem:s18+$0x1C0]  }
0x219: {  	v15 =	vld [tilespmem:s18+$0x1D0];
	[tilespmem:s18+$0x130] =	vst v11;
	v11 =	vmul.f32 v12, v6;
	v12 =	vmul.f32 v18, v16  }
0x21a: {  	[tilespmem:s18+$0x140] =	vst v9;
	v9 =	vmul.f32 v10, v7;
	v10 =	vmul.f32 v17, v16  }
0x21b: {  	[tilespmem:s18+$0x150] =	vst v11;
	v11 =	vmul.f32 v12, v1;
	v12 =	vmul.f32 v14, v16  }
0x21c: {  	v17 =	vld [tilespmem:s18+$0x1E0];
	[tilespmem:s18+$0x160] =	vst v9;
	v9 =	vmul.f32 v10, v2;
	v10 =	vmul.f32 v19, v16  }
0x21d: {  	v14 =	vld [tilespmem:s18+$0x1F0];
	[tilespmem:s18+$0x180] =	vst v11;
	v11 =	vmul.f32 v13, v16;
	v12 =	vmul.f32 v12, v3  }
0x21e: {  	[tilespmem:s18+$0x190] =	vst v9;
	v9 =	vmul.f32 v15, v16;
	v10 =	vmul.f32 v10, v4  }
0x21f: {  	[tilespmem:s18+$0x1A0] =	vst v12;
	v11 =	vmul.f32 v11, v5  }
0x220: {  	[tilespmem:s18+$0x1B0] =	vst v10;
	v9 =	vmul.f32 v9, v6  }
0x221: {  	v13 =	vmul.f32 v17, v16;
	[tilespmem:s18+$0x1C0] =	vst v11  }
0x222: {  	v12 =	vmul.f32 v14, v16;
	[tilespmem:s18+$0x1D0] =	vst v9  }
0x223: {  	s7 =	sshll.u32 s6, $0x9;
	v10 =	vmul.f32 v13, v7;
	s9 =	rddreg [dreg:$0x7]  }
0x224: {  	v11 =	vmul.f32 v12, v8;
	s9 =	sadd.s32 s7, s9  }
0x225: {  	[tilespmem:s18+$0x1E0] =	vst v10;
	s9 =	sshll.u32 s9, $0x4  }
0x226: {  	s10 =	simm.s32 $0x9000;
	[tilespmem:s18+$0x1F0] =	vst v11;
	s9 =	sadd.s32 s3, s9  }
0x227: {  	[hbm4b:s9+s4] =	stream.linear.scatter [tilespmem:s10], [sflag:$0xA], $0x4000, $0x38;
	[tilespmem:$0x15280] =	vst v63  }
0x228: {  	_ =	swait.ge [sflag:s0], $0x4000  }
0x229: {  	s11 =	simm.s32 @!p0 $0x80;
	s15 =	simm.s32 @!p0 $0x9000;
	[sflag:s0] =	ssyncset.done $0x0  }
0x22a: {  	s9 =	sadd.s32 @!p0 $0x280, s7;
	s10 =	simm.s32 $0x3;
	[sflag:s0] =	ssyncadd.s32 $0xFFFFC000  }
0x22b: {  	[tilespmem:s15], [sflag:$0x2] =	stream.indirect.gather @!p0 [hbm4b:s1+s11], $0x80, s9, s11, $0xb8;
	[tilespmem:$0x15280] =	vst v63  }
0x22c: {  	v13 =	vmov s10;
	s9 =	sadd.s32 @!p0 $0x2A80, s7;
	s15 =	simm.s32 @!p0 $0x15080  }
0x22d: {  	v13 =	vand.u32 $0xFFFFFFFB, v13;
	[tilespmem:s15], [sflag:$0x6] =	stream.indirect.gather @!p0 [hbm4b:s5+s11], $0x1, s9, s11, $0xb8;
	[tilespmem:$0x15280] =	vst v63  }
0x22e: {  	v13 =	vbroadcast v13, $0x0;
	_ =	swait.ge [sflag:s13], $0x4000  }
0x22f: {  	s11 =	simm.s32 $0x0;
	[sflag:s13] =	ssyncset.done $0x0  }
0x230: {  	s15 =	simm.s32 $0x1;
	v9 =	vmov s11;
	[sflag:s13] =	ssyncadd.s32 $0xFFFFC000  }
0x231: {  	s22 =	simm.s32 $0x7;
	v10 =	vmov s15;
	v9 =	vand.u32 $0xFFFFFFF8, v9;
	_ =	swait.ge [sflag:s16], $0x80  }
0x232: {  	s18 =	simm.s32 $0x2;
	v12 =	vbroadcast v9, $0x0;
	v9 =	vand.u32 $0xFFFFFFF9, v10;
	v10 =	vmov s22;
	[sflag:s16] =	ssyncset.done $0x0  }
0x233: {  	v11 =	vmov s18;
	s15 =	simm.s32 $0x4;
	[sflag:s16] =	ssyncadd.s32 $0xFFFFFF80  }
0x234: {  	s18 =	simm.s32 $0x5;
	s22 =	simm.s32 $0x6;
	v14 =	vbroadcast v9, $0x0;
	v9 =	vand.u32 $0xFFFFFFFA, v11;
	v11 =	vmov s15;
	s15 =	simm.s32 $0xD200;
	v19 =	vld.idx.msk [tilespmem:v13+s24+$0x0], $0xffff  }
0x235: {  	v16 =	vmov s22;
	v15 =	vbroadcast v9, $0x0;
	v9 =	vmov s18;
	v24 =	vld [tilespmem:s15+$0xFFFFFE00]  }
0x236: {  	v16 =	vand.u32 $0xFFFFFFFE, v16;
	v9 =	vand.u32 $0xFFFFFFFD, v9;
	v26 =	vld [tilespmem:s15+$0xFFFFFE10]  }
0x237: {  	v11 =	vand.u32 $0xFFFFFFFC, v11;
	v17 =	vbroadcast v9, $0x0;
	v9 =	vld.idx.msk [tilespmem:v10+s24+$0x0], $0xffff;
	v10 =	vbroadcast v16, $0x0  }
0x238: {  	v11 =	vbroadcast v11, $0x0;
	v27 =	vld [tilespmem:s15+$0xFFFFFE20]  }
0x239: {  	v51 =	vld [tilespmem:s15+$0xFFFFFE40]  }
0x23a: {  	v20 =	vld.idx.msk [tilespmem:v12+s24+$0x0], $0xffff  }
0x23b: {  	v22 =	vld.idx.msk [tilespmem:v15+s24+$0x0], $0xffff  }
0x23c: {  	s22 =	simm.s32 $0xB;
	s18 =	simm.s32 $0xA;
	v15 =	vld [tilespmem:s15+$0x170]  }
0x23d: {  	s10 =	simm.s32 $0x8;
	v13 =	vmov s22;
	v12 =	vmov s18;
	s18 =	simm.s32 $0xD;
	v16 =	vld.idx.msk [tilespmem:v10+s24+$0x0], $0xffff  }
0x23e: {  	v13 =	vand.u32 $0xFFFFFFFB, v13;
	v25 =	vmov s18;
	v18 =	vld.idx.msk [tilespmem:v11+s24+$0x0], $0xffff;
	v11 =	vmov s10;
	s10 =	simm.s32 $0xC  }
0x23f: {  	v21 =	vld.idx.msk [tilespmem:v14+s24+$0x0], $0xffff;
	v12 =	vand.u32 $0xFFFFFFFA, v12;
	v23 =	vmov s10;
	v24 =	vmul.f32 v24, v20  }
0x240: {  	v14 =	vbroadcast v12, $0x0;
	v12 =	vbroadcast v13, $0x0;
	v13 =	vand.u32 $0xFFFFFFFC, v23;
	v23 =	vld [tilespmem:s15+$0xFFFFFE30]  }
0x241: {  	v30 =	vld [tilespmem:s15+$0xFFFFFE60];
	v25 =	vand.u32 $0xFFFFFFFD, v25;
	v27 =	vmul.f32 v27, v20;
	v24 =	vmul.f32 v24, v1  }
0x242: {  	v52 =	vmul.f32 v15, v16;
	v15 =	vbroadcast v25, $0x0;
	v25 =	vld [tilespmem:s15+$0xFFFFFE50]  }
0x243: {  	v31 =	vld [tilespmem:s15+$0xFFFFFE70];
	v26 =	vmul.f32 v26, v20  }
0x244: {  	v32 =	vld [tilespmem:s15+$0xFFFFFE80];
	[tilespmem:s15+$0xFFFFFE00] =	vst v24;
	v24 =	vmul.f32 v27, v3;
	v27 =	vmul.f32 v51, v20  }
0x245: {  	v53 =	vld [tilespmem:s15+$0xFFFFFE90];
	v10 =	vand.u32 $0xFFFFFFF8, v11;
	v26 =	vmul.f32 v26, v2;
	v23 =	vmul.f32 v23, v20  }
0x246: {  	v54 =	vld [tilespmem:s15+$0xFFFFFEB0];
	v10 =	vbroadcast v10, $0x0;
	[tilespmem:s15+$0xFFFFFE20] =	vst v24;
	v24 =	vmul.f32 v27, v5  }
0x247: {  	[tilespmem:s15+$0xFFFFFE10] =	vst v26;
	v26 =	vld [tilespmem:s15+$0xFFFFFEA0];
	v23 =	vmul.f32 v23, v4;
	v25 =	vmul.f32 v25, v20  }
0x248: {  	v55 =	vld [tilespmem:s15+$0xFFFFFED0];
	v27 =	vmul.f32 v30, v20;
	v29 =	vmul.f32 v52, v8  }
0x249: {  	[tilespmem:s15+$0xFFFFFE30] =	vst v23;
	v20 =	vmul.f32 v31, v20;
	v23 =	vmul.f32 v25, v6;
	v25 =	vld [tilespmem:s15+$0xFFFFFEC0]  }
0x24a: {  	v56 =	vld [tilespmem:s15+$0xFFFFFEE0];
	[tilespmem:s15+$0xFFFFFE40] =	vst v24;
	v24 =	vmul.f32 v27, v7;
	v27 =	vmul.f32 v32, v21  }
0x24b: {  	v57 =	vld [tilespmem:s15+$0xFFFFFF00];
	v20 =	vmul.f32 v20, v8;
	[tilespmem:s15+$0xFFFFFE50] =	vst v23;
	v23 =	vmul.f32 v53, v21  }
0x24c: {  	v26 =	vmul.f32 v26, v21;
	[tilespmem:s15+$0xFFFFFE60] =	vst v24;
	v24 =	vmul.f32 v27, v1;
	v27 =	vld [tilespmem:s15+$0xFFFFFEF0]  }
0x24d: {  	v58 =	vld [tilespmem:s15+$0xFFFFFF20];
	[tilespmem:s15+$0xFFFFFE70] =	vst v20;
	v20 =	vmul.f32 v23, v2;
	v23 =	vmul.f32 v54, v21  }
0x24e: {  	[tilespmem:s15+$0xFFFFFE80] =	vst v24;
	v24 =	vmul.f32 v26, v3;
	v26 =	vld [tilespmem:s15+$0xFFFFFF10];
	v25 =	vmul.f32 v25, v21  }
0x24f: {  	v59 =	vld [tilespmem:s15+$0xFFFFFF30];
	[tilespmem:s15+$0xFFFFFE90] =	vst v20;
	v20 =	vmul.f32 v23, v4;
	v23 =	vmul.f32 v55, v21  }
0x250: {  	v60 =	vld [tilespmem:s15+$0xFFFFFF70];
	[tilespmem:s15+$0xFFFFFEA0] =	vst v24;
	v24 =	vmul.f32 v25, v5;
	v25 =	vmul.f32 v56, v21  }
0x251: {  	v21 =	vmul.f32 v27, v21;
	[tilespmem:s15+$0xFFFFFEB0] =	vst v20;
	v20 =	vmul.f32 v23, v6;
	v23 =	vld [tilespmem:s15+$0xFFFFFF40]  }
0x252: {  	v27 =	vld [tilespmem:s15+$0xFFFFFF50];
	[tilespmem:s15+$0xFFFFFEC0] =	vst v24;
	v24 =	vmul.f32 v25, v7;
	v25 =	vmul.f32 v57, v22  }
0x253: {  	[tilespmem:s15+$0xFFFFFED0] =	vst v20;
	v20 =	vmul.f32 v21, v8;
	v21 =	vmul.f32 v26, v22;
	v26 =	vld [tilespmem:s15+$0xFFFFFF60]  }
0x254: {  	v61 =	vld [tilespmem:s15+$0xFFFFFF80];
	[tilespmem:s15+$0xFFFFFEE0] =	vst v24;
	v24 =	vmul.f32 v25, v1;
	v25 =	vmul.f32 v58, v22  }
0x255: {  	v62 =	vld [tilespmem:s15+$0xFFFFFFD0];
	[tilespmem:s15+$0xFFFFFEF0] =	vst v20;
	v20 =	vmul.f32 v21, v2;
	v21 =	vmul.f32 v59, v22  }
0x256: {  	[tilespmem:s15+$0xFFFFFF00] =	vst v24;
	v24 =	vmul.f32 v25, v3;
	v23 =	vmul.f32 v23, v22;
	v25 =	vld [tilespmem:s15+$0xFFFFFF90]  }
0x257: {  	[tilespmem:s15+$0xFFFFFF10] =	vst v20;
	v20 =	vmul.f32 v21, v4;
	v21 =	vmul.f32 v27, v22;
	v27 =	vld [tilespmem:s15+$0xFFFFFFA0]  }
0x258: {  	[tilespmem:s15+$0xFFFFFF20] =	vst v24;
	v23 =	vmul.f32 v23, v5;
	v24 =	vmul.f32 v26, v22;
	v26 =	vld [tilespmem:s15+$0xFFFFFFB0]  }
0x259: {  	[tilespmem:s15+$0xFFFFFF30] =	vst v20;
	v20 =	vmul.f32 v21, v6;
	v21 =	vmul.f32 v60, v22;
	v22 =	vld [tilespmem:s15+$0xFFFFFFC0]  }
0x25a: {  	v63 =	vld [tilespmem:s15+$0x20];
	[tilespmem:s15+$0xFFFFFF40] =	vst v23;
	v23 =	vmul.f32 v24, v7;
	v24 =	vmul.f32 v61, v19  }
0x25b: {  	[tilespmem:s15+$0xFFFFFF50] =	vst v20;
	v20 =	vmul.f32 v21, v8;
	v21 =	vmul.f32 v25, v19;
	v25 =	vld [tilespmem:s15+$0xFFFFFFE0]  }
0x25c: {  	[tilespmem:s15+$0xFFFFFF60] =	vst v23;
	v23 =	vmul.f32 v24, v1;
	v24 =	vmul.f32 v27, v19;
	v27 =	vld [tilespmem:s15+$0xFFFFFFF0]  }
0x25d: {  	[tilespmem:s15+$0xFFFFFF70] =	vst v20;
	v20 =	vmul.f32 v21, v2;
	v21 =	vmul.f32 v26, v19;
	v26 =	vld [tilespmem:s15+$0x0]  }
0x25e: {  	[tilespmem:s15+$0xFFFFFF80] =	vst v23;
	v23 =	vmul.f32 v24, v3;
	v22 =	vmul.f32 v22, v19;
	v24 =	vld [tilespmem:s15+$0x10]  }
0x25f: {  	v17 =	vld.idx.msk [tilespmem:v17+s24+$0x0], $0xffff;
	[tilespmem:s15+$0xFFFFFF90] =	vst v20;
	v20 =	vmul.f32 v21, v4;
	v21 =	vmul.f32 v62, v19  }
0x260: {  	[tilespmem:s15+$0xFFFFFFA0] =	vst v23;
	v22 =	vmul.f32 v22, v5;
	v23 =	vmul.f32 v25, v19;
	v25 =	vld [tilespmem:s15+$0x30]  }
0x261: {  	[tilespmem:s15+$0xFFFFFFB0] =	vst v20;
	v20 =	vmul.f32 v21, v6;
	v19 =	vmul.f32 v27, v19;
	v21 =	vld [tilespmem:s15+$0x40]  }
0x262: {  	[tilespmem:s15+$0xFFFFFFC0] =	vst v22;
	v22 =	vmul.f32 v23, v7;
	v23 =	vmul.f32 v26, v18;
	v26 =	vld [tilespmem:s15+$0x50]  }
0x263: {  	[tilespmem:s15+$0xFFFFFFD0] =	vst v20;
	v19 =	vmul.f32 v19, v8;
	v20 =	vmul.f32 v24, v18;
	v24 =	vld [tilespmem:s15+$0x60]  }
0x264: {  	v27 =	vld [tilespmem:s15+$0x70];
	[tilespmem:s15+$0xFFFFFFE0] =	vst v22;
	v22 =	vmul.f32 v23, v1;
	v23 =	vmul.f32 v63, v18  }
0x265: {  	[tilespmem:s15+$0xFFFFFFF0] =	vst v19;
	v19 =	vmul.f32 v20, v2;
	v20 =	vmul.f32 v25, v18;
	v25 =	vld [tilespmem:s15+$0x80]  }
0x266: {  	[tilespmem:s15+$0x0] =	vst v22;
	v22 =	vmul.f32 v23, v3;
	v21 =	vmul.f32 v21, v18;
	v23 =	vld [tilespmem:s15+$0x90]  }
0x267: {  	[tilespmem:s15+$0x10] =	vst v19;
	v19 =	vmul.f32 v20, v4;
	v20 =	vmul.f32 v26, v18;
	v26 =	vld [tilespmem:s15+$0xA0]  }
0x268: {  	[tilespmem:s15+$0x20] =	vst v22;
	v21 =	vmul.f32 v21, v5;
	v22 =	vmul.f32 v24, v18;
	v24 =	vld [tilespmem:s15+$0xB0]  }
0x269: {  	v18 =	vmul.f32 v27, v18;
	[tilespmem:s15+$0x30] =	vst v19;
	v19 =	vmul.f32 v20, v6;
	v20 =	vld [tilespmem:s15+$0xC0]  }
0x26a: {  	[tilespmem:s15+$0x40] =	vst v21;
	v21 =	vmul.f32 v22, v7;
	v22 =	vmul.f32 v25, v17;
	v25 =	vld [tilespmem:s15+$0xD0]  }
0x26b: {  	v18 =	vmul.f32 v18, v8;
	[tilespmem:s15+$0x50] =	vst v19;
	v19 =	vmul.f32 v23, v17;
	v23 =	vld [tilespmem:s15+$0xE0]  }
0x26c: {  	[tilespmem:s15+$0x60] =	vst v21;
	v21 =	vmul.f32 v22, v1;
	v22 =	vmul.f32 v26, v17;
	v26 =	vld [tilespmem:s15+$0xF0]  }
0x26d: {  	[tilespmem:s15+$0x70] =	vst v18;
	v18 =	vmul.f32 v19, v2;
	v19 =	vmul.f32 v24, v17;
	v24 =	vld [tilespmem:s15+$0x100]  }
0x26e: {  	[tilespmem:s15+$0x80] =	vst v21;
	v21 =	vmul.f32 v22, v3;
	v20 =	vmul.f32 v20, v17;
	v22 =	vld [tilespmem:s15+$0x110]  }
0x26f: {  	[tilespmem:s15+$0x90] =	vst v18;
	v18 =	vmul.f32 v19, v4;
	v19 =	vmul.f32 v25, v17;
	v25 =	vld [tilespmem:s15+$0x120]  }
0x270: {  	[tilespmem:s15+$0xA0] =	vst v21;
	v20 =	vmul.f32 v20, v5;
	v21 =	vmul.f32 v23, v17;
	v23 =	vld [tilespmem:s15+$0x130]  }
0x271: {  	[tilespmem:s15+$0xB0] =	vst v18;
	v18 =	vmul.f32 v19, v6;
	v17 =	vmul.f32 v26, v17;
	v19 =	vld [tilespmem:s15+$0x140]  }
0x272: {  	[tilespmem:s15+$0xC0] =	vst v20;
	v20 =	vmul.f32 v21, v7;
	v21 =	vmul.f32 v24, v16  }
0x273: {  	v24 =	vld [tilespmem:s15+$0x150];
	[tilespmem:s15+$0xD0] =	vst v18;
	v17 =	vmul.f32 v17, v8;
	v18 =	vmul.f32 v22, v16  }
0x274: {  	v22 =	vld [tilespmem:s15+$0x160];
	[tilespmem:s15+$0xE0] =	vst v20;
	v20 =	vmul.f32 v21, v1;
	v21 =	vmul.f32 v25, v16  }
0x275: {  	s11 =	simm.s32 $0x9;
	v25 =	vld [tilespmem:s15+$0x180];
	[tilespmem:s15+$0xF0] =	vst v17;
	v17 =	vmul.f32 v18, v2;
	v18 =	vmul.f32 v23, v16  }
0x276: {  	v11 =	vmov s11;
	v26 =	vld [tilespmem:s15+$0x190];
	[tilespmem:s15+$0x100] =	vst v20;
	v20 =	vmul.f32 v21, v3;
	v21 =	vmul.f32 v19, v16  }
0x277: {  	s22 =	simm.s32 $0xF;
	v11 =	vand.u32 $0xFFFFFFF9, v11;
	v13 =	vbroadcast v13, $0x0;
	[tilespmem:s15+$0x170] =	vst v29;
	v19 =	vld [tilespmem:s15+$0x1A0];
	v23 =	vmul.f32 v18, v4  }
0x278: {  	[tilespmem:s15+$0x110] =	vst v17;
	v24 =	vmul.f32 v24, v16;
	v17 =	vld [tilespmem:s15+$0x1B0];
	v27 =	vmul.f32 v21, v5;
	v21 =	vmov s22  }
0x279: {  	v11 =	vbroadcast v11, $0x0;
	v18 =	vld [tilespmem:s15+$0x1C0];
	[tilespmem:s15+$0x120] =	vst v20;
	v16 =	vmul.f32 v22, v16  }
0x27a: {  	v20 =	vld [tilespmem:s15+$0x1D0];
	[tilespmem:s15+$0x130] =	vst v23;
	v23 =	vmul.f32 v24, v6;
	v24 =	vmul.f32 v25, v9  }
0x27b: {  	s18 =	simm.s32 $0xD200;
	s11 =	simm.s32 $0xE;
	v26 =	vmul.f32 v26, v9;
	s22 =	simm.s32 $0x10;
	v22 =	vld [tilespmem:s15+$0x1E0];
	[tilespmem:s15+$0x140] =	vst v27;
	v25 =	vmul.f32 v16, v7  }
.LBB2_9:
0x27c: {  	p1 =	slt.u32 s22, $0x78;
	v16 =	vmov s11;
	[tilespmem:s15+$0x150] =	vst v23;
	v23 =	vmul.f32 v24, v1;
	v19 =	vmul.f32 v19, v9;
	v24 =	vld [tilespmem:s15+$0x1F0]  }
0x27d: {  	v16 =	vand.u32 $0xFFFFFFFE, v16;
	v27 =	vld.idx.msk [tilespmem:v21+s24+$0x0], $0xffff;
	[tilespmem:s15+$0x160] =	vst v25;
	v25 =	vmul.f32 v26, v2;
	v17 =	vmul.f32 v17, v9  }
0x27e: {  	v26 =	vld.idx.msk [tilespmem:v10+s24+$0x0], $0xffff;
	v10 =	vbroadcast v16, $0x0;
	[tilespmem:s15+$0x180] =	vst v23;
	v16 =	vmul.f32 v18, v9  }
0x27f: {  	v21 =	vld.idx.msk [tilespmem:v11+s24+$0x0], $0xffff;
	[tilespmem:s15+$0x190] =	vst v25;
	v11 =	vmul.f32 v19, v3;
	v23 =	vmul.f32 v20, v9  }
0x280: {  	v20 =	vld.idx.msk [tilespmem:v14+s24+$0x0], $0xffff;
	v14 =	vmul.f32 v17, v4;
	v17 =	vmul.f32 v22, v9  }
0x281: {  	v19 =	vld.idx.msk [tilespmem:v12+s24+$0x0], $0xffff;
	[tilespmem:s15+$0x1A0] =	vst v11;
	v11 =	vmul.f32 v16, v5;
	v16 =	vmul.f32 v24, v9  }
0x282: {  	v12 =	vmul.f32 v23, v6;
	v18 =	vld.idx.msk [tilespmem:v13+s24+$0x0], $0xffff;
	[tilespmem:s15+$0x1B0] =	vst v14;
	v13 =	vmul.f32 v17, v7  }
0x283: {  	v9 =	vmov v27;
	v17 =	vld.idx.msk [tilespmem:v15+s24+$0x0], $0xffff;
	[tilespmem:s15+$0x1C0] =	vst v11;
	v11 =	vmul.f32 v16, v8  }
0x284: {  	s9 =	sadd.s32 $0x1, s22;
	s10 =	sadd.s32 $0x4, s22;
	v14 =	vmov s22;
	s15 =	sadd.s32 $0x400, s15;
	v16 =	vld.idx.msk [tilespmem:v10+s24+$0x0], $0xffff;
	[tilespmem:s18+$0x1D0] =	vst v12  }
0x285: {  	s11 =	sadd.s32 $0x3, s22;
	v22 =	vmov s10;
	v10 =	vand.u32 $0xFFFFFFF8, v14;
	v12 =	vmov s9;
	s9 =	sadd.s32 $0x2, s22;
	v15 =	vld [tilespmem:s15+$0x170];
	[tilespmem:s18+$0x1E0] =	vst v13  }
0x286: {  	v14 =	vmov s11;
	v13 =	vmov s9;
	s9 =	sadd.s32 $0x5, s22;
	v23 =	vld [tilespmem:s15+$0xFFFFFE00];
	[tilespmem:s18+$0x1F0] =	vst v11;
	s18 =	smov.u32 s15  }
0x287: {  	v10 =	vbroadcast v10, $0x0;
	v11 =	vand.u32 $0xFFFFFFF9, v12;
	v24 =	vmov s9;
	v25 =	vld [tilespmem:s15+$0xFFFFFE10]  }
0x288: {  	v12 =	vand.u32 $0xFFFFFFFA, v13;
	v13 =	vand.u32 $0xFFFFFFFB, v14;
	v11 =	vbroadcast v11, $0x0;
	v27 =	vld [tilespmem:s15+$0xFFFFFE20]  }
0x289: {  	v14 =	vbroadcast v12, $0x0;
	v12 =	vbroadcast v13, $0x0;
	v13 =	vand.u32 $0xFFFFFFFC, v22;
	v22 =	vld [tilespmem:s15+$0xFFFFFE30]  }
0x28a: {  	v24 =	vand.u32 $0xFFFFFFFD, v24;
	v13 =	vbroadcast v13, $0x0;
	v28 =	vld [tilespmem:s15+$0xFFFFFE40];
	v29 =	vmul.f32 v15, v16  }
0x28b: {  	v15 =	vbroadcast v24, $0x0;
	v23 =	vmul.f32 v23, v26;
	v24 =	vld [tilespmem:s15+$0xFFFFFE50]  }
0x28c: {  	v25 =	vmul.f32 v25, v26;
	v30 =	vld [tilespmem:s15+$0xFFFFFE60];
	v29 =	vmul.f32 v29, v8  }
0x28d: {  	v23 =	vmul.f32 v23, v1;
	v27 =	vmul.f32 v27, v26;
	v31 =	vld [tilespmem:s15+$0xFFFFFE70]  }
0x28e: {  	v25 =	vmul.f32 v25, v2;
	v22 =	vmul.f32 v22, v26;
	v32 =	vld [tilespmem:s15+$0xFFFFFE80];
	[tilespmem:s15+$0x170] =	vst v29  }
0x28f: {  	[tilespmem:s15+$0xFFFFFE00] =	vst v23;
	v23 =	vmul.f32 v27, v3;
	v27 =	vmul.f32 v28, v26;
	v28 =	vld [tilespmem:s15+$0xFFFFFE90]  }
0x290: {  	[tilespmem:s15+$0xFFFFFE10] =	vst v25;
	v22 =	vmul.f32 v22, v4;
	v24 =	vmul.f32 v24, v26;
	v25 =	vld [tilespmem:s15+$0xFFFFFEA0]  }
0x291: {  	[tilespmem:s15+$0xFFFFFE20] =	vst v23;
	v23 =	vmul.f32 v27, v5;
	v27 =	vmul.f32 v30, v26;
	v29 =	vld [tilespmem:s15+$0xFFFFFEB0]  }
0x292: {  	[tilespmem:s15+$0xFFFFFE30] =	vst v22;
	v22 =	vmul.f32 v24, v6;
	v24 =	vmul.f32 v31, v26;
	v26 =	vld [tilespmem:s15+$0xFFFFFEC0]  }
0x293: {  	[tilespmem:s15+$0xFFFFFE40] =	vst v23;
	v23 =	vmul.f32 v27, v7;
	v27 =	vmul.f32 v32, v21;
	v30 =	vld [tilespmem:s15+$0xFFFFFED0]  }
0x294: {  	[tilespmem:s15+$0xFFFFFE50] =	vst v22;
	v22 =	vmul.f32 v24, v8;
	v24 =	vmul.f32 v28, v21;
	v28 =	vld [tilespmem:s15+$0xFFFFFEE0]  }
0x295: {  	[tilespmem:s15+$0xFFFFFE60] =	vst v23;
	v23 =	vmul.f32 v27, v1;
	v25 =	vmul.f32 v25, v21;
	v27 =	vld [tilespmem:s15+$0xFFFFFEF0]  }
0x296: {  	[tilespmem:s15+$0xFFFFFE70] =	vst v22;
	v22 =	vmul.f32 v24, v2;
	v24 =	vmul.f32 v29, v21;
	v29 =	vld [tilespmem:s15+$0xFFFFFF00]  }
0x297: {  	[tilespmem:s15+$0xFFFFFE80] =	vst v23;
	v23 =	vmul.f32 v25, v3;
	v25 =	vmul.f32 v26, v21;
	v26 =	vld [tilespmem:s15+$0xFFFFFF10]  }
0x298: {  	[tilespmem:s15+$0xFFFFFE90] =	vst v22;
	v22 =	vmul.f32 v24, v4;
	v24 =	vmul.f32 v30, v21;
	v30 =	vld [tilespmem:s15+$0xFFFFFF20]  }
0x299: {  	[tilespmem:s15+$0xFFFFFEA0] =	vst v23;
	v23 =	vmul.f32 v25, v5;
	v25 =	vmul.f32 v28, v21;
	v28 =	vld [tilespmem:s15+$0xFFFFFF30]  }
0x29a: {  	[tilespmem:s15+$0xFFFFFEB0] =	vst v22;
	v22 =	vmul.f32 v24, v6;
	v21 =	vmul.f32 v27, v21;
	v24 =	vld [tilespmem:s15+$0xFFFFFF40]  }
0x29b: {  	[tilespmem:s15+$0xFFFFFEC0] =	vst v23;
	v23 =	vmul.f32 v25, v7;
	v25 =	vmul.f32 v29, v20;
	v27 =	vld [tilespmem:s15+$0xFFFFFF50]  }
0x29c: {  	[tilespmem:s15+$0xFFFFFED0] =	vst v22;
	v21 =	vmul.f32 v21, v8;
	v22 =	vmul.f32 v26, v20;
	v26 =	vld [tilespmem:s15+$0xFFFFFF60]  }
0x29d: {  	[tilespmem:s15+$0xFFFFFEE0] =	vst v23;
	v23 =	vmul.f32 v25, v1;
	v25 =	vmul.f32 v30, v20;
	v29 =	vld [tilespmem:s15+$0xFFFFFF70]  }
0x29e: {  	[tilespmem:s15+$0xFFFFFEF0] =	vst v21;
	v21 =	vmul.f32 v22, v2;
	v22 =	vmul.f32 v28, v20;
	v28 =	vld [tilespmem:s15+$0xFFFFFF80]  }
0x29f: {  	[tilespmem:s15+$0xFFFFFF00] =	vst v23;
	v23 =	vmul.f32 v25, v3;
	v24 =	vmul.f32 v24, v20;
	v25 =	vld [tilespmem:s15+$0xFFFFFF90]  }
0x2a0: {  	[tilespmem:s15+$0xFFFFFF10] =	vst v21;
	v21 =	vmul.f32 v22, v4;
	v22 =	vmul.f32 v27, v20;
	v27 =	vld [tilespmem:s15+$0xFFFFFFA0]  }
0x2a1: {  	[tilespmem:s15+$0xFFFFFF20] =	vst v23;
	v23 =	vmul.f32 v24, v5;
	v24 =	vmul.f32 v26, v20;
	v26 =	vld [tilespmem:s15+$0xFFFFFFB0]  }
0x2a2: {  	[tilespmem:s15+$0xFFFFFF30] =	vst v21;
	v21 =	vmul.f32 v22, v6;
	v20 =	vmul.f32 v29, v20;
	v22 =	vld [tilespmem:s15+$0xFFFFFFC0]  }
0x2a3: {  	[tilespmem:s15+$0xFFFFFF40] =	vst v23;
	v23 =	vmul.f32 v24, v7;
	v24 =	vmul.f32 v28, v19;
	v28 =	vld [tilespmem:s15+$0xFFFFFFD0]  }
0x2a4: {  	[tilespmem:s15+$0xFFFFFF50] =	vst v21;
	v20 =	vmul.f32 v20, v8;
	v21 =	vmul.f32 v25, v19;
	v25 =	vld [tilespmem:s15+$0xFFFFFFE0]  }
0x2a5: {  	[tilespmem:s15+$0xFFFFFF60] =	vst v23;
	v23 =	vmul.f32 v24, v1;
	v24 =	vmul.f32 v27, v19;
	v27 =	vld [tilespmem:s15+$0xFFFFFFF0]  }
0x2a6: {  	[tilespmem:s15+$0xFFFFFF70] =	vst v20;
	v20 =	vmul.f32 v21, v2;
	v21 =	vmul.f32 v26, v19;
	v26 =	vld [tilespmem:s15+$0x0]  }
0x2a7: {  	[tilespmem:s15+$0xFFFFFF80] =	vst v23;
	v23 =	vmul.f32 v24, v3;
	v22 =	vmul.f32 v22, v19;
	v24 =	vld [tilespmem:s15+$0x10]  }
0x2a8: {  	[tilespmem:s15+$0xFFFFFF90] =	vst v20;
	v20 =	vmul.f32 v21, v4;
	v21 =	vmul.f32 v28, v19;
	v28 =	vld [tilespmem:s15+$0x20]  }
0x2a9: {  	[tilespmem:s15+$0xFFFFFFA0] =	vst v23;
	v22 =	vmul.f32 v22, v5;
	v23 =	vmul.f32 v25, v19;
	v25 =	vld [tilespmem:s15+$0x30]  }
0x2aa: {  	[tilespmem:s15+$0xFFFFFFB0] =	vst v20;
	v20 =	vmul.f32 v21, v6;
	v19 =	vmul.f32 v27, v19;
	v21 =	vld [tilespmem:s15+$0x40]  }
0x2ab: {  	[tilespmem:s15+$0xFFFFFFC0] =	vst v22;
	v22 =	vmul.f32 v23, v7;
	v23 =	vmul.f32 v26, v18;
	v26 =	vld [tilespmem:s15+$0x50]  }
0x2ac: {  	[tilespmem:s15+$0xFFFFFFD0] =	vst v20;
	v19 =	vmul.f32 v19, v8;
	v20 =	vmul.f32 v24, v18;
	v24 =	vld [tilespmem:s15+$0x60]  }
0x2ad: {  	[tilespmem:s15+$0xFFFFFFE0] =	vst v22;
	v22 =	vmul.f32 v23, v1;
	v23 =	vmul.f32 v28, v18;
	v27 =	vld [tilespmem:s15+$0x70]  }
0x2ae: {  	[tilespmem:s15+$0xFFFFFFF0] =	vst v19;
	v19 =	vmul.f32 v20, v2;
	v20 =	vmul.f32 v25, v18;
	v25 =	vld [tilespmem:s15+$0x80]  }
0x2af: {  	[tilespmem:s15+$0x0] =	vst v22;
	v22 =	vmul.f32 v23, v3;
	v21 =	vmul.f32 v21, v18;
	v23 =	vld [tilespmem:s15+$0x90]  }
0x2b0: {  	[tilespmem:s15+$0x10] =	vst v19;
	v19 =	vmul.f32 v20, v4;
	v20 =	vmul.f32 v26, v18;
	v26 =	vld [tilespmem:s15+$0xA0]  }
0x2b1: {  	[tilespmem:s15+$0x20] =	vst v22;
	v21 =	vmul.f32 v21, v5;
	v22 =	vmul.f32 v24, v18;
	v24 =	vld [tilespmem:s15+$0xB0]  }
0x2b2: {  	[tilespmem:s15+$0x30] =	vst v19;
	v19 =	vmul.f32 v20, v6;
	v18 =	vmul.f32 v27, v18;
	v20 =	vld [tilespmem:s15+$0xC0]  }
0x2b3: {  	[tilespmem:s15+$0x40] =	vst v21;
	v21 =	vmul.f32 v22, v7;
	v22 =	vmul.f32 v25, v17;
	v25 =	vld [tilespmem:s15+$0xD0]  }
0x2b4: {  	[tilespmem:s15+$0x50] =	vst v19;
	v18 =	vmul.f32 v18, v8;
	v19 =	vmul.f32 v23, v17;
	v23 =	vld [tilespmem:s15+$0xE0]  }
0x2b5: {  	[tilespmem:s15+$0x60] =	vst v21;
	v21 =	vmul.f32 v22, v1;
	v22 =	vmul.f32 v26, v17;
	v26 =	vld [tilespmem:s15+$0xF0]  }
0x2b6: {  	[tilespmem:s15+$0x70] =	vst v18;
	v18 =	vmul.f32 v19, v2;
	v19 =	vmul.f32 v24, v17;
	v24 =	vld [tilespmem:s15+$0x100]  }
0x2b7: {  	[tilespmem:s15+$0x80] =	vst v21;
	v21 =	vmul.f32 v22, v3;
	v20 =	vmul.f32 v20, v17;
	v22 =	vld [tilespmem:s15+$0x110]  }
0x2b8: {  	[tilespmem:s15+$0x90] =	vst v18;
	v18 =	vmul.f32 v19, v4;
	v19 =	vmul.f32 v25, v17;
	v25 =	vld [tilespmem:s15+$0x120]  }
0x2b9: {  	[tilespmem:s15+$0xA0] =	vst v21;
	v20 =	vmul.f32 v20, v5;
	v21 =	vmul.f32 v23, v17;
	v23 =	vld [tilespmem:s15+$0x130]  }
0x2ba: {  	[tilespmem:s15+$0xB0] =	vst v18;
	v18 =	vmul.f32 v19, v6;
	v17 =	vmul.f32 v26, v17;
	v19 =	vld [tilespmem:s15+$0x140]  }
0x2bb: {  	[tilespmem:s15+$0xC0] =	vst v20;
	v20 =	vmul.f32 v21, v7;
	v21 =	vmul.f32 v24, v16;
	v24 =	vld [tilespmem:s15+$0x150]  }
0x2bc: {  	[tilespmem:s15+$0xD0] =	vst v18;
	v17 =	vmul.f32 v17, v8;
	v18 =	vmul.f32 v22, v16;
	v22 =	vld [tilespmem:s15+$0x160]  }
0x2bd: {  	[tilespmem:s15+$0xE0] =	vst v20;
	v20 =	vmul.f32 v21, v1;
	v21 =	vmul.f32 v25, v16;
	v25 =	vld [tilespmem:s15+$0x180]  }
0x2be: {  	[tilespmem:s15+$0xF0] =	vst v17;
	v17 =	vmul.f32 v18, v2;
	v18 =	vmul.f32 v23, v16;
	v26 =	vld [tilespmem:s15+$0x190]  }
.Ltmp3:
0x2bf: {  	s9 =	sadd.s32 $0x7, s22;
	[tilespmem:s15+$0x100] =	vst v20;
	v20 =	vmul.f32 v21, v3;
	v23 =	vmul.f32 v19, v16;
	v19 =	vld [tilespmem:s15+$0x1A0];
	(pc) =	sbr.rel @p1 .LBB2_9-.Ltmp3, $4  }
0x2c0: {  	v21 =	vmov s9;
	[tilespmem:s15+$0x110] =	vst v17;
	v27 =	vmul.f32 v18, v4;
	v24 =	vmul.f32 v24, v16;
	v17 =	vld [tilespmem:s15+$0x1B0]  }
0x2c1: {  	[tilespmem:s15+$0x120] =	vst v20;
	v28 =	vmul.f32 v23, v5;
	v16 =	vmul.f32 v22, v16;
	v18 =	vld [tilespmem:s15+$0x1C0]  }
0x2c2: {  	[tilespmem:s15+$0x130] =	vst v27;
	v23 =	vmul.f32 v24, v6;
	v24 =	vmul.f32 v25, v9;
	v20 =	vld [tilespmem:s15+$0x1D0]  }
0x2c3: {  	s11 =	sadd.s32 $0x6, s22;
	s22 =	sadd.s32 $0x8, s22;
	[tilespmem:s15+$0x140] =	vst v28;
	v25 =	vmul.f32 v16, v7;
	v26 =	vmul.f32 v26, v9;
	v22 =	vld [tilespmem:s15+$0x1E0]  }
0x2c4: {  	_ =	sdelay $0x2  }
0x2c5: {  	v27 =	vld [tilespmem:s15+$0x1F0]  }
0x2c6: {  	v50 =	vld.idx.msk [tilespmem:v11+s24+$0x0], $0xffff  }
0x2c7: {  	v29 =	vld.idx.msk [tilespmem:v14+s24+$0x0], $0xffff  }
0x2c8: {  	v14 =	vld.idx.msk [tilespmem:v12+s24+$0x0], $0xffff  }
0x2c9: {  	v12 =	vld.idx.msk [tilespmem:v13+s24+$0x0], $0xffff  }
0x2ca: {  	v16 =	vmov s11;
	v11 =	vld.idx.msk [tilespmem:v15+s24+$0x0], $0xffff  }
0x2cb: {  	v13 =	vmul.f32 v24, v1;
	v28 =	vand.u32 $0xFFFFFFFE, v16;
	v16 =	vld.idx.msk [tilespmem:v21+s24+$0x0], $0xffff  }
0x2cc: {  	v15 =	vmul.f32 v19, v9;
	s22 =	sadd.s32 $0x400, s15;
	v21 =	vld.idx.msk [tilespmem:v10+s24+$0x0], $0xffff;
	v19 =	vmul.f32 v26, v2  }
0x2cd: {  	[tilespmem:s15+$0x150] =	vst v23;
	v17 =	vmul.f32 v17, v9;
	v23 =	vld [tilespmem:s22+$0x170];
	v10 =	vbroadcast v28, $0x0  }
0x2ce: {  	[tilespmem:s15+$0x180] =	vst v13;
	v13 =	vmul.f32 v18, v9;
	v15 =	vmul.f32 v15, v3;
	v18 =	vld [tilespmem:s22+$0xFFFFFE00]  }
0x2cf: {  	[tilespmem:s15+$0x190] =	vst v19;
	v19 =	vmul.f32 v20, v9;
	v17 =	vmul.f32 v17, v4;
	v20 =	vld [tilespmem:s22+$0xFFFFFE10]  }
0x2d0: {  	v22 =	vmul.f32 v22, v9;
	[tilespmem:s15+$0x1A0] =	vst v15;
	v13 =	vmul.f32 v13, v5;
	v15 =	vld [tilespmem:s22+$0xFFFFFE20]  }
0x2d1: {  	v9 =	vmul.f32 v27, v9;
	[tilespmem:s15+$0x1B0] =	vst v17;
	v17 =	vmul.f32 v19, v6;
	v19 =	vld [tilespmem:s22+$0xFFFFFE30]  }
0x2d2: {  	v22 =	vmul.f32 v22, v7;
	[tilespmem:s15+$0x1C0] =	vst v13;
	v13 =	vld [tilespmem:s22+$0xFFFFFE40]  }
0x2d3: {  	v9 =	vmul.f32 v9, v8;
	[tilespmem:s18+$0x1D0] =	vst v17;
	v17 =	vmul.f32 v18, v21;
	v18 =	vld [tilespmem:s22+$0xFFFFFE50]  }
0x2d4: {  	v10 =	vld.idx.msk [tilespmem:v10+s24+$0x0], $0xffff;
	[tilespmem:s18+$0x1E0] =	vst v22;
	v20 =	vmul.f32 v20, v21  }
0x2d5: {  	v22 =	vld [tilespmem:s22+$0xFFFFFE60];
	[tilespmem:s18+$0x1F0] =	vst v9;
	v9 =	vmul.f32 v17, v1;
	v15 =	vmul.f32 v15, v21  }
0x2d6: {  	[tilespmem:s15+$0x160] =	vst v25;
	v17 =	vld [tilespmem:s22+$0xFFFFFE70];
	v20 =	vmul.f32 v20, v2;
	v19 =	vmul.f32 v19, v21  }
0x2d7: {  	v24 =	vld [tilespmem:s22+$0xFFFFFE80];
	[tilespmem:s22+$0xFFFFFE00] =	vst v9;
	v9 =	vmul.f32 v15, v3;
	v13 =	vmul.f32 v13, v21  }
0x2d8: {  	v15 =	vld [tilespmem:s22+$0xFFFFFE90];
	[tilespmem:s22+$0xFFFFFE10] =	vst v20;
	v19 =	vmul.f32 v19, v4;
	v18 =	vmul.f32 v18, v21  }
0x2d9: {  	v20 =	vld [tilespmem:s22+$0xFFFFFEA0];
	v23 =	vmul.f32 v23, v10;
	[tilespmem:s22+$0xFFFFFE20] =	vst v9;
	v9 =	vmul.f32 v13, v5  }
0x2da: {  	v13 =	vmul.f32 v22, v21;
	v22 =	vld [tilespmem:s22+$0xFFFFFEB0];
	[tilespmem:s22+$0xFFFFFE30] =	vst v19;
	v18 =	vmul.f32 v18, v6  }
0x2db: {  	v17 =	vmul.f32 v17, v21;
	v19 =	vld [tilespmem:s22+$0xFFFFFEC0];
	v23 =	vmul.f32 v23, v8;
	[tilespmem:s22+$0xFFFFFE40] =	vst v9  }
0x2dc: {  	v21 =	vld [tilespmem:s22+$0xFFFFFED0];
	v9 =	vmul.f32 v13, v7;
	v13 =	vmul.f32 v24, v50;
	[tilespmem:s22+$0xFFFFFE50] =	vst v18  }
0x2dd: {  	v17 =	vmul.f32 v17, v8;
	v15 =	vmul.f32 v15, v50;
	v18 =	vld [tilespmem:s22+$0xFFFFFEE0];
	[tilespmem:s22+$0x170] =	vst v23  }
0x2de: {  	[tilespmem:s22+$0xFFFFFE60] =	vst v9;
	v9 =	vmul.f32 v13, v1;
	v13 =	vmul.f32 v20, v50;
	v20 =	vld [tilespmem:s22+$0xFFFFFEF0]  }
0x2df: {  	[tilespmem:s22+$0xFFFFFE70] =	vst v17;
	v15 =	vmul.f32 v15, v2;
	v17 =	vmul.f32 v22, v50;
	v22 =	vld [tilespmem:s22+$0xFFFFFF00]  }
0x2e0: {  	[tilespmem:s22+$0xFFFFFE80] =	vst v9;
	v9 =	vmul.f32 v13, v3;
	v13 =	vmul.f32 v19, v50;
	v19 =	vld [tilespmem:s22+$0xFFFFFF10]  }
0x2e1: {  	[tilespmem:s22+$0xFFFFFE90] =	vst v15;
	v15 =	vmul.f32 v17, v4;
	v17 =	vmul.f32 v21, v50;
	v21 =	vld [tilespmem:s22+$0xFFFFFF20]  }
0x2e2: {  	[tilespmem:s22+$0xFFFFFEA0] =	vst v9;
	v9 =	vmul.f32 v13, v5;
	v13 =	vmul.f32 v18, v50;
	v18 =	vld [tilespmem:s22+$0xFFFFFF30]  }
0x2e3: {  	[tilespmem:s22+$0xFFFFFEB0] =	vst v15;
	v15 =	vmul.f32 v17, v6;
	v17 =	vmul.f32 v20, v50;
	v20 =	vld [tilespmem:s22+$0xFFFFFF40]  }
0x2e4: {  	[tilespmem:s22+$0xFFFFFEC0] =	vst v9;
	v9 =	vmul.f32 v13, v7;
	v13 =	vmul.f32 v22, v29;
	v22 =	vld [tilespmem:s22+$0xFFFFFF50]  }
0x2e5: {  	[tilespmem:s22+$0xFFFFFED0] =	vst v15;
	v15 =	vmul.f32 v17, v8;
	v17 =	vmul.f32 v19, v29;
	v19 =	vld [tilespmem:s22+$0xFFFFFF60]  }
0x2e6: {  	[tilespmem:s22+$0xFFFFFEE0] =	vst v9;
	v9 =	vmul.f32 v13, v1;
	v13 =	vmul.f32 v21, v29;
	v21 =	vld [tilespmem:s22+$0xFFFFFF70]  }
0x2e7: {  	[tilespmem:s22+$0xFFFFFEF0] =	vst v15;
	v15 =	vmul.f32 v17, v2;
	v17 =	vmul.f32 v18, v29;
	v18 =	vld [tilespmem:s22+$0xFFFFFF80]  }
0x2e8: {  	[tilespmem:s22+$0xFFFFFF00] =	vst v9;
	v9 =	vmul.f32 v13, v3;
	v13 =	vmul.f32 v20, v29;
	v20 =	vld [tilespmem:s22+$0xFFFFFF90]  }
0x2e9: {  	[tilespmem:s22+$0xFFFFFF10] =	vst v15;
	v15 =	vmul.f32 v17, v4;
	v17 =	vmul.f32 v22, v29;
	v22 =	vld [tilespmem:s22+$0xFFFFFFA0]  }
0x2ea: {  	[tilespmem:s22+$0xFFFFFF20] =	vst v9;
	v9 =	vmul.f32 v13, v5;
	v13 =	vmul.f32 v19, v29;
	v19 =	vld [tilespmem:s22+$0xFFFFFFB0]  }
0x2eb: {  	[tilespmem:s22+$0xFFFFFF30] =	vst v15;
	v15 =	vmul.f32 v17, v6;
	v17 =	vmul.f32 v21, v29;
	v21 =	vld [tilespmem:s22+$0xFFFFFFC0]  }
0x2ec: {  	[tilespmem:s22+$0xFFFFFF40] =	vst v9;
	v9 =	vmul.f32 v13, v7;
	v13 =	vmul.f32 v18, v14;
	v18 =	vld [tilespmem:s22+$0xFFFFFFD0]  }
0x2ed: {  	[tilespmem:s22+$0xFFFFFF50] =	vst v15;
	v15 =	vmul.f32 v17, v8;
	v17 =	vmul.f32 v20, v14;
	v20 =	vld [tilespmem:s22+$0xFFFFFFE0]  }
0x2ee: {  	[tilespmem:s22+$0xFFFFFF60] =	vst v9;
	v9 =	vmul.f32 v13, v1;
	v13 =	vmul.f32 v22, v14;
	v22 =	vld [tilespmem:s22+$0xFFFFFFF0]  }
0x2ef: {  	[tilespmem:s22+$0xFFFFFF70] =	vst v15;
	v15 =	vmul.f32 v17, v2;
	v17 =	vmul.f32 v19, v14;
	v19 =	vld [tilespmem:s22+$0x0]  }
0x2f0: {  	[tilespmem:s22+$0xFFFFFF80] =	vst v9;
	v9 =	vmul.f32 v13, v3;
	v13 =	vmul.f32 v21, v14;
	v21 =	vld [tilespmem:s22+$0x10]  }
0x2f1: {  	[tilespmem:s22+$0xFFFFFF90] =	vst v15;
	v15 =	vmul.f32 v17, v4;
	v17 =	vmul.f32 v18, v14;
	v18 =	vld [tilespmem:s22+$0x20]  }
0x2f2: {  	[tilespmem:s22+$0xFFFFFFA0] =	vst v9;
	v9 =	vmul.f32 v13, v5;
	v13 =	vmul.f32 v20, v14;
	v20 =	vld [tilespmem:s22+$0x30]  }
0x2f3: {  	[tilespmem:s22+$0xFFFFFFB0] =	vst v15;
	v15 =	vmul.f32 v17, v6;
	v14 =	vmul.f32 v22, v14;
	v17 =	vld [tilespmem:s22+$0x40]  }
0x2f4: {  	[tilespmem:s22+$0xFFFFFFC0] =	vst v9;
	v9 =	vmul.f32 v13, v7;
	v13 =	vmul.f32 v19, v12;
	v19 =	vld [tilespmem:s22+$0x50]  }
0x2f5: {  	[tilespmem:s22+$0xFFFFFFD0] =	vst v15;
	v14 =	vmul.f32 v14, v8;
	v15 =	vmul.f32 v21, v12;
	v21 =	vld [tilespmem:s22+$0x60]  }
0x2f6: {  	[tilespmem:s22+$0xFFFFFFE0] =	vst v9;
	v9 =	vmul.f32 v13, v1;
	v13 =	vmul.f32 v18, v12;
	v18 =	vld [tilespmem:s22+$0x70]  }
0x2f7: {  	[tilespmem:s22+$0xFFFFFFF0] =	vst v14;
	v14 =	vmul.f32 v15, v2;
	v15 =	vmul.f32 v20, v12;
	v20 =	vld [tilespmem:s22+$0x80]  }
0x2f8: {  	[tilespmem:s22+$0x0] =	vst v9;
	v9 =	vmul.f32 v13, v3;
	v13 =	vmul.f32 v17, v12;
	v17 =	vld [tilespmem:s22+$0x90]  }
0x2f9: {  	[tilespmem:s22+$0x10] =	vst v14;
	v14 =	vmul.f32 v15, v4;
	v15 =	vmul.f32 v19, v12;
	v19 =	vld [tilespmem:s22+$0xA0]  }
0x2fa: {  	[tilespmem:s22+$0x20] =	vst v9;
	v9 =	vmul.f32 v13, v5;
	v13 =	vmul.f32 v21, v12;
	v21 =	vld [tilespmem:s22+$0xB0]  }
0x2fb: {  	[tilespmem:s22+$0x30] =	vst v14;
	v14 =	vmul.f32 v15, v6;
	v12 =	vmul.f32 v18, v12;
	v15 =	vld [tilespmem:s22+$0xC0]  }
0x2fc: {  	v18 =	vld [tilespmem:s22+$0xD0];
	[tilespmem:s22+$0x40] =	vst v9;
	v9 =	vmul.f32 v13, v7;
	v13 =	vmul.f32 v20, v11  }
0x2fd: {  	[tilespmem:s22+$0x50] =	vst v14;
	v12 =	vmul.f32 v12, v8;
	v14 =	vmul.f32 v17, v11;
	v17 =	vld [tilespmem:s22+$0xE0]  }
0x2fe: {  	[tilespmem:s22+$0x60] =	vst v9;
	v9 =	vmul.f32 v13, v1;
	v13 =	vmul.f32 v19, v11;
	v19 =	vld [tilespmem:s22+$0xF0]  }
0x2ff: {  	v20 =	vld [tilespmem:s22+$0x100];
	[tilespmem:s22+$0x70] =	vst v12;
	v12 =	vmul.f32 v14, v2;
	v14 =	vmul.f32 v21, v11  }
0x300: {  	[tilespmem:s22+$0x80] =	vst v9;
	v9 =	vmul.f32 v13, v3;
	v13 =	vmul.f32 v15, v11;
	v15 =	vld [tilespmem:s22+$0x110]  }
0x301: {  	[tilespmem:s22+$0x90] =	vst v12;
	v12 =	vmul.f32 v14, v4;
	v14 =	vmul.f32 v18, v11;
	v18 =	vld [tilespmem:s22+$0x120]  }
0x302: {  	[tilespmem:s22+$0xA0] =	vst v9;
	v9 =	vmul.f32 v13, v5;
	v13 =	vmul.f32 v17, v11;
	v17 =	vld [tilespmem:s22+$0x130]  }
0x303: {  	[tilespmem:s22+$0xB0] =	vst v12;
	v12 =	vmul.f32 v14, v6;
	v11 =	vmul.f32 v19, v11;
	v14 =	vld [tilespmem:s22+$0x140]  }
0x304: {  	v19 =	vld [tilespmem:s22+$0x150];
	[tilespmem:s22+$0xC0] =	vst v9;
	v9 =	vmul.f32 v13, v7;
	v13 =	vmul.f32 v20, v10  }
0x305: {  	[tilespmem:s22+$0xD0] =	vst v12;
	v11 =	vmul.f32 v11, v8;
	v12 =	vmul.f32 v15, v10;
	v15 =	vld [tilespmem:s22+$0x160]  }
0x306: {  	[tilespmem:s22+$0xE0] =	vst v9;
	v9 =	vmul.f32 v13, v1;
	v13 =	vmul.f32 v18, v10;
	v18 =	vld [tilespmem:s22+$0x180]  }
0x307: {  	[tilespmem:s22+$0xF0] =	vst v11;
	v11 =	vmul.f32 v12, v2;
	v12 =	vmul.f32 v17, v10;
	v17 =	vld [tilespmem:s22+$0x190]  }
0x308: {  	[tilespmem:s22+$0x100] =	vst v9;
	v9 =	vmul.f32 v13, v3;
	v13 =	vmul.f32 v14, v10;
	v14 =	vld [tilespmem:s22+$0x1A0]  }
0x309: {  	[tilespmem:s22+$0x110] =	vst v11;
	v11 =	vmul.f32 v12, v4;
	v12 =	vmul.f32 v19, v10;
	v19 =	vld [tilespmem:s22+$0x1B0]  }
0x30a: {  	[tilespmem:s22+$0x120] =	vst v9;
	v9 =	vmul.f32 v13, v5;
	v10 =	vmul.f32 v15, v10;
	v13 =	vld [tilespmem:s22+$0x1C0]  }
0x30b: {  	v15 =	vld [tilespmem:s22+$0x1D0];
	[tilespmem:s22+$0x130] =	vst v11;
	v11 =	vmul.f32 v12, v6;
	v12 =	vmul.f32 v18, v16  }
0x30c: {  	[tilespmem:s22+$0x140] =	vst v9;
	v9 =	vmul.f32 v10, v7;
	v10 =	vmul.f32 v17, v16  }
0x30d: {  	[tilespmem:s22+$0x150] =	vst v11;
	v11 =	vmul.f32 v12, v1;
	v12 =	vmul.f32 v14, v16  }
0x30e: {  	v17 =	vld [tilespmem:s22+$0x1E0];
	[tilespmem:s22+$0x160] =	vst v9;
	v9 =	vmul.f32 v10, v2;
	v10 =	vmul.f32 v19, v16  }
0x30f: {  	v14 =	vld [tilespmem:s22+$0x1F0];
	[tilespmem:s22+$0x180] =	vst v11;
	v11 =	vmul.f32 v13, v16;
	v12 =	vmul.f32 v12, v3  }
0x310: {  	[tilespmem:s22+$0x190] =	vst v9;
	v9 =	vmul.f32 v15, v16;
	v10 =	vmul.f32 v10, v4  }
0x311: {  	[tilespmem:s22+$0x1A0] =	vst v12;
	v11 =	vmul.f32 v11, v5  }
0x312: {  	[tilespmem:s22+$0x1B0] =	vst v10;
	v9 =	vmul.f32 v9, v6  }
0x313: {  	v13 =	vmul.f32 v17, v16;
	[tilespmem:s22+$0x1C0] =	vst v11  }
0x314: {  	v12 =	vmul.f32 v14, v16;
	[tilespmem:s22+$0x1D0] =	vst v9  }
0x315: {  	v10 =	vmul.f32 v13, v7;
	s9 =	rddreg [dreg:$0x8]  }
0x316: {  	v11 =	vmul.f32 v12, v8;
	s9 =	sadd.s32 s7, s9  }
0x317: {  	[tilespmem:s22+$0x1E0] =	vst v10;
	s9 =	sshll.u32 s9, $0x4  }
0x318: {  	s10 =	simm.s32 $0xD000;
	[tilespmem:s22+$0x1F0] =	vst v11;
	s9 =	sadd.s32 s3, s9  }
0x319: {  	[hbm4b:s9+s4] =	stream.linear.scatter [tilespmem:s10], [sflag:$0xB], $0x4000, $0x38;
	[tilespmem:$0x15280] =	vst v63  }
0x31a: {  	_ =	swait.ge [sflag:s19], $0x4000  }
0x31b: {  	s11 =	simm.s32 @!p0 $0xD000;
	s22 =	simm.s32 $0x3;
	[sflag:s19] =	ssyncset.done $0x0  }
0x31c: {  	s9 =	sadd.s32 @!p0 $0x300, s7;
	s10 =	simm.s32 @!p0 $0x80;
	[sflag:s19] =	ssyncadd.s32 $0xFFFFC000  }
0x31d: {  	[tilespmem:s11], [sflag:$0x3] =	stream.indirect.gather @!p0 [hbm4b:s1+s10], $0x80, s9, s10, $0xb8;
	[tilespmem:$0x15280] =	vst v63  }
0x31e: {  	v13 =	vmov s22;
	s7 =	sadd.s32 @!p0 $0x2B00, s7;
	s9 =	simm.s32 @!p0 $0x15100  }
0x31f: {  	v13 =	vand.u32 $0xFFFFFFFB, v13;
	[tilespmem:s9], [sflag:$0x7] =	stream.indirect.gather @!p0 [hbm4b:s5+s10], $0x1, s7, s10, $0xb8;
	[tilespmem:$0x15280] =	vst v63  }
0x320: {  	v13 =	vbroadcast v13, $0x0;
	_ =	swait.ge [sflag:s21], $0x4000  }
0x321: {  	s10 =	simm.s32 $0x0;
	[sflag:s21] =	ssyncset.done $0x0  }
0x322: {  	s11 =	simm.s32 $0x1;
	v9 =	vmov s10;
	[sflag:s21] =	ssyncadd.s32 $0xFFFFC000  }
0x323: {  	s18 =	simm.s32 $0x7;
	v10 =	vmov s11;
	v9 =	vand.u32 $0xFFFFFFF8, v9;
	_ =	swait.ge [sflag:s23], $0x80  }
0x324: {  	s15 =	simm.s32 $0x2;
	v12 =	vbroadcast v9, $0x0;
	v9 =	vand.u32 $0xFFFFFFF9, v10;
	v10 =	vmov s18;
	[sflag:s23] =	ssyncset.done $0x0  }
0x325: {  	v11 =	vmov s15;
	[sflag:s23] =	ssyncadd.s32 $0xFFFFFF80  }
0x326: {  	s15 =	simm.s32 $0x6;
	s11 =	simm.s32 $0x5;
	s7 =	simm.s32 $0x11200;
	v14 =	vbroadcast v9, $0x0;
	v9 =	vand.u32 $0xFFFFFFFA, v11;
	v19 =	vld.idx.msk [tilespmem:v13+s26+$0x0], $0xffff  }
0x327: {  	v16 =	vmov s15;
	v15 =	vbroadcast v9, $0x0;
	v9 =	vmov s11;
	v24 =	vld [tilespmem:s7+$0xFFFFFE00]  }
0x328: {  	v16 =	vand.u32 $0xFFFFFFFE, v16;
	s10 =	simm.s32 $0x4;
	v9 =	vand.u32 $0xFFFFFFFD, v9;
	v26 =	vld [tilespmem:s7+$0xFFFFFE10]  }
0x329: {  	v11 =	vmov s10;
	v17 =	vbroadcast v9, $0x0;
	v9 =	vld.idx.msk [tilespmem:v10+s26+$0x0], $0xffff;
	v10 =	vbroadcast v16, $0x0  }
0x32a: {  	v11 =	vand.u32 $0xFFFFFFFC, v11;
	v27 =	vld [tilespmem:s7+$0xFFFFFE20]  }
0x32b: {  	v11 =	vbroadcast v11, $0x0;
	v20 =	vld.idx.msk [tilespmem:v12+s26+$0x0], $0xffff  }
0x32c: {  	v21 =	vld.idx.msk [tilespmem:v14+s26+$0x0], $0xffff  }
0x32d: {  	s10 =	simm.s32 $0xA;
	s11 =	simm.s32 $0xB;
	v22 =	vld.idx.msk [tilespmem:v15+s26+$0x0], $0xffff  }
0x32e: {  	s15 =	simm.s32 $0xC;
	v13 =	vmov s11;
	v12 =	vmov s10;
	v15 =	vld [tilespmem:s7+$0x170]  }
0x32f: {  	v23 =	vmov s15;
	v13 =	vand.u32 $0xFFFFFFFB, v13;
	v12 =	vand.u32 $0xFFFFFFFA, v12;
	v16 =	vld.idx.msk [tilespmem:v10+s26+$0x0], $0xffff  }
0x330: {  	s18 =	simm.s32 $0x8;
	v14 =	vbroadcast v12, $0x0;
	v12 =	vbroadcast v13, $0x0;
	v13 =	vand.u32 $0xFFFFFFFC, v23;
	v23 =	vld [tilespmem:s7+$0xFFFFFE30]  }
0x331: {  	v18 =	vld.idx.msk [tilespmem:v11+s26+$0x0], $0xffff;
	v11 =	vmov s18;
	s18 =	simm.s32 $0xD  }
0x332: {  	v51 =	vld [tilespmem:s7+$0xFFFFFE40];
	v25 =	vmov s18  }
0x333: {  	v30 =	vld [tilespmem:s7+$0xFFFFFE60];
	v25 =	vand.u32 $0xFFFFFFFD, v25;
	v24 =	vmul.f32 v24, v20;
	v26 =	vmul.f32 v26, v20  }
0x334: {  	v52 =	vmul.f32 v15, v16;
	v15 =	vbroadcast v25, $0x0;
	v25 =	vld [tilespmem:s7+$0xFFFFFE50]  }
0x335: {  	v31 =	vld [tilespmem:s7+$0xFFFFFE70];
	v27 =	vmul.f32 v27, v20;
	v24 =	vmul.f32 v24, v1  }
0x336: {  	v32 =	vld [tilespmem:s7+$0xFFFFFE80];
	v26 =	vmul.f32 v26, v2;
	v23 =	vmul.f32 v23, v20  }
0x337: {  	v53 =	vld [tilespmem:s7+$0xFFFFFE90];
	[tilespmem:s7+$0xFFFFFE00] =	vst v24;
	v24 =	vmul.f32 v27, v3;
	v27 =	vmul.f32 v51, v20  }
0x338: {  	v54 =	vld [tilespmem:s7+$0xFFFFFEB0];
	v13 =	vbroadcast v13, $0x0;
	[tilespmem:s7+$0xFFFFFE10] =	vst v26;
	v23 =	vmul.f32 v23, v4  }
0x339: {  	v26 =	vld [tilespmem:s7+$0xFFFFFEA0];
	[tilespmem:s7+$0xFFFFFE20] =	vst v24;
	v24 =	vmul.f32 v27, v5;
	v25 =	vmul.f32 v25, v20  }
0x33a: {  	v55 =	vld [tilespmem:s7+$0xFFFFFED0];
	v27 =	vmul.f32 v30, v20;
	v29 =	vmul.f32 v52, v8  }
0x33b: {  	[tilespmem:s7+$0xFFFFFE30] =	vst v23;
	v20 =	vmul.f32 v31, v20;
	v23 =	vmul.f32 v25, v6;
	v25 =	vld [tilespmem:s7+$0xFFFFFEC0]  }
0x33c: {  	v56 =	vld [tilespmem:s7+$0xFFFFFEE0];
	[tilespmem:s7+$0xFFFFFE40] =	vst v24;
	v24 =	vmul.f32 v27, v7;
	v27 =	vmul.f32 v32, v21  }
0x33d: {  	v57 =	vld [tilespmem:s7+$0xFFFFFF00];
	v20 =	vmul.f32 v20, v8;
	[tilespmem:s7+$0xFFFFFE50] =	vst v23;
	v23 =	vmul.f32 v53, v21  }
0x33e: {  	v26 =	vmul.f32 v26, v21;
	[tilespmem:s7+$0xFFFFFE60] =	vst v24;
	v24 =	vmul.f32 v27, v1;
	v27 =	vld [tilespmem:s7+$0xFFFFFEF0]  }
0x33f: {  	v58 =	vld [tilespmem:s7+$0xFFFFFF20];
	[tilespmem:s7+$0xFFFFFE70] =	vst v20;
	v20 =	vmul.f32 v23, v2;
	v23 =	vmul.f32 v54, v21  }
0x340: {  	[tilespmem:s7+$0xFFFFFE80] =	vst v24;
	v24 =	vmul.f32 v26, v3;
	v26 =	vld [tilespmem:s7+$0xFFFFFF10];
	v25 =	vmul.f32 v25, v21  }
0x341: {  	v59 =	vld [tilespmem:s7+$0xFFFFFF30];
	[tilespmem:s7+$0xFFFFFE90] =	vst v20;
	v20 =	vmul.f32 v23, v4;
	v23 =	vmul.f32 v55, v21  }
0x342: {  	v60 =	vld [tilespmem:s7+$0xFFFFFF70];
	[tilespmem:s7+$0xFFFFFEA0] =	vst v24;
	v24 =	vmul.f32 v25, v5;
	v25 =	vmul.f32 v56, v21  }
0x343: {  	v21 =	vmul.f32 v27, v21;
	[tilespmem:s7+$0xFFFFFEB0] =	vst v20;
	v20 =	vmul.f32 v23, v6;
	v23 =	vld [tilespmem:s7+$0xFFFFFF40]  }
0x344: {  	v27 =	vld [tilespmem:s7+$0xFFFFFF50];
	[tilespmem:s7+$0xFFFFFEC0] =	vst v24;
	v24 =	vmul.f32 v25, v7;
	v25 =	vmul.f32 v57, v22  }
0x345: {  	[tilespmem:s7+$0xFFFFFED0] =	vst v20;
	v20 =	vmul.f32 v21, v8;
	v21 =	vmul.f32 v26, v22;
	v26 =	vld [tilespmem:s7+$0xFFFFFF60]  }
0x346: {  	v61 =	vld [tilespmem:s7+$0xFFFFFF80];
	[tilespmem:s7+$0xFFFFFEE0] =	vst v24;
	v24 =	vmul.f32 v25, v1;
	v25 =	vmul.f32 v58, v22  }
0x347: {  	v62 =	vld [tilespmem:s7+$0xFFFFFFD0];
	[tilespmem:s7+$0xFFFFFEF0] =	vst v20;
	v20 =	vmul.f32 v21, v2;
	v21 =	vmul.f32 v59, v22  }
0x348: {  	[tilespmem:s7+$0xFFFFFF00] =	vst v24;
	v24 =	vmul.f32 v25, v3;
	v23 =	vmul.f32 v23, v22;
	v25 =	vld [tilespmem:s7+$0xFFFFFF90]  }
0x349: {  	[tilespmem:s7+$0xFFFFFF10] =	vst v20;
	v20 =	vmul.f32 v21, v4;
	v21 =	vmul.f32 v27, v22;
	v27 =	vld [tilespmem:s7+$0xFFFFFFA0]  }
0x34a: {  	[tilespmem:s7+$0xFFFFFF20] =	vst v24;
	v23 =	vmul.f32 v23, v5;
	v24 =	vmul.f32 v26, v22;
	v26 =	vld [tilespmem:s7+$0xFFFFFFB0]  }
0x34b: {  	[tilespmem:s7+$0xFFFFFF30] =	vst v20;
	v20 =	vmul.f32 v21, v6;
	v21 =	vmul.f32 v60, v22;
	v22 =	vld [tilespmem:s7+$0xFFFFFFC0]  }
0x34c: {  	v63 =	vld [tilespmem:s7+$0x20];
	[tilespmem:s7+$0xFFFFFF40] =	vst v23;
	v23 =	vmul.f32 v24, v7;
	v24 =	vmul.f32 v61, v19  }
0x34d: {  	[tilespmem:s7+$0xFFFFFF50] =	vst v20;
	v20 =	vmul.f32 v21, v8;
	v21 =	vmul.f32 v25, v19;
	v25 =	vld [tilespmem:s7+$0xFFFFFFE0]  }
0x34e: {  	[tilespmem:s7+$0xFFFFFF60] =	vst v23;
	v23 =	vmul.f32 v24, v1;
	v24 =	vmul.f32 v27, v19;
	v27 =	vld [tilespmem:s7+$0xFFFFFFF0]  }
0x34f: {  	[tilespmem:s7+$0xFFFFFF70] =	vst v20;
	v20 =	vmul.f32 v21, v2;
	v21 =	vmul.f32 v26, v19;
	v26 =	vld [tilespmem:s7+$0x0]  }
0x350: {  	[tilespmem:s7+$0xFFFFFF80] =	vst v23;
	v23 =	vmul.f32 v24, v3;
	v22 =	vmul.f32 v22, v19;
	v24 =	vld [tilespmem:s7+$0x10]  }
0x351: {  	v17 =	vld.idx.msk [tilespmem:v17+s26+$0x0], $0xffff;
	[tilespmem:s7+$0xFFFFFF90] =	vst v20;
	v20 =	vmul.f32 v21, v4;
	v21 =	vmul.f32 v62, v19  }
0x352: {  	[tilespmem:s7+$0xFFFFFFA0] =	vst v23;
	v22 =	vmul.f32 v22, v5;
	v23 =	vmul.f32 v25, v19;
	v25 =	vld [tilespmem:s7+$0x30]  }
0x353: {  	[tilespmem:s7+$0xFFFFFFB0] =	vst v20;
	v20 =	vmul.f32 v21, v6;
	v19 =	vmul.f32 v27, v19;
	v21 =	vld [tilespmem:s7+$0x40]  }
0x354: {  	[tilespmem:s7+$0xFFFFFFC0] =	vst v22;
	v22 =	vmul.f32 v23, v7;
	v23 =	vmul.f32 v26, v18;
	v26 =	vld [tilespmem:s7+$0x50]  }
0x355: {  	[tilespmem:s7+$0xFFFFFFD0] =	vst v20;
	v19 =	vmul.f32 v19, v8;
	v20 =	vmul.f32 v24, v18;
	v24 =	vld [tilespmem:s7+$0x60]  }
0x356: {  	v27 =	vld [tilespmem:s7+$0x70];
	[tilespmem:s7+$0xFFFFFFE0] =	vst v22;
	v22 =	vmul.f32 v23, v1;
	v23 =	vmul.f32 v63, v18  }
0x357: {  	[tilespmem:s7+$0xFFFFFFF0] =	vst v19;
	v19 =	vmul.f32 v20, v2;
	v20 =	vmul.f32 v25, v18;
	v25 =	vld [tilespmem:s7+$0x80]  }
0x358: {  	[tilespmem:s7+$0x0] =	vst v22;
	v22 =	vmul.f32 v23, v3;
	v21 =	vmul.f32 v21, v18;
	v23 =	vld [tilespmem:s7+$0x90]  }
0x359: {  	[tilespmem:s7+$0x10] =	vst v19;
	v19 =	vmul.f32 v20, v4;
	v20 =	vmul.f32 v26, v18;
	v26 =	vld [tilespmem:s7+$0xA0]  }
0x35a: {  	[tilespmem:s7+$0x20] =	vst v22;
	v21 =	vmul.f32 v21, v5;
	v22 =	vmul.f32 v24, v18;
	v24 =	vld [tilespmem:s7+$0xB0]  }
0x35b: {  	v18 =	vmul.f32 v27, v18;
	[tilespmem:s7+$0x30] =	vst v19;
	v19 =	vmul.f32 v20, v6;
	v20 =	vld [tilespmem:s7+$0xC0]  }
0x35c: {  	[tilespmem:s7+$0x40] =	vst v21;
	v21 =	vmul.f32 v22, v7;
	v22 =	vmul.f32 v25, v17;
	v25 =	vld [tilespmem:s7+$0xD0]  }
0x35d: {  	v18 =	vmul.f32 v18, v8;
	[tilespmem:s7+$0x50] =	vst v19;
	v19 =	vmul.f32 v23, v17;
	v23 =	vld [tilespmem:s7+$0xE0]  }
0x35e: {  	[tilespmem:s7+$0x60] =	vst v21;
	v21 =	vmul.f32 v22, v1;
	v22 =	vmul.f32 v26, v17;
	v26 =	vld [tilespmem:s7+$0xF0]  }
0x35f: {  	[tilespmem:s7+$0x70] =	vst v18;
	v18 =	vmul.f32 v19, v2;
	v19 =	vmul.f32 v24, v17;
	v24 =	vld [tilespmem:s7+$0x100]  }
0x360: {  	[tilespmem:s7+$0x80] =	vst v21;
	v21 =	vmul.f32 v22, v3;
	v20 =	vmul.f32 v20, v17;
	v22 =	vld [tilespmem:s7+$0x110]  }
0x361: {  	[tilespmem:s7+$0x90] =	vst v18;
	v18 =	vmul.f32 v19, v4;
	v19 =	vmul.f32 v25, v17;
	v25 =	vld [tilespmem:s7+$0x120]  }
0x362: {  	[tilespmem:s7+$0xA0] =	vst v21;
	v20 =	vmul.f32 v20, v5;
	v21 =	vmul.f32 v23, v17;
	v23 =	vld [tilespmem:s7+$0x130]  }
0x363: {  	[tilespmem:s7+$0xB0] =	vst v18;
	v18 =	vmul.f32 v19, v6;
	v17 =	vmul.f32 v26, v17;
	v19 =	vld [tilespmem:s7+$0x140]  }
0x364: {  	[tilespmem:s7+$0xC0] =	vst v20;
	v20 =	vmul.f32 v21, v7;
	v21 =	vmul.f32 v24, v16  }
0x365: {  	v24 =	vld [tilespmem:s7+$0x150];
	[tilespmem:s7+$0xD0] =	vst v18;
	v17 =	vmul.f32 v17, v8;
	v18 =	vmul.f32 v22, v16  }
0x366: {  	v22 =	vld [tilespmem:s7+$0x160];
	[tilespmem:s7+$0xE0] =	vst v20;
	v20 =	vmul.f32 v21, v1;
	v21 =	vmul.f32 v25, v16  }
0x367: {  	s22 =	simm.s32 $0x9;
	v10 =	vand.u32 $0xFFFFFFF8, v11;
	v25 =	vld [tilespmem:s7+$0x180];
	[tilespmem:s7+$0xF0] =	vst v17;
	v17 =	vmul.f32 v18, v2;
	v18 =	vmul.f32 v23, v16  }
0x368: {  	v11 =	vmov s22;
	v26 =	vld [tilespmem:s7+$0x190];
	[tilespmem:s7+$0x100] =	vst v20;
	v20 =	vmul.f32 v21, v3;
	v21 =	vmul.f32 v19, v16  }
0x369: {  	s22 =	simm.s32 $0xF;
	v10 =	vbroadcast v10, $0x0;
	v11 =	vand.u32 $0xFFFFFFF9, v11;
	[tilespmem:s7+$0x170] =	vst v29;
	v19 =	vld [tilespmem:s7+$0x1A0];
	v23 =	vmul.f32 v18, v4  }
0x36a: {  	[tilespmem:s7+$0x110] =	vst v17;
	v24 =	vmul.f32 v24, v16;
	v17 =	vld [tilespmem:s7+$0x1B0];
	v27 =	vmul.f32 v21, v5;
	v21 =	vmov s22  }
0x36b: {  	v11 =	vbroadcast v11, $0x0;
	v18 =	vld [tilespmem:s7+$0x1C0];
	[tilespmem:s7+$0x120] =	vst v20;
	v16 =	vmul.f32 v22, v16  }
0x36c: {  	v20 =	vld [tilespmem:s7+$0x1D0];
	[tilespmem:s7+$0x130] =	vst v23;
	v23 =	vmul.f32 v24, v6;
	v24 =	vmul.f32 v25, v9  }
0x36d: {  	s15 =	simm.s32 $0x11200;
	s11 =	simm.s32 $0xE;
	s18 =	simm.s32 $0x10;
	v26 =	vmul.f32 v26, v9;
	v22 =	vld [tilespmem:s7+$0x1E0];
	[tilespmem:s7+$0x140] =	vst v27;
	v25 =	vmul.f32 v16, v7  }
.LBB2_11:
0x36e: {  	p0 =	slt.u32 s18, $0x78;
	v16 =	vmov s11;
	[tilespmem:s7+$0x150] =	vst v23;
	v23 =	vmul.f32 v24, v1;
	v19 =	vmul.f32 v19, v9;
	v24 =	vld [tilespmem:s7+$0x1F0]  }
0x36f: {  	v16 =	vand.u32 $0xFFFFFFFE, v16;
	v27 =	vld.idx.msk [tilespmem:v21+s26+$0x0], $0xffff;
	[tilespmem:s7+$0x160] =	vst v25;
	v25 =	vmul.f32 v26, v2;
	v17 =	vmul.f32 v17, v9  }
0x370: {  	v26 =	vld.idx.msk [tilespmem:v10+s26+$0x0], $0xffff;
	v10 =	vbroadcast v16, $0x0;
	[tilespmem:s7+$0x180] =	vst v23;
	v16 =	vmul.f32 v18, v9  }
0x371: {  	v21 =	vld.idx.msk [tilespmem:v11+s26+$0x0], $0xffff;
	[tilespmem:s7+$0x190] =	vst v25;
	v11 =	vmul.f32 v19, v3;
	v23 =	vmul.f32 v20, v9  }
0x372: {  	v20 =	vld.idx.msk [tilespmem:v14+s26+$0x0], $0xffff;
	v14 =	vmul.f32 v17, v4;
	v17 =	vmul.f32 v22, v9  }
0x373: {  	v19 =	vld.idx.msk [tilespmem:v12+s26+$0x0], $0xffff;
	[tilespmem:s7+$0x1A0] =	vst v11;
	v11 =	vmul.f32 v16, v5;
	v16 =	vmul.f32 v24, v9  }
0x374: {  	v12 =	vmul.f32 v23, v6;
	v18 =	vld.idx.msk [tilespmem:v13+s26+$0x0], $0xffff;
	[tilespmem:s7+$0x1B0] =	vst v14;
	v13 =	vmul.f32 v17, v7  }
0x375: {  	v9 =	vmov v27;
	v17 =	vld.idx.msk [tilespmem:v15+s26+$0x0], $0xffff;
	[tilespmem:s7+$0x1C0] =	vst v11;
	v11 =	vmul.f32 v16, v8  }
0x376: {  	s9 =	sadd.s32 $0x1, s18;
	s11 =	sadd.s32 $0x4, s18;
	v14 =	vmov s18;
	s7 =	sadd.s32 $0x400, s7;
	v16 =	vld.idx.msk [tilespmem:v10+s26+$0x0], $0xffff;
	[tilespmem:s15+$0x1D0] =	vst v12  }
0x377: {  	s10 =	sadd.s32 $0x3, s18;
	v22 =	vmov s11;
	v10 =	vand.u32 $0xFFFFFFF8, v14;
	v12 =	vmov s9;
	s9 =	sadd.s32 $0x2, s18;
	v15 =	vld [tilespmem:s7+$0x170];
	[tilespmem:s15+$0x1E0] =	vst v13  }
0x378: {  	v14 =	vmov s10;
	v13 =	vmov s9;
	s9 =	sadd.s32 $0x5, s18;
	v23 =	vld [tilespmem:s7+$0xFFFFFE00];
	[tilespmem:s15+$0x1F0] =	vst v11;
	s15 =	smov.u32 s7  }
0x379: {  	v10 =	vbroadcast v10, $0x0;
	v11 =	vand.u32 $0xFFFFFFF9, v12;
	v24 =	vmov s9;
	v25 =	vld [tilespmem:s7+$0xFFFFFE10]  }
0x37a: {  	v12 =	vand.u32 $0xFFFFFFFA, v13;
	v13 =	vand.u32 $0xFFFFFFFB, v14;
	v11 =	vbroadcast v11, $0x0;
	v27 =	vld [tilespmem:s7+$0xFFFFFE20]  }
0x37b: {  	v14 =	vbroadcast v12, $0x0;
	v12 =	vbroadcast v13, $0x0;
	v13 =	vand.u32 $0xFFFFFFFC, v22;
	v22 =	vld [tilespmem:s7+$0xFFFFFE30]  }
0x37c: {  	v24 =	vand.u32 $0xFFFFFFFD, v24;
	v13 =	vbroadcast v13, $0x0;
	v28 =	vld [tilespmem:s7+$0xFFFFFE40];
	v29 =	vmul.f32 v15, v16  }
0x37d: {  	v15 =	vbroadcast v24, $0x0;
	v23 =	vmul.f32 v23, v26;
	v24 =	vld [tilespmem:s7+$0xFFFFFE50]  }
0x37e: {  	v25 =	vmul.f32 v25, v26;
	v30 =	vld [tilespmem:s7+$0xFFFFFE60];
	v29 =	vmul.f32 v29, v8  }
0x37f: {  	v23 =	vmul.f32 v23, v1;
	v27 =	vmul.f32 v27, v26;
	v31 =	vld [tilespmem:s7+$0xFFFFFE70]  }
0x380: {  	v25 =	vmul.f32 v25, v2;
	v22 =	vmul.f32 v22, v26;
	v32 =	vld [tilespmem:s7+$0xFFFFFE80];
	[tilespmem:s7+$0x170] =	vst v29  }
0x381: {  	[tilespmem:s7+$0xFFFFFE00] =	vst v23;
	v23 =	vmul.f32 v27, v3;
	v27 =	vmul.f32 v28, v26;
	v28 =	vld [tilespmem:s7+$0xFFFFFE90]  }
0x382: {  	[tilespmem:s7+$0xFFFFFE10] =	vst v25;
	v22 =	vmul.f32 v22, v4;
	v24 =	vmul.f32 v24, v26;
	v25 =	vld [tilespmem:s7+$0xFFFFFEA0]  }
0x383: {  	[tilespmem:s7+$0xFFFFFE20] =	vst v23;
	v23 =	vmul.f32 v27, v5;
	v27 =	vmul.f32 v30, v26;
	v29 =	vld [tilespmem:s7+$0xFFFFFEB0]  }
0x384: {  	[tilespmem:s7+$0xFFFFFE30] =	vst v22;
	v22 =	vmul.f32 v24, v6;
	v24 =	vmul.f32 v31, v26;
	v26 =	vld [tilespmem:s7+$0xFFFFFEC0]  }
0x385: {  	[tilespmem:s7+$0xFFFFFE40] =	vst v23;
	v23 =	vmul.f32 v27, v7;
	v27 =	vmul.f32 v32, v21;
	v30 =	vld [tilespmem:s7+$0xFFFFFED0]  }
0x386: {  	[tilespmem:s7+$0xFFFFFE50] =	vst v22;
	v22 =	vmul.f32 v24, v8;
	v24 =	vmul.f32 v28, v21;
	v28 =	vld [tilespmem:s7+$0xFFFFFEE0]  }
0x387: {  	[tilespmem:s7+$0xFFFFFE60] =	vst v23;
	v23 =	vmul.f32 v27, v1;
	v25 =	vmul.f32 v25, v21;
	v27 =	vld [tilespmem:s7+$0xFFFFFEF0]  }
0x388: {  	[tilespmem:s7+$0xFFFFFE70] =	vst v22;
	v22 =	vmul.f32 v24, v2;
	v24 =	vmul.f32 v29, v21;
	v29 =	vld [tilespmem:s7+$0xFFFFFF00]  }
0x389: {  	[tilespmem:s7+$0xFFFFFE80] =	vst v23;
	v23 =	vmul.f32 v25, v3;
	v25 =	vmul.f32 v26, v21;
	v26 =	vld [tilespmem:s7+$0xFFFFFF10]  }
0x38a: {  	[tilespmem:s7+$0xFFFFFE90] =	vst v22;
	v22 =	vmul.f32 v24, v4;
	v24 =	vmul.f32 v30, v21;
	v30 =	vld [tilespmem:s7+$0xFFFFFF20]  }
0x38b: {  	[tilespmem:s7+$0xFFFFFEA0] =	vst v23;
	v23 =	vmul.f32 v25, v5;
	v25 =	vmul.f32 v28, v21;
	v28 =	vld [tilespmem:s7+$0xFFFFFF30]  }
0x38c: {  	[tilespmem:s7+$0xFFFFFEB0] =	vst v22;
	v22 =	vmul.f32 v24, v6;
	v21 =	vmul.f32 v27, v21;
	v24 =	vld [tilespmem:s7+$0xFFFFFF40]  }
0x38d: {  	[tilespmem:s7+$0xFFFFFEC0] =	vst v23;
	v23 =	vmul.f32 v25, v7;
	v25 =	vmul.f32 v29, v20;
	v27 =	vld [tilespmem:s7+$0xFFFFFF50]  }
0x38e: {  	[tilespmem:s7+$0xFFFFFED0] =	vst v22;
	v21 =	vmul.f32 v21, v8;
	v22 =	vmul.f32 v26, v20;
	v26 =	vld [tilespmem:s7+$0xFFFFFF60]  }
0x38f: {  	[tilespmem:s7+$0xFFFFFEE0] =	vst v23;
	v23 =	vmul.f32 v25, v1;
	v25 =	vmul.f32 v30, v20;
	v29 =	vld [tilespmem:s7+$0xFFFFFF70]  }
0x390: {  	[tilespmem:s7+$0xFFFFFEF0] =	vst v21;
	v21 =	vmul.f32 v22, v2;
	v22 =	vmul.f32 v28, v20;
	v28 =	vld [tilespmem:s7+$0xFFFFFF80]  }
0x391: {  	[tilespmem:s7+$0xFFFFFF00] =	vst v23;
	v23 =	vmul.f32 v25, v3;
	v24 =	vmul.f32 v24, v20;
	v25 =	vld [tilespmem:s7+$0xFFFFFF90]  }
0x392: {  	[tilespmem:s7+$0xFFFFFF10] =	vst v21;
	v21 =	vmul.f32 v22, v4;
	v22 =	vmul.f32 v27, v20;
	v27 =	vld [tilespmem:s7+$0xFFFFFFA0]  }
0x393: {  	[tilespmem:s7+$0xFFFFFF20] =	vst v23;
	v23 =	vmul.f32 v24, v5;
	v24 =	vmul.f32 v26, v20;
	v26 =	vld [tilespmem:s7+$0xFFFFFFB0]  }
0x394: {  	[tilespmem:s7+$0xFFFFFF30] =	vst v21;
	v21 =	vmul.f32 v22, v6;
	v20 =	vmul.f32 v29, v20;
	v22 =	vld [tilespmem:s7+$0xFFFFFFC0]  }
0x395: {  	[tilespmem:s7+$0xFFFFFF40] =	vst v23;
	v23 =	vmul.f32 v24, v7;
	v24 =	vmul.f32 v28, v19;
	v28 =	vld [tilespmem:s7+$0xFFFFFFD0]  }
0x396: {  	[tilespmem:s7+$0xFFFFFF50] =	vst v21;
	v20 =	vmul.f32 v20, v8;
	v21 =	vmul.f32 v25, v19;
	v25 =	vld [tilespmem:s7+$0xFFFFFFE0]  }
0x397: {  	[tilespmem:s7+$0xFFFFFF60] =	vst v23;
	v23 =	vmul.f32 v24, v1;
	v24 =	vmul.f32 v27, v19;
	v27 =	vld [tilespmem:s7+$0xFFFFFFF0]  }
0x398: {  	[tilespmem:s7+$0xFFFFFF70] =	vst v20;
	v20 =	vmul.f32 v21, v2;
	v21 =	vmul.f32 v26, v19;
	v26 =	vld [tilespmem:s7+$0x0]  }
0x399: {  	[tilespmem:s7+$0xFFFFFF80] =	vst v23;
	v23 =	vmul.f32 v24, v3;
	v22 =	vmul.f32 v22, v19;
	v24 =	vld [tilespmem:s7+$0x10]  }
0x39a: {  	[tilespmem:s7+$0xFFFFFF90] =	vst v20;
	v20 =	vmul.f32 v21, v4;
	v21 =	vmul.f32 v28, v19;
	v28 =	vld [tilespmem:s7+$0x20]  }
0x39b: {  	[tilespmem:s7+$0xFFFFFFA0] =	vst v23;
	v22 =	vmul.f32 v22, v5;
	v23 =	vmul.f32 v25, v19;
	v25 =	vld [tilespmem:s7+$0x30]  }
0x39c: {  	[tilespmem:s7+$0xFFFFFFB0] =	vst v20;
	v20 =	vmul.f32 v21, v6;
	v19 =	vmul.f32 v27, v19;
	v21 =	vld [tilespmem:s7+$0x40]  }
0x39d: {  	[tilespmem:s7+$0xFFFFFFC0] =	vst v22;
	v22 =	vmul.f32 v23, v7;
	v23 =	vmul.f32 v26, v18;
	v26 =	vld [tilespmem:s7+$0x50]  }
0x39e: {  	[tilespmem:s7+$0xFFFFFFD0] =	vst v20;
	v19 =	vmul.f32 v19, v8;
	v20 =	vmul.f32 v24, v18;
	v24 =	vld [tilespmem:s7+$0x60]  }
0x39f: {  	[tilespmem:s7+$0xFFFFFFE0] =	vst v22;
	v22 =	vmul.f32 v23, v1;
	v23 =	vmul.f32 v28, v18;
	v27 =	vld [tilespmem:s7+$0x70]  }
0x3a0: {  	[tilespmem:s7+$0xFFFFFFF0] =	vst v19;
	v19 =	vmul.f32 v20, v2;
	v20 =	vmul.f32 v25, v18;
	v25 =	vld [tilespmem:s7+$0x80]  }
0x3a1: {  	[tilespmem:s7+$0x0] =	vst v22;
	v22 =	vmul.f32 v23, v3;
	v21 =	vmul.f32 v21, v18;
	v23 =	vld [tilespmem:s7+$0x90]  }
0x3a2: {  	[tilespmem:s7+$0x10] =	vst v19;
	v19 =	vmul.f32 v20, v4;
	v20 =	vmul.f32 v26, v18;
	v26 =	vld [tilespmem:s7+$0xA0]  }
0x3a3: {  	[tilespmem:s7+$0x20] =	vst v22;
	v21 =	vmul.f32 v21, v5;
	v22 =	vmul.f32 v24, v18;
	v24 =	vld [tilespmem:s7+$0xB0]  }
0x3a4: {  	[tilespmem:s7+$0x30] =	vst v19;
	v19 =	vmul.f32 v20, v6;
	v18 =	vmul.f32 v27, v18;
	v20 =	vld [tilespmem:s7+$0xC0]  }
0x3a5: {  	[tilespmem:s7+$0x40] =	vst v21;
	v21 =	vmul.f32 v22, v7;
	v22 =	vmul.f32 v25, v17;
	v25 =	vld [tilespmem:s7+$0xD0]  }
0x3a6: {  	[tilespmem:s7+$0x50] =	vst v19;
	v18 =	vmul.f32 v18, v8;
	v19 =	vmul.f32 v23, v17;
	v23 =	vld [tilespmem:s7+$0xE0]  }
0x3a7: {  	[tilespmem:s7+$0x60] =	vst v21;
	v21 =	vmul.f32 v22, v1;
	v22 =	vmul.f32 v26, v17;
	v26 =	vld [tilespmem:s7+$0xF0]  }
0x3a8: {  	[tilespmem:s7+$0x70] =	vst v18;
	v18 =	vmul.f32 v19, v2;
	v19 =	vmul.f32 v24, v17;
	v24 =	vld [tilespmem:s7+$0x100]  }
0x3a9: {  	[tilespmem:s7+$0x80] =	vst v21;
	v21 =	vmul.f32 v22, v3;
	v20 =	vmul.f32 v20, v17;
	v22 =	vld [tilespmem:s7+$0x110]  }
0x3aa: {  	[tilespmem:s7+$0x90] =	vst v18;
	v18 =	vmul.f32 v19, v4;
	v19 =	vmul.f32 v25, v17;
	v25 =	vld [tilespmem:s7+$0x120]  }
0x3ab: {  	[tilespmem:s7+$0xA0] =	vst v21;
	v20 =	vmul.f32 v20, v5;
	v21 =	vmul.f32 v23, v17;
	v23 =	vld [tilespmem:s7+$0x130]  }
0x3ac: {  	[tilespmem:s7+$0xB0] =	vst v18;
	v18 =	vmul.f32 v19, v6;
	v17 =	vmul.f32 v26, v17;
	v19 =	vld [tilespmem:s7+$0x140]  }
0x3ad: {  	[tilespmem:s7+$0xC0] =	vst v20;
	v20 =	vmul.f32 v21, v7;
	v21 =	vmul.f32 v24, v16;
	v24 =	vld [tilespmem:s7+$0x150]  }
0x3ae: {  	[tilespmem:s7+$0xD0] =	vst v18;
	v17 =	vmul.f32 v17, v8;
	v18 =	vmul.f32 v22, v16;
	v22 =	vld [tilespmem:s7+$0x160]  }
0x3af: {  	[tilespmem:s7+$0xE0] =	vst v20;
	v20 =	vmul.f32 v21, v1;
	v21 =	vmul.f32 v25, v16;
	v25 =	vld [tilespmem:s7+$0x180]  }
0x3b0: {  	[tilespmem:s7+$0xF0] =	vst v17;
	v17 =	vmul.f32 v18, v2;
	v18 =	vmul.f32 v23, v16;
	v26 =	vld [tilespmem:s7+$0x190]  }
.Ltmp4:
0x3b1: {  	s9 =	sadd.s32 $0x7, s18;
	[tilespmem:s7+$0x100] =	vst v20;
	v20 =	vmul.f32 v21, v3;
	v23 =	vmul.f32 v19, v16;
	v19 =	vld [tilespmem:s7+$0x1A0];
	(pc) =	sbr.rel @p0 .LBB2_11-.Ltmp4, $4  }
0x3b2: {  	v21 =	vmov s9;
	[tilespmem:s7+$0x110] =	vst v17;
	v27 =	vmul.f32 v18, v4;
	v24 =	vmul.f32 v24, v16;
	v17 =	vld [tilespmem:s7+$0x1B0]  }
0x3b3: {  	[tilespmem:s7+$0x120] =	vst v20;
	v28 =	vmul.f32 v23, v5;
	v16 =	vmul.f32 v22, v16;
	v18 =	vld [tilespmem:s7+$0x1C0]  }
0x3b4: {  	[tilespmem:s7+$0x130] =	vst v27;
	v23 =	vmul.f32 v24, v6;
	v24 =	vmul.f32 v25, v9;
	v20 =	vld [tilespmem:s7+$0x1D0]  }
0x3b5: {  	s11 =	sadd.s32 $0x6, s18;
	s18 =	sadd.s32 $0x8, s18;
	[tilespmem:s7+$0x140] =	vst v28;
	v25 =	vmul.f32 v16, v7;
	v26 =	vmul.f32 v26, v9;
	v22 =	vld [tilespmem:s7+$0x1E0]  }
0x3b6: {  	_ =	sdelay $0x2  }
0x3b7: {  	v27 =	vld [tilespmem:s7+$0x1F0]  }
0x3b8: {  	v46 =	vld.idx.msk [tilespmem:v10+s26+$0x0], $0xffff  }
0x3b9: {  	v29 =	vld.idx.msk [tilespmem:v14+s26+$0x0], $0xffff  }
0x3ba: {  	v14 =	vld.idx.msk [tilespmem:v12+s26+$0x0], $0xffff  }
0x3bb: {  	v12 =	vld.idx.msk [tilespmem:v13+s26+$0x0], $0xffff;
	s18 =	sadd.s32 $0x400, s7  }
0x3bc: {  	v50 =	vld [tilespmem:s18+$0x170]  }
0x3bd: {  	v52 =	vld [tilespmem:s18+$0xFFFFFE00]  }
0x3be: {  	v16 =	vmov s11;
	v47 =	vmul.f32 v24, v1;
	v54 =	vld [tilespmem:s18+$0xFFFFFE10]  }
0x3bf: {  	v48 =	vmul.f32 v19, v9;
	v28 =	vand.u32 $0xFFFFFFFE, v16;
	v49 =	vmul.f32 v26, v2;
	v55 =	vld [tilespmem:s18+$0xFFFFFE20]  }
0x3c0: {  	[tilespmem:s7+$0x150] =	vst v23;
	v17 =	vmul.f32 v17, v9;
	v10 =	vbroadcast v28, $0x0;
	v28 =	vld.idx.msk [tilespmem:v11+s26+$0x0], $0xffff  }
0x3c1: {  	[tilespmem:s7+$0x160] =	vst v25;
	v11 =	vld.idx.msk [tilespmem:v15+s26+$0x0], $0xffff;
	v51 =	vmul.f32 v18, v9;
	v15 =	vmul.f32 v48, v3  }
0x3c2: {  	v57 =	vld [tilespmem:s18+$0xFFFFFE30];
	[tilespmem:s7+$0x180] =	vst v47;
	v53 =	vmul.f32 v20, v9;
	v17 =	vmul.f32 v17, v4  }
0x3c3: {  	v58 =	vld [tilespmem:s18+$0xFFFFFE40];
	[tilespmem:s7+$0x190] =	vst v49;
	v22 =	vmul.f32 v22, v9;
	v13 =	vmul.f32 v51, v5  }
0x3c4: {  	v60 =	vld [tilespmem:s18+$0xFFFFFE50];
	[tilespmem:s7+$0x1A0] =	vst v15;
	v9 =	vmul.f32 v27, v9;
	v56 =	vmul.f32 v53, v6  }
0x3c5: {  	v61 =	vld [tilespmem:s18+$0xFFFFFE60];
	[tilespmem:s7+$0x1B0] =	vst v17;
	v22 =	vmul.f32 v22, v7;
	v59 =	vmul.f32 v52, v46  }
0x3c6: {  	v62 =	vld [tilespmem:s18+$0xFFFFFE70];
	[tilespmem:s7+$0x1C0] =	vst v13;
	v20 =	vmul.f32 v54, v46;
	v15 =	vmul.f32 v55, v46  }
0x3c7: {  	v38 =	vld [tilespmem:s18+$0xFFFFFF00];
	v19 =	vmul.f32 v57, v46;
	v9 =	vmul.f32 v9, v8;
	[tilespmem:s15+$0x1D0] =	vst v56  }
0x3c8: {  	v40 =	vld [tilespmem:s18+$0xFFFFFF10];
	v13 =	vmul.f32 v58, v46;
	[tilespmem:s15+$0x1E0] =	vst v22;
	v20 =	vmul.f32 v20, v2  }
0x3c9: {  	v43 =	vld [tilespmem:s18+$0xFFFFFF20];
	v18 =	vmul.f32 v60, v46;
	v19 =	vmul.f32 v19, v4;
	[tilespmem:s15+$0x1F0] =	vst v9  }
0x3ca: {  	v45 =	vld [tilespmem:s18+$0xFFFFFF30];
	v27 =	vmul.f32 v61, v46;
	v9 =	vmul.f32 v59, v1;
	[tilespmem:s18+$0xFFFFFE10] =	vst v20  }
0x3cb: {  	v63 =	vld [tilespmem:s18+$0xFFFFFE80];
	v17 =	vmul.f32 v62, v46;
	v18 =	vmul.f32 v18, v6;
	[tilespmem:s18+$0xFFFFFE30] =	vst v19  }
0x3cc: {  	v30 =	vld [tilespmem:s18+$0xFFFFFEB0];
	v49 =	vmul.f32 v38, v29;
	[tilespmem:s18+$0xFFFFFE00] =	vst v9;
	v9 =	vmul.f32 v15, v3  }
0x3cd: {  	v26 =	vld [tilespmem:s18+$0xFFFFFEA0];
	v52 =	vmul.f32 v40, v29;
	v17 =	vmul.f32 v17, v8;
	[tilespmem:s18+$0xFFFFFE50] =	vst v18  }
0x3ce: {  	v33 =	vld [tilespmem:s18+$0xFFFFFED0];
	v54 =	vmul.f32 v43, v29;
	[tilespmem:s18+$0xFFFFFE20] =	vst v9;
	v9 =	vmul.f32 v13, v5  }
0x3cf: {  	v31 =	vld [tilespmem:s18+$0xFFFFFEC0];
	v57 =	vmul.f32 v45, v29;
	v56 =	vmul.f32 v52, v2;
	[tilespmem:s18+$0xFFFFFE70] =	vst v17  }
0x3d0: {  	v36 =	vld [tilespmem:s18+$0xFFFFFEF0];
	v32 =	vmul.f32 v63, v28;
	[tilespmem:s18+$0xFFFFFE40] =	vst v9;
	v9 =	vmul.f32 v27, v7  }
0x3d1: {  	v34 =	vld [tilespmem:s18+$0xFFFFFEE0];
	v37 =	vmul.f32 v30, v28;
	v61 =	vmul.f32 v57, v4;
	[tilespmem:s18+$0xFFFFFF10] =	vst v56  }
0x3d2: {  	v25 =	vld [tilespmem:s18+$0xFFFFFE90];
	v35 =	vmul.f32 v26, v28;
	[tilespmem:s18+$0xFFFFFE60] =	vst v9;
	v9 =	vmul.f32 v32, v1  }
0x3d3: {  	v48 =	vld [tilespmem:s18+$0xFFFFFF40];
	v42 =	vmul.f32 v33, v28;
	v41 =	vmul.f32 v37, v4;
	[tilespmem:s18+$0xFFFFFF30] =	vst v61  }
0x3d4: {  	v39 =	vmul.f32 v31, v28;
	v30 =	vld [tilespmem:s18+$0xFFFFFFD0];
	[tilespmem:s18+$0xFFFFFE80] =	vst v9;
	v9 =	vmul.f32 v35, v3  }
0x3d5: {  	v47 =	vmul.f32 v36, v28;
	v10 =	vld.idx.msk [tilespmem:v10+s26+$0x0], $0xffff;
	v46 =	vmul.f32 v42, v6;
	[tilespmem:s18+$0xFFFFFEB0] =	vst v41  }
0x3d6: {  	v53 =	vld [tilespmem:s18+$0xFFFFFF60];
	v44 =	vmul.f32 v34, v28;
	[tilespmem:s18+$0xFFFFFEA0] =	vst v9;
	v9 =	vmul.f32 v39, v5  }
0x3d7: {  	v38 =	vld [tilespmem:s18+$0x0];
	v51 =	vmul.f32 v47, v8;
	v15 =	vmul.f32 v25, v28;
	[tilespmem:s18+$0xFFFFFED0] =	vst v46  }
0x3d8: {  	v55 =	vld [tilespmem:s18+$0xFFFFFF70];
	v59 =	vmul.f32 v48, v29;
	[tilespmem:s18+$0xFFFFFEC0] =	vst v9;
	v9 =	vmul.f32 v44, v7  }
0x3d9: {  	[tilespmem:s18+$0xFFFFFEF0] =	vst v51;
	v25 =	vld [tilespmem:s18+$0xFFFFFFB0];
	v42 =	vmul.f32 v30, v14;
	v15 =	vmul.f32 v15, v2  }
0x3da: {  	v23 =	vmul.f32 v50, v10;
	v50 =	vld [tilespmem:s18+$0xFFFFFF50];
	[tilespmem:s18+$0xFFFFFEE0] =	vst v9;
	v9 =	vmul.f32 v49, v1  }
0x3db: {  	v58 =	vld [tilespmem:s18+$0xFFFFFF80];
	v24 =	vmul.f32 v53, v29;
	v46 =	vmul.f32 v42, v6;
	[tilespmem:s18+$0xFFFFFE90] =	vst v15  }
0x3dc: {  	v60 =	vld [tilespmem:s18+$0xFFFFFF90];
	v48 =	vmul.f32 v38, v12;
	[tilespmem:s18+$0xFFFFFF00] =	vst v9;
	v9 =	vmul.f32 v54, v3  }
0x3dd: {  	v63 =	vld [tilespmem:s18+$0xFFFFFFA0];
	v23 =	vmul.f32 v23, v8;
	v27 =	vmul.f32 v55, v29;
	[tilespmem:s18+$0xFFFFFFD0] =	vst v46  }
0x3de: {  	v43 =	vld [tilespmem:s18+$0x20];
	v37 =	vmul.f32 v25, v14;
	[tilespmem:s18+$0xFFFFFF20] =	vst v9;
	v9 =	vmul.f32 v59, v5  }
0x3df: {  	v28 =	vld [tilespmem:s18+$0xFFFFFFC0];
	[tilespmem:s18+$0x170] =	vst v23;
	v31 =	vmul.f32 v27, v8;
	v62 =	vmul.f32 v50, v29  }
0x3e0: {  	v27 =	vld [tilespmem:s18+$0xD0];
	v29 =	vmul.f32 v58, v14;
	[tilespmem:s18+$0xFFFFFF40] =	vst v9;
	v9 =	vmul.f32 v24, v7  }
0x3e1: {  	v33 =	vld [tilespmem:s18+$0xFFFFFFE0];
	v32 =	vmul.f32 v60, v14;
	v41 =	vmul.f32 v37, v4;
	[tilespmem:s18+$0xFFFFFF70] =	vst v31  }
0x3e2: {  	v34 =	vmul.f32 v63, v14;
	v58 =	vld [tilespmem:s18+$0x90];
	[tilespmem:s18+$0xFFFFFF60] =	vst v9;
	v9 =	vmul.f32 v29, v1  }
0x3e3: {  	v47 =	vld [tilespmem:s18+$0x40];
	v52 =	vmul.f32 v43, v12;
	v36 =	vmul.f32 v32, v2;
	[tilespmem:s18+$0xFFFFFFB0] =	vst v41  }
0x3e4: {  	v63 =	vld [tilespmem:s18+$0xB0];
	v39 =	vmul.f32 v28, v14;
	[tilespmem:s18+$0xFFFFFF80] =	vst v9;
	v9 =	vmul.f32 v34, v3  }
0x3e5: {  	v45 =	vld [tilespmem:s18+$0x30];
	v26 =	vmul.f32 v62, v6;
	[tilespmem:s18+$0xFFFFFF90] =	vst v36;
	v38 =	vmul.f32 v27, v11  }
0x3e6: {  	v35 =	vld [tilespmem:s18+$0xFFFFFFF0];
	v44 =	vmul.f32 v33, v14;
	[tilespmem:s18+$0xFFFFFFA0] =	vst v9;
	v9 =	vmul.f32 v39, v5  }
0x3e7: {  	v61 =	vld [tilespmem:s18+$0xA0];
	[tilespmem:s18+$0xFFFFFF50] =	vst v26;
	v28 =	vmul.f32 v58, v11;
	v42 =	vmul.f32 v38, v6  }
0x3e8: {  	v40 =	vld [tilespmem:s18+$0x10];
	v57 =	vmul.f32 v47, v12;
	[tilespmem:s18+$0xFFFFFFC0] =	vst v9;
	v9 =	vmul.f32 v44, v7  }
0x3e9: {  	v51 =	vld [tilespmem:s18+$0x60];
	v33 =	vmul.f32 v63, v11;
	v32 =	vmul.f32 v28, v2;
	[tilespmem:s18+$0xD0] =	vst v42  }
0x3ea: {  	v56 =	vld [tilespmem:s18+$0x80];
	v55 =	vmul.f32 v45, v12;
	[tilespmem:s18+$0xFFFFFFE0] =	vst v9;
	v9 =	vmul.f32 v48, v1  }
0x3eb: {  	v14 =	vmul.f32 v35, v14;
	v49 =	vld [tilespmem:s18+$0x50];
	v37 =	vmul.f32 v33, v4;
	[tilespmem:s18+$0x90] =	vst v32  }
0x3ec: {  	v30 =	vmul.f32 v61, v11;
	v25 =	vld [tilespmem:s18+$0xC0];
	[tilespmem:s18+$0x0] =	vst v9;
	v9 =	vmul.f32 v52, v3  }
0x3ed: {  	v50 =	vmul.f32 v40, v12;
	v31 =	vld [tilespmem:s18+$0xF0];
	v14 =	vmul.f32 v14, v8;
	[tilespmem:s18+$0xB0] =	vst v37  }
0x3ee: {  	v62 =	vmul.f32 v51, v12;
	v29 =	vld [tilespmem:s18+$0xE0];
	[tilespmem:s18+$0x20] =	vst v9;
	v9 =	vmul.f32 v57, v5  }
0x3ef: {  	v16 =	vld.idx.msk [tilespmem:v21+s26+$0x0], $0xffff;
	v26 =	vmul.f32 v56, v11;
	v54 =	vmul.f32 v50, v2;
	[tilespmem:s18+$0xFFFFFFF0] =	vst v14  }
0x3f0: {  	v36 =	vld [tilespmem:s18+$0x110];
	v60 =	vmul.f32 v49, v12;
	[tilespmem:s18+$0x40] =	vst v9;
	v9 =	vmul.f32 v62, v7  }
0x3f1: {  	v41 =	vld [tilespmem:s18+$0x130];
	v35 =	vmul.f32 v25, v11;
	[tilespmem:s18+$0x10] =	vst v54;
	v59 =	vmul.f32 v55, v4  }
0x3f2: {  	v45 =	vld [tilespmem:s18+$0x150];
	v24 =	vmul.f32 v60, v6;
	[tilespmem:s18+$0x60] =	vst v9;
	v9 =	vmul.f32 v26, v1  }
0x3f3: {  	[tilespmem:s18+$0x30] =	vst v59;
	v34 =	vld [tilespmem:s18+$0x100];
	v40 =	vmul.f32 v29, v11;
	v11 =	vmul.f32 v31, v11  }
0x3f4: {  	v53 =	vld [tilespmem:s18+$0x70];
	[tilespmem:s18+$0x80] =	vst v9;
	v9 =	vmul.f32 v30, v3  }
0x3f5: {  	v46 =	vmul.f32 v36, v10;
	[tilespmem:s18+$0x50] =	vst v24;
	v39 =	vld [tilespmem:s18+$0x120];
	v11 =	vmul.f32 v11, v8  }
0x3f6: {  	v50 =	vmul.f32 v41, v10;
	v49 =	vld [tilespmem:s18+$0x180];
	[tilespmem:s18+$0xA0] =	vst v9;
	v9 =	vmul.f32 v35, v5  }
0x3f7: {  	v43 =	vld [tilespmem:s18+$0x140];
	v54 =	vmul.f32 v45, v10;
	[tilespmem:s18+$0xF0] =	vst v11;
	v11 =	vmul.f32 v46, v2  }
0x3f8: {  	v44 =	vmul.f32 v34, v10;
	[tilespmem:s18+$0xC0] =	vst v9;
	v9 =	vmul.f32 v40, v7  }
0x3f9: {  	v47 =	vld [tilespmem:s18+$0x160];
	v12 =	vmul.f32 v53, v12;
	[tilespmem:s18+$0x110] =	vst v11;
	v11 =	vmul.f32 v50, v4  }
0x3fa: {  	v56 =	vld [tilespmem:s18+$0x1C0];
	v48 =	vmul.f32 v39, v10;
	[tilespmem:s18+$0xE0] =	vst v9;
	v9 =	vmul.f32 v44, v1  }
0x3fb: {  	v51 =	vld [tilespmem:s18+$0x190];
	v57 =	vmul.f32 v49, v16;
	[tilespmem:s18+$0x130] =	vst v11;
	v11 =	vmul.f32 v54, v6  }
0x3fc: {  	v53 =	vld [tilespmem:s18+$0x1A0];
	v52 =	vmul.f32 v43, v10;
	[tilespmem:s18+$0x100] =	vst v9;
	v9 =	vmul.f32 v48, v3  }
0x3fd: {  	v61 =	vld [tilespmem:s18+$0x1F0];
	[tilespmem:s18+$0x150] =	vst v11;
	v11 =	vmul.f32 v57, v1  }
0x3fe: {  	v55 =	vld [tilespmem:s18+$0x1B0];
	v10 =	vmul.f32 v47, v10;
	[tilespmem:s18+$0x120] =	vst v9;
	v9 =	vmul.f32 v52, v5  }
0x3ff: {  	v58 =	vld [tilespmem:s18+$0x1D0];
	v12 =	vmul.f32 v12, v8;
	[tilespmem:s18+$0x180] =	vst v11;
	v11 =	vmul.f32 v56, v16  }
0x400: {  	v59 =	vld [tilespmem:s18+$0x1E0];
	[tilespmem:s18+$0x140] =	vst v9;
	v9 =	vmul.f32 v10, v7;
	v10 =	vmul.f32 v51, v16  }
0x401: {  	[tilespmem:s18+$0x70] =	vst v12;
	v60 =	vmul.f32 v53, v16;
	v11 =	vmul.f32 v11, v5  }
0x402: {  	v63 =	vmul.f32 v61, v16;
	[tilespmem:s18+$0x160] =	vst v9;
	v9 =	vmul.f32 v10, v2  }
0x403: {  	v12 =	vmul.f32 v60, v3;
	[tilespmem:s18+$0x1C0] =	vst v11;
	v10 =	vmul.f32 v55, v16  }
0x404: {  	s6 =	sadd.s32 $0x1, s6;
	v11 =	vmul.f32 v63, v8;
	[tilespmem:s18+$0x190] =	vst v9;
	v9 =	vmul.f32 v58, v16  }
0x405: {  	p0 =	sne.s32 s6, $0x14;
	[tilespmem:s18+$0x1A0] =	vst v12;
	v62 =	vmul.f32 v59, v16;
	v10 =	vmul.f32 v10, v4  }
.Ltmp5:
0x406: {  	s22 =	sshll.u32 s12, $0xE;
	[tilespmem:s18+$0x1F0] =	vst v11;
	v9 =	vmul.f32 v9, v6;
	(pc) =	sbr.rel @p0 .LBB2_4-.Ltmp5, $4  }
0x407: {  	s7 =	sadd.s32 s8, s22;
	[tilespmem:s18+$0x1B0] =	vst v10;
	v10 =	vmul.f32 v62, v7  }
0x408: {  	s7 =	sshrl.u32 s7, $0x3;
	[tilespmem:s18+$0x1D0] =	vst v9  }
0x409: {  	s7 =	sadd.s32 s3, s7;
	[tilespmem:s18+$0x1E0] =	vst v10  }
0x40a: {  	[hbm4b:s7+s4] =	stream.linear.scatter [tilespmem:s25], [sflag:$0xC], $0x4000, $0x38;
	[tilespmem:$0x15280] =	vst v63  }
0x40b: {  	s7 =	simm.s32 $0xC  }
0x40c: {  	_ =	swait.ge [sflag:s7], $0x4000  }
0x40d: {  	s9 =	rddreg [dreg:$0xa]  }
0x40e: {  	s6 =	rddreg [dreg:$0x9];
	s9 =	sadd.s32 $0x1, s9  }
0x40f: {  	p0 =	sne.s32 s9, s6  }
.Ltmp6:
0x410: {  	_ = 	snop;
	(pc) =	sbr.rel @p0 .LBB2_1-.Ltmp6, $3  }
0x411: {  	_ =	sdelay $0x1  }
0x412: {  	[sflag:s7] =	ssyncset.done $0x0  }
0x413: {  	[sflag:s7] =	ssyncadd.s32 $0xFFFFC000  }
0x414: {  	_ =	sfence.sel $0x180000  }
0x415: {  	[bflag:$0x0] =	sbarrier.arrive $0xFFFF  }
0x416: {  	_ =	strace $0x90000047  }
0x417: {  	s0 =	stileid.u32;
	[bflag:$0x2] =	sbarrier.arrive $0xFFFF  }
0x418: {  	p0 =	sne.s32 s0, $0x0;
	s0 =	rddreg [dreg:$0x4]  }
0x419: {  	s0 =	sadd.s32 @!p0 $0x100000, s0  }
0x41a: {  	[sflag:s0] =	ssyncadd.tile.s32 @!p0 $0x1;
	_ =	shalt  }
.Lfunc_end2:
_tile_overlayer_lowered:
.L_overlay_start_2:
0x41b: {  	(tag) =	ssettag $0x2  }
0x41c: {  	s0 =	rddreg [dreg:$0x0];
	s2 =	stileid.u32  }
0x41d: {  	s1 =	rddreg [dreg:$0x1];
	p0 =	sne.s32 s2, $0x0  }
0x41e: {  	s3 =	rddreg [dreg:$0x2];
	[bflag:$0x3] =	sbarrier.arrive $0xFFFF;
	s2 =	simm.s32 @!p0 $0x1C0D  }
0x41f: {  	[timem:s3], [sflag:s2] =	dma.local @!p0 [hbm:s0], s1  }
0x420: {  	s0 =	simm.s32 @!p0 $0xD  }
0x421: {  	_ =	swait.ge @!p0 [sflag:s0], s1  }
0x422: {  	s1 =	ssub.s32 @!p0 $0x0, s1;
	[sflag:s0] =	ssyncset.done @!p0 $0x0  }
0x423: {  	[sflag:s0] =	ssyncadd.s32 @!p0 s1  }
0x424: {  	[bflag:$0x3] =	sbarrier.arrive $0xFFFF  }
0x425: {  	_ =	shalt  }

</sc_bundles>
